<compile_context>
chip_gen: v7x
topology: tpu7x:2x2x1
jax: 0.10.2.dev20260603
libtpu: 0.0.44.dev20260713+nightly
codegen_flags: <defaults>
</compile_context>

<pallas_src>
import functools

import jax
import jax.numpy as jnp
from jax import lax
from jax.experimental import pallas as pl
from jax.experimental.pallas import tpu as pltpu
from jax.experimental.pallas import tpu_sc as plsc

f32 = jnp.float32
i32 = jnp.int32

NN = 10000
NP_ = 10240
EE = 320000
NWK = 32
KC = 128
EPW = 10240
EPAD = NWK * EPW
NCH = EPW // KC
RPT = NP_ // 16
HID = 128

def _sc_mesh():
    return plsc.VectorSubcoreMesh(core_axis_name="c", subcore_axis_name="s",
                                  num_cores=2, num_subcores=16)


def _fill(ref, n, val):
    def body(i, _):
        ref[pl.ds(i * 16, 16)] = jnp.full((16,), val, f32)
        return 0
    lax.fori_loop(0, n // 16, body, 0)


NBUF = 4
NG = NCH // NBUF


def _deg_body(dst_hbm, out_hbm, ones_v, idx_d, tmp_v, acc_sh, *sems):
    c = lax.axis_index("c")
    s = lax.axis_index("s")
    wid = c * 16 + s
    _fill(ones_v, KC, 1.0)
    _fill(tmp_v, RPT, 0.0)
    pltpu.sync_copy(tmp_v, acc_sh.at[pl.ds(s * RPT, RPT)])
    pltpu.sync_copy(dst_hbm.at[pl.ds(wid * NCH, NCH)], idx_d)
    plsc.subcore_barrier()

    def group(g, _):
        ds_ = [pltpu.async_copy(ones_v, acc_sh.at[idx_d.at[g * NBUF + b]],
                                sems[b], add=True) for b in range(NBUF)]
        for d in ds_:
            d.wait()
        return 0
    lax.fori_loop(0, NG, group, 0)

    plsc.subcore_barrier()
    pltpu.sync_copy(acc_sh.at[pl.ds(s * RPT, RPT)], tmp_v)
    pltpu.sync_copy(tmp_v, out_hbm.at[pl.ds(c * NP_ + s * RPT, RPT)])


def _deg_kernel(dst2):
    return pl.kernel(
        _deg_body,
        out_type=jax.ShapeDtypeStruct((2 * NP_,), f32),
        mesh=_sc_mesh(),
        scratch_types=[
            pltpu.VMEM((KC,), f32),
            pltpu.VMEM((NCH, KC), i32),
            pltpu.VMEM((RPT,), f32),
            pltpu.VMEM_SHARED((NP_,), f32),
        ] + [pltpu.SemaphoreType.DMA] * NBUF,
    )(dst2)


CNB = 2
IST = 16
NST = NCH // IST


def _conv1_body(src_hbm, dst_hbm, h0p_hbm, dinv_hbm, s1_hbm, ca_hbm, *sc):
    idx_s, idx_d = sc[0], sc[1]
    rows = sc[2:2 + CNB]
    aval = sc[4:4 + CNB]
    acc_sh, cacc_sh = sc[6], sc[7]
    gsem = sc[8:8 + CNB]
    hsem = sc[10:10 + CNB]
    ssem = sc[12:12 + CNB]
    tsem = sc[14:14 + CNB]
    c = lax.axis_index("c")
    s = lax.axis_index("s")
    wid = c * 16 + s

    def zrow(i, _):
        def zcol(j, _):
            rows[0][i, pl.ds(j * 16, 16)] = jnp.zeros((16,), f32)
            return 0
        lax.fori_loop(0, HID // 16, zcol, 0)
        return 0
    lax.fori_loop(0, KC, zrow, 0)
    _fill(aval[0], KC, 0.0)

    def zacc(k, _):
        pltpu.sync_copy(rows[0], acc_sh.at[pl.ds(s * RPT + k * KC, KC)])
        pltpu.sync_copy(aval[0], cacc_sh.at[pl.ds(s * RPT + k * KC, KC)])
        return 0
    lax.fori_loop(0, RPT // KC, zacc, 0)
    plsc.subcore_barrier()

    def stage(st, _):
        base = wid * NCH + st * IST
        pltpu.sync_copy(src_hbm.at[pl.ds(base, IST)], idx_s)
        pltpu.sync_copy(dst_hbm.at[pl.ds(base, IST)], idx_d)

        def group(g, _):
            gd, hd = [], []
            for b in range(CNB):
                j = g * CNB + b

                @pl.when(g > 0)
                def _():
                    pltpu.make_async_copy(rows[b], acc_sh.at[idx_d.at[j]],
                                          ssem[b]).wait()
                    pltpu.make_async_copy(aval[b], cacc_sh.at[idx_s.at[j]],
                                          tsem[b]).wait()
                gd.append(pltpu.async_copy(h0p_hbm.at[idx_s.at[j]], rows[b],
                                           gsem[b]))
                hd.append(pltpu.async_copy(dinv_hbm.at[idx_d.at[j]], aval[b],
                                           hsem[b]))
            for b in range(CNB):
                j = g * CNB + b
                gd[b].wait()
                pltpu.async_copy(rows[b], acc_sh.at[idx_d.at[j]],
                                 ssem[b], add=True)
                hd[b].wait()
                pltpu.async_copy(aval[b], cacc_sh.at[idx_s.at[j]],
                                 tsem[b], add=True)
            return 0
        lax.fori_loop(0, IST // CNB, group, 0)
        for b in range(CNB):
            pltpu.make_async_copy(rows[b], acc_sh.at[idx_d.at[b]],
                                  ssem[b]).wait()
            pltpu.make_async_copy(aval[b], cacc_sh.at[idx_s.at[b]],
                                  tsem[b]).wait()
        return 0
    lax.fori_loop(0, NST, stage, 0)

    plsc.subcore_barrier()

    def cout(k, _):
        pltpu.sync_copy(acc_sh.at[pl.ds(s * RPT + k * KC, KC)], rows[0])
        pltpu.sync_copy(rows[0], s1_hbm.at[pl.ds(c * NP_ + s * RPT + k * KC, KC)])
        pltpu.sync_copy(cacc_sh.at[pl.ds(s * RPT + k * KC, KC)], aval[0])
        pltpu.sync_copy(aval[0], ca_hbm.at[pl.ds(c * NP_ + s * RPT + k * KC, KC)])
        return 0
    lax.fori_loop(0, RPT // KC, cout, 0)


def _conv1_kernel(src2, dst2, h0p, dinv):
    return pl.kernel(
        _conv1_body,
        out_type=[
            jax.ShapeDtypeStruct((2 * NP_, HID), f32),
            jax.ShapeDtypeStruct((2 * NP_,), f32),
        ],
        mesh=_sc_mesh(),
        scratch_types=[
            pltpu.VMEM((IST, KC), i32),
            pltpu.VMEM((IST, KC), i32),
        ] + [pltpu.VMEM((KC, HID), f32)] * CNB
          + [pltpu.VMEM((KC,), f32)] * CNB
          + [
            pltpu.VMEM_SHARED((NP_, HID), f32),
            pltpu.VMEM_SHARED((NP_,), f32),
        ] + [pltpu.SemaphoreType.DMA] * (4 * CNB),
    )(src2, dst2, h0p, dinv)


def _conv2_body(src_hbm, dst_hbm, hp_hbm, s_hbm, *sc):
    idx_s, idx_d = sc[0], sc[1]
    rows = sc[2:2 + CNB]
    acc_sh = sc[4]
    gsem = sc[5:5 + CNB]
    ssem = sc[7:7 + CNB]
    c = lax.axis_index("c")
    s = lax.axis_index("s")
    wid = c * 16 + s

    def zrow(i, _):
        def zcol(j, _):
            rows[0][i, pl.ds(j * 16, 16)] = jnp.zeros((16,), f32)
            return 0
        lax.fori_loop(0, HID // 16, zcol, 0)
        return 0
    lax.fori_loop(0, KC, zrow, 0)

    def zacc(k, _):
        pltpu.sync_copy(rows[0], acc_sh.at[pl.ds(s * RPT + k * KC, KC)])
        return 0
    lax.fori_loop(0, RPT // KC, zacc, 0)
    plsc.subcore_barrier()

    def stage(st, _):
        base = wid * NCH + st * IST
        pltpu.sync_copy(src_hbm.at[pl.ds(base, IST)], idx_s)
        pltpu.sync_copy(dst_hbm.at[pl.ds(base, IST)], idx_d)

        def group(g, _):
            gd = []
            for b in range(CNB):
                j = g * CNB + b

                @pl.when(g > 0)
                def _():
                    pltpu.make_async_copy(rows[b], acc_sh.at[idx_d.at[j]],
                                          ssem[b]).wait()
                gd.append(pltpu.async_copy(hp_hbm.at[idx_s.at[j]], rows[b],
                                           gsem[b]))
            for b in range(CNB):
                j = g * CNB + b
                gd[b].wait()
                pltpu.async_copy(rows[b], acc_sh.at[idx_d.at[j]],
                                 ssem[b], add=True)
            return 0
        lax.fori_loop(0, IST // CNB, group, 0)
        for b in range(CNB):
            pltpu.make_async_copy(rows[b], acc_sh.at[idx_d.at[b]],
                                  ssem[b]).wait()
        return 0
    lax.fori_loop(0, NST, stage, 0)

    plsc.subcore_barrier()

    def cout(k, _):
        pltpu.sync_copy(acc_sh.at[pl.ds(s * RPT + k * KC, KC)], rows[0])
        pltpu.sync_copy(rows[0], s_hbm.at[pl.ds(c * NP_ + s * RPT + k * KC, KC)])
        return 0
    lax.fori_loop(0, RPT // KC, cout, 0)


def _conv2_kernel(src2, dst2, h2p):
    return pl.kernel(
        _conv2_body,
        out_type=jax.ShapeDtypeStruct((2 * NP_, HID), f32),
        mesh=_sc_mesh(),
        scratch_types=[
            pltpu.VMEM((IST, KC), i32),
            pltpu.VMEM((IST, KC), i32),
        ] + [pltpu.VMEM((KC, HID), f32)] * CNB
          + [pltpu.VMEM_SHARED((NP_, HID), f32)]
          + [pltpu.SemaphoreType.DMA] * (2 * CNB),
    )(src2, dst2, h2p)


BR = 512
GRID = NP_ // BR


def _tc0_body(x_ref, w1_ref, h0_ref):
    h0_ref[...] = jnp.dot(x_ref[...], w1_ref[...], preferred_element_type=f32)


def _tc0(x, w1):
    return pl.pallas_call(
        _tc0_body,
        grid=(GRID,),
        in_specs=[
            pl.BlockSpec((BR, HID), lambda i: (i, 0)),
            pl.BlockSpec((HID, HID), lambda i: (0, 0)),
        ],
        out_specs=pl.BlockSpec((BR, HID), lambda i: (i, 0)),
        out_shape=jax.ShapeDtypeStruct((NP_, HID), f32),
    )(x, w1)


def _tc1_body(h0_ref, dega_ref, degb_ref, h0p_ref, dinv_ref):
    deg = dega_ref[0] + degb_ref[0] + 1.0
    dinv = 1.0 / jnp.sqrt(deg)
    h0p_ref[...] = h0_ref[...] * dinv
    dinv_ref[...] = dinv


def _tc1(h0, degp):
    return pl.pallas_call(
        _tc1_body,
        grid=(GRID,),
        in_specs=[
            pl.BlockSpec((BR, HID), lambda i: (i, 0)),
            pl.BlockSpec((1, BR, 1), lambda i: (0, i, 0)),
            pl.BlockSpec((1, BR, 1), lambda i: (1, i, 0)),
        ],
        out_specs=[
            pl.BlockSpec((BR, HID), lambda i: (i, 0)),
            pl.BlockSpec((BR, 1), lambda i: (i, 0)),
        ],
        out_shape=[
            jax.ShapeDtypeStruct((NP_, HID), f32),
            jax.ShapeDtypeStruct((NP_, 1), f32),
        ],
    )(h0, degp, degp)


def _bf(a):
    return a.astype(jnp.bfloat16).astype(f32)


def _tc2_body(s1a_ref, s1b_ref, h0p_ref, dinv_ref, ca_ref, cb_ref, b1_ref,
              rates_ref, we1_ref, be1_ref, we2_ref, be2_ref,
              w2a_ref, w2b_ref, h2p_ref, w_ref):
    i = pl.program_id(0)
    rows = lax.broadcasted_iota(i32, (BR, 1), 0) + i * BR
    m = (rows < NN).astype(f32)
    dinv = dinv_ref[...]
    s1 = s1a_ref[0] + s1b_ref[0]
    g1 = jnp.maximum(dinv * (s1 + h0p_ref[...]) + b1_ref[...], 0.0) * m
    cc = ca_ref[0] + cb_ref[0]
    w_ref[...] = (cc + dinv) * dinv * m
    dot = functools.partial(jnp.dot, preferred_element_type=f32)
    hdot = functools.partial(jnp.dot, preferred_element_type=f32,
                             precision=lax.Precision.HIGHEST)
    r = jnp.maximum(dot(rates_ref[...], we1_ref[...]) + be1_ref[...], 0.0)
    r = dot(r, we2_ref[...]) + be2_ref[...]
    h2 = hdot(_bf(g1), _bf(w2a_ref[...])) + hdot(_bf(r), _bf(w2b_ref[...]))
    h2p_ref[...] = h2 * dinv * m


def _tc2(s1p, h0p, dinv, cp, smalls):
    full = lambda a: pl.BlockSpec(a.shape, lambda i: tuple(0 for _ in a.shape))
    return pl.pallas_call(
        _tc2_body,
        grid=(GRID,),
        in_specs=[
            pl.BlockSpec((1, BR, HID), lambda i: (0, i, 0)),
            pl.BlockSpec((1, BR, HID), lambda i: (1, i, 0)),
            pl.BlockSpec((BR, HID), lambda i: (i, 0)),
            pl.BlockSpec((BR, 1), lambda i: (i, 0)),
            pl.BlockSpec((1, BR, 1), lambda i: (0, i, 0)),
            pl.BlockSpec((1, BR, 1), lambda i: (1, i, 0)),
        ] + [full(a) for a in smalls],
        out_specs=[
            pl.BlockSpec((BR, HID), lambda i: (i, 0)),
            pl.BlockSpec((BR, 1), lambda i: (i, 0)),
        ],
        out_shape=[
            jax.ShapeDtypeStruct((NP_, HID), f32),
            jax.ShapeDtypeStruct((NP_, 1), f32),
        ],
    )(s1p, s1p, h0p, dinv, cp, cp, *smalls)


def _tc3_body(s2a_ref, s2b_ref, h2p_ref, dinv_ref, w_ref,
              b2_ref, w3_ref, b3_ref,
              wh_ref, bh_ref, wh2_ref, bh2_ref, wf_ref, bf_ref,
              out_ref, tacc):
    i = pl.program_id(0)

    @pl.when(i == 0)
    def _():
        tacc[...] = jnp.zeros((1, HID), f32)

    s2 = s2a_ref[0] + s2b_ref[0]
    g2 = dinv_ref[...] * (s2 + h2p_ref[...]) + b2_ref[...]
    tacc[...] += jnp.sum(w_ref[...] * _bf(g2), axis=0, keepdims=True)

    @pl.when(i == pl.num_programs(0) - 1)
    def _():
        dot = functools.partial(jnp.dot, preferred_element_type=f32)
        hdot = functools.partial(jnp.dot, preferred_element_type=f32,
                                 precision=lax.Precision.HIGHEST)
        pool = hdot(tacc[...], _bf(w3_ref[...])) * (1.0 / NN) + b3_ref[...]
        z = jnp.maximum(dot(pool, wh_ref[...]) + bh_ref[...], 0.0)
        z = jnp.maximum(dot(z, wh2_ref[...]) + bh2_ref[...], 0.0)
        out_ref[...] = dot(z, wf_ref[...]) + bf_ref[...]


def _tc3(s2p, h2p, dinv, w, smalls):
    full = lambda a: pl.BlockSpec(a.shape, lambda i: tuple(0 for _ in a.shape))
    return pl.pallas_call(
        _tc3_body,
        grid=(GRID,),
        in_specs=[
            pl.BlockSpec((1, BR, HID), lambda i: (0, i, 0)),
            pl.BlockSpec((1, BR, HID), lambda i: (1, i, 0)),
            pl.BlockSpec((BR, HID), lambda i: (i, 0)),
            pl.BlockSpec((BR, 1), lambda i: (i, 0)),
            pl.BlockSpec((BR, 1), lambda i: (i, 0)),
        ] + [full(a) for a in smalls],
        out_specs=pl.BlockSpec((1, 2), lambda i: (0, 0)),
        out_shape=jax.ShapeDtypeStruct((1, 2), f32),
        scratch_shapes=[pltpu.VMEM((1, HID), f32)],
    )(s2p, s2p, h2p, dinv, w, *smalls)


def kernel(graph, edge_index, rates, W1, b1, We1, be1, We2, be2, W2, b2,
           W3, b3, Wh, bh, Wh2, bh2, Wf, bf):
    pad = EPAD - EE
    padi = NN + jnp.arange(pad, dtype=i32) % (NP_ - NN)
    src = jnp.concatenate([edge_index[0], padi])
    dst = jnp.concatenate([edge_index[1], padi])
    src2 = src.reshape(NWK * NCH, KC)
    dst2 = dst.reshape(NWK * NCH, KC)
    x = jnp.pad(graph, ((0, NP_ - NN), (0, 0)))

    h0 = _tc0(x, W1)
    degp = _deg_kernel(dst2)
    h0p, dinv = _tc1(h0, degp.reshape(2, NP_, 1))
    s1p, cp = _conv1_kernel(src2, dst2, h0p, dinv.reshape(NP_))
    smalls2 = (b1.reshape(1, HID), rates.reshape(1, 16), We1,
               be1.reshape(1, 8), We2, be2.reshape(1, HID),
               W2[:HID], W2[HID:])
    h2p, w = _tc2(s1p.reshape(2, NP_, HID), h0p, dinv,
                  cp.reshape(2, NP_, 1), smalls2)
    s2p = _conv2_kernel(src2, dst2, h2p)
    smalls3 = (b2.reshape(1, HID), W3, b3.reshape(1, HID), Wh,
               bh.reshape(1, 2 * HID), Wh2, bh2.reshape(1, HID), Wf,
               bf.reshape(1, 2))
    return _tc3(s2p.reshape(2, NP_, HID), h2p, dinv, w, smalls3)

# --- scband reference (transcript-rebuilt; emitter-appended) ---
"""Pipeline reference for scband-gcncomplex-moments-21930103013893 (READ-ONLY COPY).

The authoritative reference and input builder live on the scoring server;
editing this copy changes nothing except your own understanding.
"""

import jax, jax.numpy as jnp
import numpy as np

N = 10000
E = 320000
NIN = 128
HID = 128
NR = 16
EMB = 8
NOUT = 2

def _gcn_conv(x, edge_index, W, b):
    # PyG GCNConv: add self-loops, symmetric normalization D^-1/2 (A+I) D^-1/2 X W + b
    n = x.shape[0]
    loop = jnp.arange(n, dtype=edge_index.dtype)
    src = jnp.concatenate([edge_index[0], loop])
    dst = jnp.concatenate([edge_index[1], loop])
    deg = jax.ops.segment_sum(jnp.ones_like(src, dtype=x.dtype), dst, num_segments=n)
    dinv = jnp.where(deg > 0, 1.0 / jnp.sqrt(deg), 0.0)
    norm = dinv[src] * dinv[dst]
    h = x @ W
    msg = h[src] * norm[:, None]
    out = jax.ops.segment_sum(msg, dst, num_segments=n)
    return out + b

def setup_inputs(seed: int = 0):
    key = jax.random.key(seed)
    ks = jax.random.split(key, 16)
    def w(k, shape):
        return jax.random.uniform(k, shape, jnp.float32, -1.0, 1.0) / np.sqrt(shape[0])
    inp = {}
    inp['graph'] = jax.random.normal(ks[0], (N, NIN), jnp.float32)
    inp['edge_index'] = jax.random.randint(ks[1], (2, E), 0, N, jnp.int32)
    inp['rates'] = jax.random.normal(ks[2], (NR,), jnp.float32)
    inp['W1'] = w(ks[3], (NIN, HID)); inp['b1'] = jnp.zeros((HID,), jnp.float32)
    inp['We1'] = w(ks[4], (NR, EMB)); inp['be1'] = jnp.zeros((EMB,), jnp.float32)
    inp['We2'] = w(ks[5], (EMB, HID)); inp['be2'] = jnp.zeros((HID,), jnp.float32)
    inp['W2'] = w(ks[6], (2 * HID, HID)); inp['b2'] = jnp.zeros((HID,), jnp.float32)
    inp['W3'] = w(ks[7], (HID, HID)); inp['b3'] = jnp.zeros((HID,), jnp.float32)
    inp['Wh'] = w(ks[8], (HID, 2 * HID)); inp['bh'] = jnp.zeros((2 * HID,), jnp.float32)
    inp['Wh2'] = w(ks[9], (2 * HID, HID)); inp['bh2'] = jnp.zeros((HID,), jnp.float32)
    inp['Wf'] = w(ks[10], (HID, NOUT)); inp['bf'] = jnp.zeros((NOUT,), jnp.float32)
    return inp

def reference(graph, edge_index, rates, W1, b1, We1, be1, We2, be2, W2, b2, W3, b3, Wh, bh, Wh2, bh2, Wf, bf):
    g = jax.nn.relu(_gcn_conv(graph, edge_index, W1, b1))
    # dropout is identity in eval mode
    r = jax.nn.relu(rates @ We1 + be1) @ We2 + be2
    g = jnp.concatenate([g, jnp.broadcast_to(r[None, :], (g.shape[0], r.shape[0]))], axis=1)
    g = _gcn_conv(g, edge_index, W2, b2)
    g = _gcn_conv(g, edge_index, W3, b3)
    g = jnp.mean(g, axis=0, keepdims=True)  # global_mean_pool with batch=None
    g = jax.nn.relu(g @ Wh + bh)
    g = jax.nn.relu(g @ Wh2 + bh2)
    return g @ Wf + bf

if __name__ == "__main__":
    import jax
    _d = setup_inputs()
    print(jax.jit(kernel)(*tuple(_d.values())))

</pallas_src>

<mosaic_0001>
#map = affine_map<(d0, d1) -> (0, 0)>
#map1 = affine_map<(d0, d1) -> (0)>
module attributes {stable_mosaic.version = 14 : i64} {
  func.func @_deg_body(%arg0: i32, %arg1: i32, %arg2: memref<2560x128xi32, #tpu.memory_space<hbm>>, %arg3: memref<20480xf32, #tpu.memory_space<hbm>>, %arg4: memref<128xf32, #tpu.memory_space<vmem>>, %arg5: memref<80x128xi32, #tpu.memory_space<vmem>>, %arg6: memref<640xf32, #tpu.memory_space<vmem>>, %arg7: memref<10240xf32, #tpu.memory_space<vmem_shared>>, %arg8: memref<!tpu.dma_semaphore, #tpu.memory_space<semaphore_mem>>, %arg9: memref<!tpu.dma_semaphore, #tpu.memory_space<semaphore_mem>>, %arg10: memref<!tpu.dma_semaphore, #tpu.memory_space<semaphore_mem>>, %arg11: memref<!tpu.dma_semaphore, #tpu.memory_space<semaphore_mem>>) attributes {dimension_semantics = [#tpu.dimension_semantics<core_parallel>, #tpu.dimension_semantics<subcore_parallel>], iteration_bounds = array<i64: 2, 16>, scalar_prefetch = 0 : i64, scratch_operands = 8 : i64, tpu.core_type = #tpu.core_type<sc_vector_subcore>, window_params = [{transform_indices = #map}, {transform_indices = #map1}]} {
    %mul3A = arith.constant 16 : i32
    %mul3A_0 = arith.muli %arg0, %mul3A : i32
    %add3A = arith.addi %mul3A_0, %arg1 : i32
    %scan3A = arith.constant 0 : i32
    %scan3A_1 = arith.constant 0 : i32
    %scan3A_2 = arith.constant 8 : i32
    %scan3A_3 = arith.addi %scan3A_1, %scan3A_2 : i32
    %scan3A_4 = arith.constant 1 : i32
    %scan3A_5 = scf.for %scan3A_33 = %scan3A_1 to %scan3A_3 step %scan3A_4 iter_args(%scan3A_34 = %scan3A) -> (i32)  : i32 {
      %broadcast_in_dim3A = arith.constant 1.000000e+00 : f32
      %broadcast_in_dim3A_35 = vector.broadcast %broadcast_in_dim3A : f32 to vector<16xf32>
      %mul3A_36 = arith.constant 16 : i32
      %mul3A_37 = arith.muli %scan3A_33, %mul3A_36 : i32
      %swap3A = arith.index_cast %mul3A_37 : i32 to index
      %swap3A_38 = tpu.vector_load %arg4[%swap3A] {strides = array<i32>} : memref<128xf32, #tpu.memory_space<vmem>>, vector<16xf32>,
      %swap3A_39 = vector.shape_cast %swap3A_38 : vector<16xf32> to vector<16xf32>
      %swap3A_40 = vector.shape_cast %broadcast_in_dim3A_35 : vector<16xf32> to vector<16xf32>
      tpu.vector_store %arg4[%swap3A], %swap3A_40 {strides = array<i32>} : memref<128xf32, #tpu.memory_space<vmem>>, vector<16xf32>,
      %scan3A_41 = arith.constant 0 : i32
      scf.yield %scan3A_41 : i32
    }
    %scan3A_6 = arith.constant 8 : i32
    %scan3A_7 = arith.constant 0 : i32
    %scan3A_8 = arith.constant 0 : i32
    %scan3A_9 = arith.constant 40 : i32
    %scan3A_10 = arith.addi %scan3A_8, %scan3A_9 : i32
    %scan3A_11 = arith.constant 1 : i32
    %scan3A_12 = scf.for %scan3A_33 = %scan3A_8 to %scan3A_10 step %scan3A_11 iter_args(%scan3A_34 = %scan3A_7) -> (i32)  : i32 {
      %broadcast_in_dim3A = arith.constant 0.000000e+00 : f32
      %broadcast_in_dim3A_35 = vector.broadcast %broadcast_in_dim3A : f32 to vector<16xf32>
      %mul3A_36 = arith.constant 16 : i32
      %mul3A_37 = arith.muli %scan3A_33, %mul3A_36 : i32
      %swap3A = arith.index_cast %mul3A_37 : i32 to index
      %swap3A_38 = tpu.vector_load %arg6[%swap3A] {strides = array<i32>} : memref<640xf32, #tpu.memory_space<vmem>>, vector<16xf32>,
      %swap3A_39 = vector.shape_cast %swap3A_38 : vector<16xf32> to vector<16xf32>
      %swap3A_40 = vector.shape_cast %broadcast_in_dim3A_35 : vector<16xf32> to vector<16xf32>
      tpu.vector_store %arg6[%swap3A], %swap3A_40 {strides = array<i32>} : memref<640xf32, #tpu.memory_space<vmem>>, vector<16xf32>,
      %scan3A_41 = arith.constant 0 : i32
      scf.yield %scan3A_41 : i32
    }
    %scan3A_13 = arith.constant 40 : i32
    %mul3A_14 = arith.constant 640 : i32
    %mul3A_15 = arith.muli %arg1, %mul3A_14 : i32
    "tpu.region"() ({
      %run_scoped3A = tpu.sem_alloc : memref<!tpu.dma_semaphore, #tpu.memory_space<semaphore_mem>>
      %dma_start3A = tpu.memref_slice %arg7[%mul3A_15] : memref<10240xf32, #tpu.memory_space<vmem_shared>> -> memref<640xf32, #tpu.memory_space<vmem_shared>>
      %dma_start3A_33 = tpu.memref_slice %arg7[%mul3A_15] : memref<10240xf32, #tpu.memory_space<vmem_shared>> -> memref<640xf32, #tpu.memory_space<vmem_shared>>
      tpu.enqueue_dma source(%arg6 : memref<640xf32, #tpu.memory_space<vmem>>) target(%dma_start3A_33 : memref<640xf32, #tpu.memory_space<vmem_shared>>) target_semaphore(%run_scoped3A : memref<!tpu.dma_semaphore, #tpu.memory_space<semaphore_mem>>)
      %dma_wait3A = tpu.memref_slice %arg7[%mul3A_15] : memref<10240xf32, #tpu.memory_space<vmem_shared>> -> memref<640xf32, #tpu.memory_space<vmem_shared>>
      %dma_wait3A_34 = tpu.memref_slice %arg7[%mul3A_15] : memref<10240xf32, #tpu.memory_space<vmem_shared>> -> memref<640xf32, #tpu.memory_space<vmem_shared>>
      tpu.wait_dma2 semaphore(%run_scoped3A : memref<!tpu.dma_semaphore, #tpu.memory_space<semaphore_mem>>) src(%arg6 : memref<640xf32, #tpu.memory_space<vmem>>) dst(%dma_wait3A_34 : memref<640xf32, #tpu.memory_space<vmem_shared>>)
      tpu.yield
    }) : () -> ()
    %mul3A_16 = arith.constant 80 : i32
    %mul3A_17 = arith.muli %add3A, %mul3A_16 : i32
    "tpu.region"() ({
      %run_scoped3A = tpu.sem_alloc : memref<!tpu.dma_semaphore, #tpu.memory_space<semaphore_mem>>
      %dma_start3A = arith.constant 0 : i32
      %dma_start3A_33 = tpu.memref_slice %arg2[%mul3A_17, %dma_start3A] : memref<2560x128xi32, #tpu.memory_space<hbm>> -> memref<80x128xi32, #tpu.memory_space<hbm>>
      %dma_start3A_34 = arith.constant 0 : i32
      %dma_start3A_35 = tpu.memref_slice %arg2[%mul3A_17, %dma_start3A_34] : memref<2560x128xi32, #tpu.memory_space<hbm>> -> memref<80x128xi32, #tpu.memory_space<hbm>>
      tpu.enqueue_dma source(%dma_start3A_35 : memref<80x128xi32, #tpu.memory_space<hbm>>) target(%arg5 : memref<80x128xi32, #tpu.memory_space<vmem>>) target_semaphore(%run_scoped3A : memref<!tpu.dma_semaphore, #tpu.memory_space<semaphore_mem>>)
      %dma_wait3A = arith.constant 0 : i32
      %dma_wait3A_36 = tpu.memref_slice %arg2[%mul3A_17, %dma_wait3A] : memref<2560x128xi32, #tpu.memory_space<hbm>> -> memref<80x128xi32, #tpu.memory_space<hbm>>
      %dma_wait3A_37 = arith.constant 0 : i32
      %dma_wait3A_38 = tpu.memref_slice %arg2[%mul3A_17, %dma_wait3A_37] : memref<2560x128xi32, #tpu.memory_space<hbm>> -> memref<80x128xi32, #tpu.memory_space<hbm>>
      tpu.wait_dma2 semaphore(%run_scoped3A : memref<!tpu.dma_semaphore, #tpu.memory_space<semaphore_mem>>) src(%dma_wait3A_38 : memref<80x128xi32, #tpu.memory_space<hbm>>) dst(%arg5 : memref<80x128xi32, #tpu.memory_space<vmem>>)
      tpu.yield
    }) : () -> ()
    %barrier3A = arith.constant 0 : index
    tpu.barrier barrier_id(%barrier3A)
    %scan3A_18 = arith.constant 0 : i32
    %scan3A_19 = arith.constant 0 : i32
    %scan3A_20 = arith.constant 20 : i32
    %scan3A_21 = arith.addi %scan3A_19, %scan3A_20 : i32
    %scan3A_22 = arith.constant 1 : i32
    %scan3A_23 = scf.for %scan3A_33 = %scan3A_19 to %scan3A_21 step %scan3A_22 iter_args(%scan3A_34 = %scan3A_18) -> (i32)  : i32 {
      %mul3A_35 = arith.constant 4 : i32
      %mul3A_36 = arith.muli %scan3A_33, %mul3A_35 : i32
      %add3A_37 = arith.constant 0 : i32
      %add3A_38 = arith.addi %mul3A_36, %add3A_37 : i32
      %dma_start3A = arith.constant 0 : i32
      %dma_start3A_39 = tpu.memref_slice %arg5[%add3A_38, %dma_start3A] : memref<80x128xi32, #tpu.memory_space<vmem>> -> memref<1x128xi32, #tpu.memory_space<vmem>>
      %dma_start3A_40 = tpu.memref_squeeze %dma_start3A_39 : memref<1x128xi32, #tpu.memory_space<vmem>> -> memref<128xi32, #tpu.memory_space<vmem>>
      %dma_start3A_41 = arith.constant 0 : i32
      %dma_start3A_42 = tpu.memref_slice %arg7[%dma_start3A_41] : memref<10240xf32, #tpu.memory_space<vmem_shared>> -> memref<10240xf32, #tpu.memory_space<vmem_shared>>
      tpu.enqueue_indirect_dma source(%arg4 : memref<128xf32, #tpu.memory_space<vmem>>) target(%dma_start3A_42 : memref<10240xf32, #tpu.memory_space<vmem_shared>>) offsets(%dma_start3A_40 : memref<128xi32, #tpu.memory_space<vmem>>) semaphore(%arg8 : memref<!tpu.dma_semaphore, #tpu.memory_space<semaphore_mem>>) {add = true}
      %mul3A_43 = arith.constant 4 : i32
      %mul3A_44 = arith.muli %scan3A_33, %mul3A_43 : i32
      %add3A_45 = arith.constant 1 : i32
      %add3A_46 = arith.addi %mul3A_44, %add3A_45 : i32
      %dma_start3A_47 = arith.constant 0 : i32
      %dma_start3A_48 = tpu.memref_slice %arg5[%add3A_46, %dma_start3A_47] : memref<80x128xi32, #tpu.memory_space<vmem>> -> memref<1x128xi32, #tpu.memory_space<vmem>>
      %dma_start3A_49 = tpu.memref_squeeze %dma_start3A_48 : memref<1x128xi32, #tpu.memory_space<vmem>> -> memref<128xi32, #tpu.memory_space<vmem>>
      %dma_start3A_50 = arith.constant 0 : i32
      %dma_start3A_51 = tpu.memref_slice %arg7[%dma_start3A_50] : memref<10240xf32, #tpu.memory_space<vmem_shared>> -> memref<10240xf32, #tpu.memory_space<vmem_shared>>
      tpu.enqueue_indirect_dma source(%arg4 : memref<128xf32, #tpu.memory_space<vmem>>) target(%dma_start3A_51 : memref<10240xf32, #tpu.memory_space<vmem_shared>>) offsets(%dma_start3A_49 : memref<128xi32, #tpu.memory_space<vmem>>) semaphore(%arg9 : memref<!tpu.dma_semaphore, #tpu.memory_space<semaphore_mem>>) {add = true}
      %mul3A_52 = arith.constant 4 : i32
      %mul3A_53 = arith.muli %scan3A_33, %mul3A_52 : i32
      %add3A_54 = arith.constant 2 : i32
      %add3A_55 = arith.addi %mul3A_53, %add3A_54 : i32
      %dma_start3A_56 = arith.constant 0 : i32
      %dma_start3A_57 = tpu.memref_slice %arg5[%add3A_55, %dma_start3A_56] : memref<80x128xi32, #tpu.memory_space<vmem>> -> memref<1x128xi32, #tpu.memory_space<vmem>>
      %dma_start3A_58 = tpu.memref_squeeze %dma_start3A_57 : memref<1x128xi32, #tpu.memory_space<vmem>> -> memref<128xi32, #tpu.memory_space<vmem>>
      %dma_start3A_59 = arith.constant 0 : i32
      %dma_start3A_60 = tpu.memref_slice %arg7[%dma_start3A_59] : memref<10240xf32, #tpu.memory_space<vmem_shared>> -> memref<10240xf32, #tpu.memory_space<vmem_shared>>
      tpu.enqueue_indirect_dma source(%arg4 : memref<128xf32, #tpu.memory_space<vmem>>) target(%dma_start3A_60 : memref<10240xf32, #tpu.memory_space<vmem_shared>>) offsets(%dma_start3A_58 : memref<128xi32, #tpu.memory_space<vmem>>) semaphore(%arg10 : memref<!tpu.dma_semaphore, #tpu.memory_space<semaphore_mem>>) {add = true}
      %mul3A_61 = arith.constant 4 : i32
      %mul3A_62 = arith.muli %scan3A_33, %mul3A_61 : i32
      %add3A_63 = arith.constant 3 : i32
      %add3A_64 = arith.addi %mul3A_62, %add3A_63 : i32
      %dma_start3A_65 = arith.constant 0 : i32
      %dma_start3A_66 = tpu.memref_slice %arg5[%add3A_64, %dma_start3A_65] : memref<80x128xi32, #tpu.memory_space<vmem>> -> memref<1x128xi32, #tpu.memory_space<vmem>>
      %dma_start3A_67 = tpu.memref_squeeze %dma_start3A_66 : memref<1x128xi32, #tpu.memory_space<vmem>> -> memref<128xi32, #tpu.memory_space<vmem>>
      %dma_start3A_68 = arith.constant 0 : i32
      %dma_start3A_69 = tpu.memref_slice %arg7[%dma_start3A_68] : memref<10240xf32, #tpu.memory_space<vmem_shared>> -> memref<10240xf32, #tpu.memory_space<vmem_shared>>
      tpu.enqueue_indirect_dma source(%arg4 : memref<128xf32, #tpu.memory_space<vmem>>) target(%dma_start3A_69 : memref<10240xf32, #tpu.memory_space<vmem_shared>>) offsets(%dma_start3A_67 : memref<128xi32, #tpu.memory_space<vmem>>) semaphore(%arg11 : memref<!tpu.dma_semaphore, #tpu.memory_space<semaphore_mem>>) {add = true}
      %dma_wait3A = arith.constant 0 : i32
      %dma_wait3A_70 = tpu.memref_slice %arg5[%add3A_38, %dma_wait3A] : memref<80x128xi32, #tpu.memory_space<vmem>> -> memref<1x128xi32, #tpu.memory_space<vmem>>
      %dma_wait3A_71 = tpu.memref_squeeze %dma_wait3A_70 : memref<1x128xi32, #tpu.memory_space<vmem>> -> memref<128xi32, #tpu.memory_space<vmem>>
      %dma_wait3A_72 = arith.constant 0 : i32
      %dma_wait3A_73 = tpu.memref_slice %arg7[%dma_wait3A_72] : memref<10240xf32, #tpu.memory_space<vmem_shared>> -> memref<10240xf32, #tpu.memory_space<vmem_shared>>
      tpu.wait_indirect_dma semaphore(%arg8 : memref<!tpu.dma_semaphore, #tpu.memory_space<semaphore_mem>>) src(%arg4 : memref<128xf32, #tpu.memory_space<vmem>>) dst(%dma_wait3A_73 : memref<10240xf32, #tpu.memory_space<vmem_shared>>)
      %dma_wait3A_74 = arith.constant 0 : i32
      %dma_wait3A_75 = tpu.memref_slice %arg5[%add3A_46, %dma_wait3A_74] : memref<80x128xi32, #tpu.memory_space<vmem>> -> memref<1x128xi32, #tpu.memory_space<vmem>>
      %dma_wait3A_76 = tpu.memref_squeeze %dma_wait3A_75 : memref<1x128xi32, #tpu.memory_space<vmem>> -> memref<128xi32, #tpu.memory_space<vmem>>
      %dma_wait3A_77 = arith.constant 0 : i32
      %dma_wait3A_78 = tpu.memref_slice %arg7[%dma_wait3A_77] : memref<10240xf32, #tpu.memory_space<vmem_shared>> -> memref<10240xf32, #tpu.memory_space<vmem_shared>>
      tpu.wait_indirect_dma semaphore(%arg9 : memref<!tpu.dma_semaphore, #tpu.memory_space<semaphore_mem>>) src(%arg4 : memref<128xf32, #tpu.memory_space<vmem>>) dst(%dma_wait3A_78 : memref<10240xf32, #tpu.memory_space<vmem_shared>>)
      %dma_wait3A_79 = arith.constant 0 : i32
      %dma_wait3A_80 = tpu.memref_slice %arg5[%add3A_55, %dma_wait3A_79] : memref<80x128xi32, #tpu.memory_space<vmem>> -> memref<1x128xi32, #tpu.memory_space<vmem>>
      %dma_wait3A_81 = tpu.memref_squeeze %dma_wait3A_80 : memref<1x128xi32, #tpu.memory_space<vmem>> -> memref<128xi32, #tpu.memory_space<vmem>>
      %dma_wait3A_82 = arith.constant 0 : i32
      %dma_wait3A_83 = tpu.memref_slice %arg7[%dma_wait3A_82] : memref<10240xf32, #tpu.memory_space<vmem_shared>> -> memref<10240xf32, #tpu.memory_space<vmem_shared>>
      tpu.wait_indirect_dma semaphore(%arg10 : memref<!tpu.dma_semaphore, #tpu.memory_space<semaphore_mem>>) src(%arg4 : memref<128xf32, #tpu.memory_space<vmem>>) dst(%dma_wait3A_83 : memref<10240xf32, #tpu.memory_space<vmem_shared>>)
      %dma_wait3A_84 = arith.constant 0 : i32
      %dma_wait3A_85 = tpu.memref_slice %arg5[%add3A_64, %dma_wait3A_84] : memref<80x128xi32, #tpu.memory_space<vmem>> -> memref<1x128xi32, #tpu.memory_space<vmem>>
      %dma_wait3A_86 = tpu.memref_squeeze %dma_wait3A_85 : memref<1x128xi32, #tpu.memory_space<vmem>> -> memref<128xi32, #tpu.memory_space<vmem>>
      %dma_wait3A_87 = arith.constant 0 : i32
      %dma_wait3A_88 = tpu.memref_slice %arg7[%dma_wait3A_87] : memref<10240xf32, #tpu.memory_space<vmem_shared>> -> memref<10240xf32, #tpu.memory_space<vmem_shared>>
      tpu.wait_indirect_dma semaphore(%arg11 : memref<!tpu.dma_semaphore, #tpu.memory_space<semaphore_mem>>) src(%arg4 : memref<128xf32, #tpu.memory_space<vmem>>) dst(%dma_wait3A_88 : memref<10240xf32, #tpu.memory_space<vmem_shared>>)
      %scan3A_89 = arith.constant 0 : i32
      scf.yield %scan3A_89 : i32
    }
    %scan3A_24 = arith.constant 20 : i32
    %barrier3A_25 = arith.constant 0 : index
    tpu.barrier barrier_id(%barrier3A_25)
    %mul3A_26 = arith.constant 640 : i32
    %mul3A_27 = arith.muli %arg1, %mul3A_26 : i32
    "tpu.region"() ({
      %run_scoped3A = tpu.sem_alloc : memref<!tpu.dma_semaphore, #tpu.memory_space<semaphore_mem>>
      %dma_start3A = tpu.memref_slice %arg7[%mul3A_27] : memref<10240xf32, #tpu.memory_space<vmem_shared>> -> memref<640xf32, #tpu.memory_space<vmem_shared>>
      %dma_start3A_33 = tpu.memref_slice %arg7[%mul3A_27] : memref<10240xf32, #tpu.memory_space<vmem_shared>> -> memref<640xf32, #tpu.memory_space<vmem_shared>>
      tpu.enqueue_dma source(%dma_start3A_33 : memref<640xf32, #tpu.memory_space<vmem_shared>>) target(%arg6 : memref<640xf32, #tpu.memory_space<vmem>>) target_semaphore(%run_scoped3A : memref<!tpu.dma_semaphore, #tpu.memory_space<semaphore_mem>>)
      %dma_wait3A = tpu.memref_slice %arg7[%mul3A_27] : memref<10240xf32, #tpu.memory_space<vmem_shared>> -> memref<640xf32, #tpu.memory_space<vmem_shared>>
      %dma_wait3A_34 = tpu.memref_slice %arg7[%mul3A_27] : memref<10240xf32, #tpu.memory_space<vmem_shared>> -> memref<640xf32, #tpu.memory_space<vmem_shared>>
      tpu.wait_dma2 semaphore(%run_scoped3A : memref<!tpu.dma_semaphore, #tpu.memory_space<semaphore_mem>>) src(%dma_wait3A_34 : memref<640xf32, #tpu.memory_space<vmem_shared>>) dst(%arg6 : memref<640xf32, #tpu.memory_space<vmem>>)
      tpu.yield
    }) : () -> ()
    %mul3A_28 = arith.constant 10240 : i32
    %mul3A_29 = arith.muli %arg0, %mul3A_28 : i32
    %mul3A_30 = arith.constant 640 : i32
    %mul3A_31 = arith.muli %arg1, %mul3A_30 : i32
    %add3A_32 = arith.addi %mul3A_29, %mul3A_31 : i32
    "tpu.region"() ({
      %run_scoped3A = tpu.sem_alloc : memref<!tpu.dma_semaphore, #tpu.memory_space<semaphore_mem>>
      %dma_start3A = tpu.memref_slice %arg3[%add3A_32] : memref<20480xf32, #tpu.memory_space<hbm>> -> memref<640xf32, #tpu.memory_space<hbm>>
      %dma_start3A_33 = tpu.memref_slice %arg3[%add3A_32] : memref<20480xf32, #tpu.memory_space<hbm>> -> memref<640xf32, #tpu.memory_space<hbm>>
      tpu.enqueue_dma source(%arg6 : memref<640xf32, #tpu.memory_space<vmem>>) target(%dma_start3A_33 : memref<640xf32, #tpu.memory_space<hbm>>) target_semaphore(%run_scoped3A : memref<!tpu.dma_semaphore, #tpu.memory_space<semaphore_mem>>)
      %dma_wait3A = tpu.memref_slice %arg3[%add3A_32] : memref<20480xf32, #tpu.memory_space<hbm>> -> memref<640xf32, #tpu.memory_space<hbm>>
      %dma_wait3A_34 = tpu.memref_slice %arg3[%add3A_32] : memref<20480xf32, #tpu.memory_space<hbm>> -> memref<640xf32, #tpu.memory_space<hbm>>
      tpu.wait_dma2 semaphore(%run_scoped3A : memref<!tpu.dma_semaphore, #tpu.memory_space<semaphore_mem>>) src(%arg6 : memref<640xf32, #tpu.memory_space<vmem>>) dst(%dma_wait3A_34 : memref<640xf32, #tpu.memory_space<hbm>>)
      tpu.yield
    }) : () -> ()
    return
  }
}

#map = affine_map<(d0, d1) -> (0, 0)>
#map1 = affine_map<(d0, d1) -> (0)>
module attributes {stable_mosaic.version = 14 : i64} {
  func.func @_conv1_body(%arg0: i32, %arg1: i32, %arg2: memref<2560x128xi32, #tpu.memory_space<hbm>>, %arg3: memref<2560x128xi32, #tpu.memory_space<hbm>>, %arg4: memref<10240x128xf32, #tpu.memory_space<hbm>>, %arg5: memref<10240xf32, #tpu.memory_space<hbm>>, %arg6: memref<20480x128xf32, #tpu.memory_space<hbm>>, %arg7: memref<20480xf32, #tpu.memory_space<hbm>>, %arg8: memref<16x128xi32, #tpu.memory_space<vmem>>, %arg9: memref<16x128xi32, #tpu.memory_space<vmem>>, %arg10: memref<128x128xf32, #tpu.memory_space<vmem>>, %arg11: memref<128x128xf32, #tpu.memory_space<vmem>>, %arg12: memref<128xf32, #tpu.memory_space<vmem>>, %arg13: memref<128xf32, #tpu.memory_space<vmem>>, %arg14: memref<10240x128xf32, #tpu.memory_space<vmem_shared>>, %arg15: memref<10240xf32, #tpu.memory_space<vmem_shared>>, %arg16: memref<!tpu.dma_semaphore, #tpu.memory_space<semaphore_mem>>, %arg17: memref<!tpu.dma_semaphore, #tpu.memory_space<semaphore_mem>>, %arg18: memref<!tpu.dma_semaphore, #tpu.memory_space<semaphore_mem>>, %arg19: memref<!tpu.dma_semaphore, #tpu.memory_space<semaphore_mem>>, %arg20: memref<!tpu.dma_semaphore, #tpu.memory_space<semaphore_mem>>, %arg21: memref<!tpu.dma_semaphore, #tpu.memory_space<semaphore_mem>>, %arg22: memref<!tpu.dma_semaphore, #tpu.memory_space<semaphore_mem>>, %arg23: memref<!tpu.dma_semaphore, #tpu.memory_space<semaphore_mem>>) attributes {dimension_semantics = [#tpu.dimension_semantics<core_parallel>, #tpu.dimension_semantics<subcore_parallel>], iteration_bounds = array<i64: 2, 16>, scalar_prefetch = 0 : i64, scratch_operands = 16 : i64, tpu.core_type = #tpu.core_type<sc_vector_subcore>, window_params = [{transform_indices = #map}, {transform_indices = #map}, {transform_indices = #map}, {transform_indices = #map1}, {transform_indices = #map}, {transform_indices = #map1}]} {
    %mul3A = arith.constant 16 : i32
    %mul3A_0 = arith.muli %arg0, %mul3A : i32
    %add3A = arith.addi %mul3A_0, %arg1 : i32
    %scan3A = arith.constant 0 : i32
    %scan3A_1 = arith.constant 0 : i32
    %scan3A_2 = arith.constant 128 : i32
    %scan3A_3 = arith.addi %scan3A_1, %scan3A_2 : i32
    %scan3A_4 = arith.constant 1 : i32
    %scan3A_5 = scf.for %scan3A_36 = %scan3A_1 to %scan3A_3 step %scan3A_4 iter_args(%scan3A_37 = %scan3A) -> (i32)  : i32 {
      %scan3A_38 = arith.constant 0 : i32
      %scan3A_39 = arith.constant 0 : i32
      %scan3A_40 = arith.constant 8 : i32
      %scan3A_41 = arith.addi %scan3A_39, %scan3A_40 : i32
      %scan3A_42 = arith.constant 1 : i32
      %scan3A_43 = scf.for %scan3A_46 = %scan3A_39 to %scan3A_41 step %scan3A_42 iter_args(%scan3A_47 = %scan3A_38) -> (i32)  : i32 {
        %broadcast_in_dim3A = arith.constant 0.000000e+00 : f32
        %broadcast_in_dim3A_48 = vector.broadcast %broadcast_in_dim3A : f32 to vector<16xf32>
        %mul3A_49 = arith.constant 16 : i32
        %mul3A_50 = arith.muli %scan3A_46, %mul3A_49 : i32
        %swap3A = arith.index_cast %scan3A_36 : i32 to index
        %swap3A_51 = arith.index_cast %mul3A_50 : i32 to index
        %swap3A_52 = tpu.vector_load %arg10[%swap3A, %swap3A_51] {strides = array<i32>} : memref<128x128xf32, #tpu.memory_space<vmem>>, vector<1x16xf32>,
        %swap3A_53 = vector.shape_cast %swap3A_52 : vector<1x16xf32> to vector<16xf32>
        %swap3A_54 = vector.shape_cast %broadcast_in_dim3A_48 : vector<16xf32> to vector<1x16xf32>
        tpu.vector_store %arg10[%swap3A, %swap3A_51], %swap3A_54 {strides = array<i32>} : memref<128x128xf32, #tpu.memory_space<vmem>>, vector<1x16xf32>,
        %scan3A_55 = arith.constant 0 : i32
        scf.yield %scan3A_55 : i32
      }
      %scan3A_44 = arith.constant 8 : i32
      %scan3A_45 = arith.constant 0 : i32
      scf.yield %scan3A_45 : i32
    }
    %scan3A_6 = arith.constant 128 : i32
    %scan3A_7 = arith.constant 0 : i32
    %scan3A_8 = arith.constant 0 : i32
    %scan3A_9 = arith.constant 8 : i32
    %scan3A_10 = arith.addi %scan3A_8, %scan3A_9 : i32
    %scan3A_11 = arith.constant 1 : i32
    %scan3A_12 = scf.for %scan3A_36 = %scan3A_8 to %scan3A_10 step %scan3A_11 iter_args(%scan3A_37 = %scan3A_7) -> (i32)  : i32 {
      %broadcast_in_dim3A = arith.constant 0.000000e+00 : f32
      %broadcast_in_dim3A_38 = vector.broadcast %broadcast_in_dim3A : f32 to vector<16xf32>
      %mul3A_39 = arith.constant 16 : i32
      %mul3A_40 = arith.muli %scan3A_36, %mul3A_39 : i32
      %swap3A = arith.index_cast %mul3A_40 : i32 to index
      %swap3A_41 = tpu.vector_load %arg12[%swap3A] {strides = array<i32>} : memref<128xf32, #tpu.memory_space<vmem>>, vector<16xf32>,
      %swap3A_42 = vector.shape_cast %swap3A_41 : vector<16xf32> to vector<16xf32>
      %swap3A_43 = vector.shape_cast %broadcast_in_dim3A_38 : vector<16xf32> to vector<16xf32>
      tpu.vector_store %arg12[%swap3A], %swap3A_43 {strides = array<i32>} : memref<128xf32, #tpu.memory_space<vmem>>, vector<16xf32>,
      %scan3A_44 = arith.constant 0 : i32
      scf.yield %scan3A_44 : i32
    }
    %scan3A_13 = arith.constant 8 : i32
    %scan3A_14 = arith.constant 0 : i32
    %scan3A_15 = arith.constant 0 : i32
    %scan3A_16 = arith.constant 5 : i32
    %scan3A_17 = arith.addi %scan3A_15, %scan3A_16 : i32
    %scan3A_18 = arith.constant 1 : i32
    %scan3A_19 = scf.for %scan3A_36 = %scan3A_15 to %scan3A_17 step %scan3A_18 iter_args(%scan3A_37 = %scan3A_14) -> (i32)  : i32 {
      %mul3A_38 = arith.constant 640 : i32
      %mul3A_39 = arith.muli %arg1, %mul3A_38 : i32
      %mul3A_40 = arith.constant 128 : i32
      %mul3A_41 = arith.muli %scan3A_36, %mul3A_40 : i32
      %add3A_42 = arith.addi %mul3A_39, %mul3A_41 : i32
      "tpu.region"() ({
        %run_scoped3A = tpu.sem_alloc : memref<!tpu.dma_semaphore, #tpu.memory_space<semaphore_mem>>
        %dma_start3A = arith.constant 0 : i32
        %dma_start3A_49 = tpu.memref_slice %arg14[%add3A_42, %dma_start3A] : memref<10240x128xf32, #tpu.memory_space<vmem_shared>> -> memref<128x128xf32, #tpu.memory_space<vmem_shared>>
        %dma_start3A_50 = arith.constant 0 : i32
        %dma_start3A_51 = tpu.memref_slice %arg14[%add3A_42, %dma_start3A_50] : memref<10240x128xf32, #tpu.memory_space<vmem_shared>> -> memref<128x128xf32, #tpu.memory_space<vmem_shared>>
        tpu.enqueue_dma source(%arg10 : memref<128x128xf32, #tpu.memory_space<vmem>>) target(%dma_start3A_51 : memref<128x128xf32, #tpu.memory_space<vmem_shared>>) target_semaphore(%run_scoped3A : memref<!tpu.dma_semaphore, #tpu.memory_space<semaphore_mem>>)
        %dma_wait3A = arith.constant 0 : i32
        %dma_wait3A_52 = tpu.memref_slice %arg14[%add3A_42, %dma_wait3A] : memref<10240x128xf32, #tpu.memory_space<vmem_shared>> -> memref<128x128xf32, #tpu.memory_space<vmem_shared>>
        %dma_wait3A_53 = arith.constant 0 : i32
        %dma_wait3A_54 = tpu.memref_slice %arg14[%add3A_42, %dma_wait3A_53] : memref<10240x128xf32, #tpu.memory_space<vmem_shared>> -> memref<128x128xf32, #tpu.memory_space<vmem_shared>>
        tpu.wait_dma2 semaphore(%run_scoped3A : memref<!tpu.dma_semaphore, #tpu.memory_space<semaphore_mem>>) src(%arg10 : memref<128x128xf32, #tpu.memory_space<vmem>>) dst(%dma_wait3A_54 : memref<128x128xf32, #tpu.memory_space<vmem_shared>>)
        tpu.yield
      }) : () -> ()
      %mul3A_43 = arith.constant 640 : i32
      %mul3A_44 = arith.muli %arg1, %mul3A_43 : i32
      %mul3A_45 = arith.constant 128 : i32
      %mul3A_46 = arith.muli %scan3A_36, %mul3A_45 : i32
      %add3A_47 = arith.addi %mul3A_44, %mul3A_46 : i32
      "tpu.region"() ({
        %run_scoped3A = tpu.sem_alloc : memref<!tpu.dma_semaphore, #tpu.memory_space<semaphore_mem>>
        %dma_start3A = tpu.memref_slice %arg15[%add3A_47] : memref<10240xf32, #tpu.memory_space<vmem_shared>> -> memref<128xf32, #tpu.memory_space<vmem_shared>>
        %dma_start3A_49 = tpu.memref_slice %arg15[%add3A_47] : memref<10240xf32, #tpu.memory_space<vmem_shared>> -> memref<128xf32, #tpu.memory_space<vmem_shared>>
        tpu.enqueue_dma source(%arg12 : memref<128xf32, #tpu.memory_space<vmem>>) target(%dma_start3A_49 : memref<128xf32, #tpu.memory_space<vmem_shared>>) target_semaphore(%run_scoped3A : memref<!tpu.dma_semaphore, #tpu.memory_space<semaphore_mem>>)
        %dma_wait3A = tpu.memref_slice %arg15[%add3A_47] : memref<10240xf32, #tpu.memory_space<vmem_shared>> -> memref<128xf32, #tpu.memory_space<vmem_shared>>
        %dma_wait3A_50 = tpu.memref_slice %arg15[%add3A_47] : memref<10240xf32, #tpu.memory_space<vmem_shared>> -> memref<128xf32, #tpu.memory_space<vmem_shared>>
        tpu.wait_dma2 semaphore(%run_scoped3A : memref<!tpu.dma_semaphore, #tpu.memory_space<semaphore_mem>>) src(%arg12 : memref<128xf32, #tpu.memory_space<vmem>>) dst(%dma_wait3A_50 : memref<128xf32, #tpu.memory_space<vmem_shared>>)
        tpu.yield
      }) : () -> ()
      %scan3A_48 = arith.constant 0 : i32
      scf.yield %scan3A_48 : i32
    }
    %scan3A_20 = arith.constant 5 : i32
    %barrier3A = arith.constant 0 : index
    tpu.barrier barrier_id(%barrier3A)
    %scan3A_21 = arith.constant 0 : i32
    %scan3A_22 = arith.constant 0 : i32
    %scan3A_23 = arith.constant 5 : i32
    %scan3A_24 = arith.addi %scan3A_22, %scan3A_23 : i32
    %scan3A_25 = arith.constant 1 : i32
    %scan3A_26 = scf.for %scan3A_36 = %scan3A_22 to %scan3A_24 step %scan3A_25 iter_args(%scan3A_37 = %scan3A_21) -> (i32)  : i32 {
      %mul3A_38 = arith.constant 80 : i32
      %mul3A_39 = arith.muli %add3A, %mul3A_38 : i32
      %mul3A_40 = arith.constant 16 : i32
      %mul3A_41 = arith.muli %scan3A_36, %mul3A_40 : i32
      %add3A_42 = arith.addi %mul3A_39, %mul3A_41 : i32
      "tpu.region"() ({
        %run_scoped3A = tpu.sem_alloc : memref<!tpu.dma_semaphore, #tpu.memory_space<semaphore_mem>>
        %dma_start3A = arith.constant 0 : i32
        %dma_start3A_76 = tpu.memref_slice %arg2[%add3A_42, %dma_start3A] : memref<2560x128xi32, #tpu.memory_space<hbm>> -> memref<16x128xi32, #tpu.memory_space<hbm>>
        %dma_start3A_77 = arith.constant 0 : i32
        %dma_start3A_78 = tpu.memref_slice %arg2[%add3A_42, %dma_start3A_77] : memref<2560x128xi32, #tpu.memory_space<hbm>> -> memref<16x128xi32, #tpu.memory_space<hbm>>
        tpu.enqueue_dma source(%dma_start3A_78 : memref<16x128xi32, #tpu.memory_space<hbm>>) target(%arg8 : memref<16x128xi32, #tpu.memory_space<vmem>>) target_semaphore(%run_scoped3A : memref<!tpu.dma_semaphore, #tpu.memory_space<semaphore_mem>>)
        %dma_wait3A_79 = arith.constant 0 : i32
        %dma_wait3A_80 = tpu.memref_slice %arg2[%add3A_42, %dma_wait3A_79] : memref<2560x128xi32, #tpu.memory_space<hbm>> -> memref<16x128xi32, #tpu.memory_space<hbm>>
        %dma_wait3A_81 = arith.constant 0 : i32
        %dma_wait3A_82 = tpu.memref_slice %arg2[%add3A_42, %dma_wait3A_81] : memref<2560x128xi32, #tpu.memory_space<hbm>> -> memref<16x128xi32, #tpu.memory_space<hbm>>
        tpu.wait_dma2 semaphore(%run_scoped3A : memref<!tpu.dma_semaphore, #tpu.memory_space<semaphore_mem>>) src(%dma_wait3A_82 : memref<16x128xi32, #tpu.memory_space<hbm>>) dst(%arg8 : memref<16x128xi32, #tpu.memory_space<vmem>>)
        tpu.yield
      }) : () -> ()
      "tpu.region"() ({
        %run_scoped3A = tpu.sem_alloc : memref<!tpu.dma_semaphore, #tpu.memory_space<semaphore_mem>>
        %dma_start3A = arith.constant 0 : i32
        %dma_start3A_76 = tpu.memref_slice %arg3[%add3A_42, %dma_start3A] : memref<2560x128xi32, #tpu.memory_space<hbm>> -> memref<16x128xi32, #tpu.memory_space<hbm>>
        %dma_start3A_77 = arith.constant 0 : i32
        %dma_start3A_78 = tpu.memref_slice %arg3[%add3A_42, %dma_start3A_77] : memref<2560x128xi32, #tpu.memory_space<hbm>> -> memref<16x128xi32, #tpu.memory_space<hbm>>
        tpu.enqueue_dma source(%dma_start3A_78 : memref<16x128xi32, #tpu.memory_space<hbm>>) target(%arg9 : memref<16x128xi32, #tpu.memory_space<vmem>>) target_semaphore(%run_scoped3A : memref<!tpu.dma_semaphore, #tpu.memory_space<semaphore_mem>>)
        %dma_wait3A_79 = arith.constant 0 : i32
        %dma_wait3A_80 = tpu.memref_slice %arg3[%add3A_42, %dma_wait3A_79] : memref<2560x128xi32, #tpu.memory_space<hbm>> -> memref<16x128xi32, #tpu.memory_space<hbm>>
        %dma_wait3A_81 = arith.constant 0 : i32
        %dma_wait3A_82 = tpu.memref_slice %arg3[%add3A_42, %dma_wait3A_81] : memref<2560x128xi32, #tpu.memory_space<hbm>> -> memref<16x128xi32, #tpu.memory_space<hbm>>
        tpu.wait_dma2 semaphore(%run_scoped3A : memref<!tpu.dma_semaphore, #tpu.memory_space<semaphore_mem>>) src(%dma_wait3A_82 : memref<16x128xi32, #tpu.memory_space<hbm>>) dst(%arg9 : memref<16x128xi32, #tpu.memory_space<vmem>>)
        tpu.yield
      }) : () -> ()
      %scan3A_43 = arith.constant 0 : i32
      %scan3A_44 = arith.constant 0 : i32
      %scan3A_45 = arith.constant 8 : i32
      %scan3A_46 = arith.addi %scan3A_44, %scan3A_45 : i32
      %scan3A_47 = arith.constant 1 : i32
      %scan3A_48 = scf.for %scan3A_76 = %scan3A_44 to %scan3A_46 step %scan3A_47 iter_args(%scan3A_77 = %scan3A_43) -> (i32)  : i32 {
        %mul3A_78 = arith.constant 2 : i32
        %mul3A_79 = arith.muli %scan3A_76, %mul3A_78 : i32
        %add3A_80 = arith.constant 0 : i32
        %add3A_81 = arith.addi %mul3A_79, %add3A_80 : i32
        %gt3A = arith.constant 0 : i32
        %gt3A_82 = arith.cmpi sgt, %scan3A_76, %gt3A : i32
        %convert_element_type3A = arith.extui %gt3A_82 : i1 to i32
        %cond3A = arith.constant 0 : i32
        %cond3A_83 = arith.cmpi ne, %convert_element_type3A, %cond3A : i32
        scf.if %cond3A_83 {
          %dma_wait3A_167 = arith.constant 0 : i32
          %dma_wait3A_168 = tpu.memref_slice %arg9[%add3A_81, %dma_wait3A_167] : memref<16x128xi32, #tpu.memory_space<vmem>> -> memref<1x128xi32, #tpu.memory_space<vmem>>
          %dma_wait3A_169 = tpu.memref_squeeze %dma_wait3A_168 : memref<1x128xi32, #tpu.memory_space<vmem>> -> memref<128xi32, #tpu.memory_space<vmem>>
          %dma_wait3A_170 = arith.constant 0 : i32
          %dma_wait3A_171 = arith.constant 0 : i32
          %dma_wait3A_172 = tpu.memref_slice %arg14[%dma_wait3A_170, %dma_wait3A_171] : memref<10240x128xf32, #tpu.memory_space<vmem_shared>> -> memref<10240x128xf32, #tpu.memory_space<vmem_shared>>
          tpu.wait_indirect_dma semaphore(%arg20 : memref<!tpu.dma_semaphore, #tpu.memory_space<semaphore_mem>>) src(%arg10 : memref<128x128xf32, #tpu.memory_space<vmem>>) dst(%dma_wait3A_172 : memref<10240x128xf32, #tpu.memory_space<vmem_shared>>)
          %dma_wait3A_173 = arith.constant 0 : i32
          %dma_wait3A_174 = tpu.memref_slice %arg8[%add3A_81, %dma_wait3A_173] : memref<16x128xi32, #tpu.memory_space<vmem>> -> memref<1x128xi32, #tpu.memory_space<vmem>>
          %dma_wait3A_175 = tpu.memref_squeeze %dma_wait3A_174 : memref<1x128xi32, #tpu.memory_space<vmem>> -> memref<128xi32, #tpu.memory_space<vmem>>
          %dma_wait3A_176 = arith.constant 0 : i32
          %dma_wait3A_177 = tpu.memref_slice %arg15[%dma_wait3A_176] : memref<10240xf32, #tpu.memory_space<vmem_shared>> -> memref<10240xf32, #tpu.memory_space<vmem_shared>>
          tpu.wait_indirect_dma semaphore(%arg22 : memref<!tpu.dma_semaphore, #tpu.memory_space<semaphore_mem>>) src(%arg12 : memref<128xf32, #tpu.memory_space<vmem>>) dst(%dma_wait3A_177 : memref<10240xf32, #tpu.memory_space<vmem_shared>>)
        } else {
        }
        %dma_start3A = arith.constant 0 : i32
        %dma_start3A_84 = tpu.memref_slice %arg8[%add3A_81, %dma_start3A] : memref<16x128xi32, #tpu.memory_space<vmem>> -> memref<1x128xi32, #tpu.memory_space<vmem>>
        %dma_start3A_85 = tpu.memref_squeeze %dma_start3A_84 : memref<1x128xi32, #tpu.memory_space<vmem>> -> memref<128xi32, #tpu.memory_space<vmem>>
        %dma_start3A_86 = arith.constant 0 : i32
        %dma_start3A_87 = arith.constant 0 : i32
        %dma_start3A_88 = tpu.memref_slice %arg4[%dma_start3A_86, %dma_start3A_87] : memref<10240x128xf32, #tpu.memory_space<hbm>> -> memref<10240x128xf32, #tpu.memory_space<hbm>>
        tpu.enqueue_indirect_dma source(%dma_start3A_88 : memref<10240x128xf32, #tpu.memory_space<hbm>>) target(%arg10 : memref<128x128xf32, #tpu.memory_space<vmem>>) offsets(%dma_start3A_85 : memref<128xi32, #tpu.memory_space<vmem>>) semaphore(%arg16 : memref<!tpu.dma_semaphore, #tpu.memory_space<semaphore_mem>>)
        %dma_start3A_89 = arith.constant 0 : i32
        %dma_start3A_90 = tpu.memref_slice %arg9[%add3A_81, %dma_start3A_89] : memref<16x128xi32, #tpu.memory_space<vmem>> -> memref<1x128xi32, #tpu.memory_space<vmem>>
        %dma_start3A_91 = tpu.memref_squeeze %dma_start3A_90 : memref<1x128xi32, #tpu.memory_space<vmem>> -> memref<128xi32, #tpu.memory_space<vmem>>
        %dma_start3A_92 = arith.constant 0 : i32
        %dma_start3A_93 = tpu.memref_slice %arg5[%dma_start3A_92] : memref<10240xf32, #tpu.memory_space<hbm>> -> memref<10240xf32, #tpu.memory_space<hbm>>
        tpu.enqueue_indirect_dma source(%dma_start3A_93 : memref<10240xf32, #tpu.memory_space<hbm>>) target(%arg12 : memref<128xf32, #tpu.memory_space<vmem>>) offsets(%dma_start3A_91 : memref<128xi32, #tpu.memory_space<vmem>>) semaphore(%arg18 : memref<!tpu.dma_semaphore, #tpu.memory_space<semaphore_mem>>)
        %mul3A_94 = arith.constant 2 : i32
        %mul3A_95 = arith.muli %scan3A_76, %mul3A_94 : i32
        %add3A_96 = arith.constant 1 : i32
        %add3A_97 = arith.addi %mul3A_95, %add3A_96 : i32
        %gt3A_98 = arith.constant 0 : i32
        %gt3A_99 = arith.cmpi sgt, %scan3A_76, %gt3A_98 : i32
        %convert_element_type3A_100 = arith.extui %gt3A_99 : i1 to i32
        %cond3A_101 = arith.constant 0 : i32
        %cond3A_102 = arith.cmpi ne, %convert_element_type3A_100, %cond3A_101 : i32
        scf.if %cond3A_102 {
          %dma_wait3A_167 = arith.constant 0 : i32
          %dma_wait3A_168 = tpu.memref_slice %arg9[%add3A_97, %dma_wait3A_167] : memref<16x128xi32, #tpu.memory_space<vmem>> -> memref<1x128xi32, #tpu.memory_space<vmem>>
          %dma_wait3A_169 = tpu.memref_squeeze %dma_wait3A_168 : memref<1x128xi32, #tpu.memory_space<vmem>> -> memref<128xi32, #tpu.memory_space<vmem>>
          %dma_wait3A_170 = arith.constant 0 : i32
          %dma_wait3A_171 = arith.constant 0 : i32
          %dma_wait3A_172 = tpu.memref_slice %arg14[%dma_wait3A_170, %dma_wait3A_171] : memref<10240x128xf32, #tpu.memory_space<vmem_shared>> -> memref<10240x128xf32, #tpu.memory_space<vmem_shared>>
          tpu.wait_indirect_dma semaphore(%arg21 : memref<!tpu.dma_semaphore, #tpu.memory_space<semaphore_mem>>) src(%arg11 : memref<128x128xf32, #tpu.memory_space<vmem>>) dst(%dma_wait3A_172 : memref<10240x128xf32, #tpu.memory_space<vmem_shared>>)
          %dma_wait3A_173 = arith.constant 0 : i32
          %dma_wait3A_174 = tpu.memref_slice %arg8[%add3A_97, %dma_wait3A_173] : memref<16x128xi32, #tpu.memory_space<vmem>> -> memref<1x128xi32, #tpu.memory_space<vmem>>
          %dma_wait3A_175 = tpu.memref_squeeze %dma_wait3A_174 : memref<1x128xi32, #tpu.memory_space<vmem>> -> memref<128xi32, #tpu.memory_space<vmem>>
          %dma_wait3A_176 = arith.constant 0 : i32
          %dma_wait3A_177 = tpu.memref_slice %arg15[%dma_wait3A_176] : memref<10240xf32, #tpu.memory_space<vmem_shared>> -> memref<10240xf32, #tpu.memory_space<vmem_shared>>
          tpu.wait_indirect_dma semaphore(%arg23 : memref<!tpu.dma_semaphore, #tpu.memory_space<semaphore_mem>>) src(%arg13 : memref<128xf32, #tpu.memory_space<vmem>>) dst(%dma_wait3A_177 : memref<10240xf32, #tpu.memory_space<vmem_shared>>)
        } else {
        }
        %dma_start3A_103 = arith.constant 0 : i32
        %dma_start3A_104 = tpu.memref_slice %arg8[%add3A_97, %dma_start3A_103] : memref<16x128xi32, #tpu.memory_space<vmem>> -> memref<1x128xi32, #tpu.memory_space<vmem>>
        %dma_start3A_105 = tpu.memref_squeeze %dma_start3A_104 : memref<1x128xi32, #tpu.memory_space<vmem>> -> memref<128xi32, #tpu.memory_space<vmem>>
        %dma_start3A_106 = arith.constant 0 : i32
        %dma_start3A_107 = arith.constant 0 : i32
        %dma_start3A_108 = tpu.memref_slice %arg4[%dma_start3A_106, %dma_start3A_107] : memref<10240x128xf32, #tpu.memory_space<hbm>> -> memref<10240x128xf32, #tpu.memory_space<hbm>>
        tpu.enqueue_indirect_dma source(%dma_start3A_108 : memref<10240x128xf32, #tpu.memory_space<hbm>>) target(%arg11 : memref<128x128xf32, #tpu.memory_space<vmem>>) offsets(%dma_start3A_105 : memref<128xi32, #tpu.memory_space<vmem>>) semaphore(%arg17 : memref<!tpu.dma_semaphore, #tpu.memory_space<semaphore_mem>>)
        %dma_start3A_109 = arith.constant 0 : i32
        %dma_start3A_110 = tpu.memref_slice %arg9[%add3A_97, %dma_start3A_109] : memref<16x128xi32, #tpu.memory_space<vmem>> -> memref<1x128xi32, #tpu.memory_space<vmem>>
        %dma_start3A_111 = tpu.memref_squeeze %dma_start3A_110 : memref<1x128xi32, #tpu.memory_space<vmem>> -> memref<128xi32, #tpu.memory_space<vmem>>
        %dma_start3A_112 = arith.constant 0 : i32
        %dma_start3A_113 = tpu.memref_slice %arg5[%dma_start3A_112] : memref<10240xf32, #tpu.memory_space<hbm>> -> memref<10240xf32, #tpu.memory_space<hbm>>
        tpu.enqueue_indirect_dma source(%dma_start3A_113 : memref<10240xf32, #tpu.memory_space<hbm>>) target(%arg13 : memref<128xf32, #tpu.memory_space<vmem>>) offsets(%dma_start3A_111 : memref<128xi32, #tpu.memory_space<vmem>>) semaphore(%arg19 : memref<!tpu.dma_semaphore, #tpu.memory_space<semaphore_mem>>)
        %mul3A_114 = arith.constant 2 : i32
        %mul3A_115 = arith.muli %scan3A_76, %mul3A_114 : i32
        %add3A_116 = arith.constant 0 : i32
        %add3A_117 = arith.addi %mul3A_115, %add3A_116 : i32
        %dma_wait3A_118 = arith.constant 0 : i32
        %dma_wait3A_119 = tpu.memref_slice %arg8[%add3A_81, %dma_wait3A_118] : memref<16x128xi32, #tpu.memory_space<vmem>> -> memref<1x128xi32, #tpu.memory_space<vmem>>
        %dma_wait3A_120 = tpu.memref_squeeze %dma_wait3A_119 : memref<1x128xi32, #tpu.memory_space<vmem>> -> memref<128xi32, #tpu.memory_space<vmem>>
        %dma_wait3A_121 = arith.constant 0 : i32
        %dma_wait3A_122 = arith.constant 0 : i32
        %dma_wait3A_123 = tpu.memref_slice %arg4[%dma_wait3A_121, %dma_wait3A_122] : memref<10240x128xf32, #tpu.memory_space<hbm>> -> memref<10240x128xf32, #tpu.memory_space<hbm>>
        tpu.wait_indirect_dma semaphore(%arg16 : memref<!tpu.dma_semaphore, #tpu.memory_space<semaphore_mem>>) src(%dma_wait3A_123 : memref<10240x128xf32, #tpu.memory_space<hbm>>) dst(%arg10 : memref<128x128xf32, #tpu.memory_space<vmem>>)
        %dma_start3A_124 = arith.constant 0 : i32
        %dma_start3A_125 = tpu.memref_slice %arg9[%add3A_117, %dma_start3A_124] : memref<16x128xi32, #tpu.memory_space<vmem>> -> memref<1x128xi32, #tpu.memory_space<vmem>>
        %dma_start3A_126 = tpu.memref_squeeze %dma_start3A_125 : memref<1x128xi32, #tpu.memory_space<vmem>> -> memref<128xi32, #tpu.memory_space<vmem>>
        %dma_start3A_127 = arith.constant 0 : i32
        %dma_start3A_128 = arith.constant 0 : i32
        %dma_start3A_129 = tpu.memref_slice %arg14[%dma_start3A_127, %dma_start3A_128] : memref<10240x128xf32, #tpu.memory_space<vmem_shared>> -> memref<10240x128xf32, #tpu.memory_space<vmem_shared>>
        tpu.enqueue_indirect_dma source(%arg10 : memref<128x128xf32, #tpu.memory_space<vmem>>) target(%dma_start3A_129 : memref<10240x128xf32, #tpu.memory_space<vmem_shared>>) offsets(%dma_start3A_126 : memref<128xi32, #tpu.memory_space<vmem>>) semaphore(%arg20 : memref<!tpu.dma_semaphore, #tpu.memory_space<semaphore_mem>>) {add = true}
        %dma_wait3A_130 = arith.constant 0 : i32
        %dma_wait3A_131 = tpu.memref_slice %arg9[%add3A_81, %dma_wait3A_130] : memref<16x128xi32, #tpu.memory_space<vmem>> -> memref<1x128xi32, #tpu.memory_space<vmem>>
        %dma_wait3A_132 = tpu.memref_squeeze %dma_wait3A_131 : memref<1x128xi32, #tpu.memory_space<vmem>> -> memref<128xi32, #tpu.memory_space<vmem>>
        %dma_wait3A_133 = arith.constant 0 : i32
        %dma_wait3A_134 = tpu.memref_slice %arg5[%dma_wait3A_133] : memref<10240xf32, #tpu.memory_space<hbm>> -> memref<10240xf32, #tpu.memory_space<hbm>>
        tpu.wait_indirect_dma semaphore(%arg18 : memref<!tpu.dma_semaphore, #tpu.memory_space<semaphore_mem>>) src(%dma_wait3A_134 : memref<10240xf32, #tpu.memory_space<hbm>>) dst(%arg12 : memref<128xf32, #tpu.memory_space<vmem>>)
        %dma_start3A_135 = arith.constant 0 : i32
        %dma_start3A_136 = tpu.memref_slice %arg8[%add3A_117, %dma_start3A_135] : memref<16x128xi32, #tpu.memory_space<vmem>> -> memref<1x128xi32, #tpu.memory_space<vmem>>
        %dma_start3A_137 = tpu.memref_squeeze %dma_start3A_136 : memref<1x128xi32, #tpu.memory_space<vmem>> -> memref<128xi32, #tpu.memory_space<vmem>>
        %dma_start3A_138 = arith.constant 0 : i32
        %dma_start3A_139 = tpu.memref_slice %arg15[%dma_start3A_138] : memref<10240xf32, #tpu.memory_space<vmem_shared>> -> memref<10240xf32, #tpu.memory_space<vmem_shared>>
        tpu.enqueue_indirect_dma source(%arg12 : memref<128xf32, #tpu.memory_space<vmem>>) target(%dma_start3A_139 : memref<10240xf32, #tpu.memory_space<vmem_shared>>) offsets(%dma_start3A_137 : memref<128xi32, #tpu.memory_space<vmem>>) semaphore(%arg22 : memref<!tpu.dma_semaphore, #tpu.memory_space<semaphore_mem>>) {add = true}
        %mul3A_140 = arith.constant 2 : i32
        %mul3A_141 = arith.muli %scan3A_76, %mul3A_140 : i32
        %add3A_142 = arith.constant 1 : i32
        %add3A_143 = arith.addi %mul3A_141, %add3A_142 : i32
        %dma_wait3A_144 = arith.constant 0 : i32
        %dma_wait3A_145 = tpu.memref_slice %arg8[%add3A_97, %dma_wait3A_144] : memref<16x128xi32, #tpu.memory_space<vmem>> -> memref<1x128xi32, #tpu.memory_space<vmem>>
        %dma_wait3A_146 = tpu.memref_squeeze %dma_wait3A_145 : memref<1x128xi32, #tpu.memory_space<vmem>> -> memref<128xi32, #tpu.memory_space<vmem>>
        %dma_wait3A_147 = arith.constant 0 : i32
        %dma_wait3A_148 = arith.constant 0 : i32
        %dma_wait3A_149 = tpu.memref_slice %arg4[%dma_wait3A_147, %dma_wait3A_148] : memref<10240x128xf32, #tpu.memory_space<hbm>> -> memref<10240x128xf32, #tpu.memory_space<hbm>>
        tpu.wait_indirect_dma semaphore(%arg17 : memref<!tpu.dma_semaphore, #tpu.memory_space<semaphore_mem>>) src(%dma_wait3A_149 : memref<10240x128xf32, #tpu.memory_space<hbm>>) dst(%arg11 : memref<128x128xf32, #tpu.memory_space<vmem>>)
        %dma_start3A_150 = arith.constant 0 : i32
        %dma_start3A_151 = tpu.memref_slice %arg9[%add3A_143, %dma_start3A_150] : memref<16x128xi32, #tpu.memory_space<vmem>> -> memref<1x128xi32, #tpu.memory_space<vmem>>
        %dma_start3A_152 = tpu.memref_squeeze %dma_start3A_151 : memref<1x128xi32, #tpu.memory_space<vmem>> -> memref<128xi32, #tpu.memory_space<vmem>>
        %dma_start3A_153 = arith.constant 0 : i32
        %dma_start3A_154 = arith.constant 0 : i32
        %dma_start3A_155 = tpu.memref_slice %arg14[%dma_start3A_153, %dma_start3A_154] : memref<10240x128xf32, #tpu.memory_space<vmem_shared>> -> memref<10240x128xf32, #tpu.memory_space<vmem_shared>>
        tpu.enqueue_indirect_dma source(%arg11 : memref<128x128xf32, #tpu.memory_space<vmem>>) target(%dma_start3A_155 : memref<10240x128xf32, #tpu.memory_space<vmem_shared>>) offsets(%dma_start3A_152 : memref<128xi32, #tpu.memory_space<vmem>>) semaphore(%arg21 : memref<!tpu.dma_semaphore, #tpu.memory_space<semaphore_mem>>) {add = true}
        %dma_wait3A_156 = arith.constant 0 : i32
        %dma_wait3A_157 = tpu.memref_slice %arg9[%add3A_97, %dma_wait3A_156] : memref<16x128xi32, #tpu.memory_space<vmem>> -> memref<1x128xi32, #tpu.memory_space<vmem>>
        %dma_wait3A_158 = tpu.memref_squeeze %dma_wait3A_157 : memref<1x128xi32, #tpu.memory_space<vmem>> -> memref<128xi32, #tpu.memory_space<vmem>>
        %dma_wait3A_159 = arith.constant 0 : i32
        %dma_wait3A_160 = tpu.memref_slice %arg5[%dma_wait3A_159] : memref<10240xf32, #tpu.memory_space<hbm>> -> memref<10240xf32, #tpu.memory_space<hbm>>
        tpu.wait_indirect_dma semaphore(%arg19 : memref<!tpu.dma_semaphore, #tpu.memory_space<semaphore_mem>>) src(%dma_wait3A_160 : memref<10240xf32, #tpu.memory_space<hbm>>) dst(%arg13 : memref<128xf32, #tpu.memory_space<vmem>>)
        %dma_start3A_161 = arith.constant 0 : i32
        %dma_start3A_162 = tpu.memref_slice %arg8[%add3A_143, %dma_start3A_161] : memref<16x128xi32, #tpu.memory_space<vmem>> -> memref<1x128xi32, #tpu.memory_space<vmem>>
        %dma_start3A_163 = tpu.memref_squeeze %dma_start3A_162 : memref<1x128xi32, #tpu.memory_space<vmem>> -> memref<128xi32, #tpu.memory_space<vmem>>
        %dma_start3A_164 = arith.constant 0 : i32
        %dma_start3A_165 = tpu.memref_slice %arg15[%dma_start3A_164] : memref<10240xf32, #tpu.memory_space<vmem_shared>> -> memref<10240xf32, #tpu.memory_space<vmem_shared>>
        tpu.enqueue_indirect_dma source(%arg13 : memref<128xf32, #tpu.memory_space<vmem>>) target(%dma_start3A_165 : memref<10240xf32, #tpu.memory_space<vmem_shared>>) offsets(%dma_start3A_163 : memref<128xi32, #tpu.memory_space<vmem>>) semaphore(%arg23 : memref<!tpu.dma_semaphore, #tpu.memory_space<semaphore_mem>>) {add = true}
        %scan3A_166 = arith.constant 0 : i32
        scf.yield %scan3A_166 : i32
      }
      %scan3A_49 = arith.constant 8 : i32
      %dma_wait3A = arith.constant 0 : i32
      %dma_wait3A_50 = arith.constant 0 : i32
      %dma_wait3A_51 = tpu.memref_slice %arg9[%dma_wait3A, %dma_wait3A_50] : memref<16x128xi32, #tpu.memory_space<vmem>> -> memref<1x128xi32, #tpu.memory_space<vmem>>
      %dma_wait3A_52 = tpu.memref_squeeze %dma_wait3A_51 : memref<1x128xi32, #tpu.memory_space<vmem>> -> memref<128xi32, #tpu.memory_space<vmem>>
      %dma_wait3A_53 = arith.constant 0 : i32
      %dma_wait3A_54 = arith.constant 0 : i32
      %dma_wait3A_55 = tpu.memref_slice %arg14[%dma_wait3A_53, %dma_wait3A_54] : memref<10240x128xf32, #tpu.memory_space<vmem_shared>> -> memref<10240x128xf32, #tpu.memory_space<vmem_shared>>
      tpu.wait_indirect_dma semaphore(%arg20 : memref<!tpu.dma_semaphore, #tpu.memory_space<semaphore_mem>>) src(%arg10 : memref<128x128xf32, #tpu.memory_space<vmem>>) dst(%dma_wait3A_55 : memref<10240x128xf32, #tpu.memory_space<vmem_shared>>)
      %dma_wait3A_56 = arith.constant 0 : i32
      %dma_wait3A_57 = arith.constant 0 : i32
      %dma_wait3A_58 = tpu.memref_slice %arg8[%dma_wait3A_56, %dma_wait3A_57] : memref<16x128xi32, #tpu.memory_space<vmem>> -> memref<1x128xi32, #tpu.memory_space<vmem>>
      %dma_wait3A_59 = tpu.memref_squeeze %dma_wait3A_58 : memref<1x128xi32, #tpu.memory_space<vmem>> -> memref<128xi32, #tpu.memory_space<vmem>>
      %dma_wait3A_60 = arith.constant 0 : i32
      %dma_wait3A_61 = tpu.memref_slice %arg15[%dma_wait3A_60] : memref<10240xf32, #tpu.memory_space<vmem_shared>> -> memref<10240xf32, #tpu.memory_space<vmem_shared>>
      tpu.wait_indirect_dma semaphore(%arg22 : memref<!tpu.dma_semaphore, #tpu.memory_space<semaphore_mem>>) src(%arg12 : memref<128xf32, #tpu.memory_space<vmem>>) dst(%dma_wait3A_61 : memref<10240xf32, #tpu.memory_space<vmem_shared>>)
      %dma_wait3A_62 = arith.constant 1 : i32
      %dma_wait3A_63 = arith.constant 0 : i32
      %dma_wait3A_64 = tpu.memref_slice %arg9[%dma_wait3A_62, %dma_wait3A_63] : memref<16x128xi32, #tpu.memory_space<vmem>> -> memref<1x128xi32, #tpu.memory_space<vmem>>
      %dma_wait3A_65 = tpu.memref_squeeze %dma_wait3A_64 : memref<1x128xi32, #tpu.memory_space<vmem>> -> memref<128xi32, #tpu.memory_space<vmem>>
      %dma_wait3A_66 = arith.constant 0 : i32
      %dma_wait3A_67 = arith.constant 0 : i32
      %dma_wait3A_68 = tpu.memref_slice %arg14[%dma_wait3A_66, %dma_wait3A_67] : memref<10240x128xf32, #tpu.memory_space<vmem_shared>> -> memref<10240x128xf32, #tpu.memory_space<vmem_shared>>
      tpu.wait_indirect_dma semaphore(%arg21 : memref<!tpu.dma_semaphore, #tpu.memory_space<semaphore_mem>>) src(%arg11 : memref<128x128xf32, #tpu.memory_space<vmem>>) dst(%dma_wait3A_68 : memref<10240x128xf32, #tpu.memory_space<vmem_shared>>)
      %dma_wait3A_69 = arith.constant 1 : i32
      %dma_wait3A_70 = arith.constant 0 : i32
      %dma_wait3A_71 = tpu.memref_slice %arg8[%dma_wait3A_69, %dma_wait3A_70] : memref<16x128xi32, #tpu.memory_space<vmem>> -> memref<1x128xi32, #tpu.memory_space<vmem>>
      %dma_wait3A_72 = tpu.memref_squeeze %dma_wait3A_71 : memref<1x128xi32, #tpu.memory_space<vmem>> -> memref<128xi32, #tpu.memory_space<vmem>>
      %dma_wait3A_73 = arith.constant 0 : i32
      %dma_wait3A_74 = tpu.memref_slice %arg15[%dma_wait3A_73] : memref<10240xf32, #tpu.memory_space<vmem_shared>> -> memref<10240xf32, #tpu.memory_space<vmem_shared>>
      tpu.wait_indirect_dma semaphore(%arg23 : memref<!tpu.dma_semaphore, #tpu.memory_space<semaphore_mem>>) src(%arg13 : memref<128xf32, #tpu.memory_space<vmem>>) dst(%dma_wait3A_74 : memref<10240xf32, #tpu.memory_space<vmem_shared>>)
      %scan3A_75 = arith.constant 0 : i32
      scf.yield %scan3A_75 : i32
    }
    %scan3A_27 = arith.constant 5 : i32
    %barrier3A_28 = arith.constant 0 : index
    tpu.barrier barrier_id(%barrier3A_28)
    %scan3A_29 = arith.constant 0 : i32
    %scan3A_30 = arith.constant 0 : i32
    %scan3A_31 = arith.constant 5 : i32
    %scan3A_32 = arith.addi %scan3A_30, %scan3A_31 : i32
    %scan3A_33 = arith.constant 1 : i32
    %scan3A_34 = scf.for %scan3A_36 = %scan3A_30 to %scan3A_32 step %scan3A_33 iter_args(%scan3A_37 = %scan3A_29) -> (i32)  : i32 {
      %mul3A_38 = arith.constant 640 : i32
      %mul3A_39 = arith.muli %arg1, %mul3A_38 : i32
      %mul3A_40 = arith.constant 128 : i32
      %mul3A_41 = arith.muli %scan3A_36, %mul3A_40 : i32
      %add3A_42 = arith.addi %mul3A_39, %mul3A_41 : i32
      "tpu.region"() ({
        %run_scoped3A = tpu.sem_alloc : memref<!tpu.dma_semaphore, #tpu.memory_space<semaphore_mem>>
        %dma_start3A = arith.constant 0 : i32
        %dma_start3A_65 = tpu.memref_slice %arg14[%add3A_42, %dma_start3A] : memref<10240x128xf32, #tpu.memory_space<vmem_shared>> -> memref<128x128xf32, #tpu.memory_space<vmem_shared>>
        %dma_start3A_66 = arith.constant 0 : i32
        %dma_start3A_67 = tpu.memref_slice %arg14[%add3A_42, %dma_start3A_66] : memref<10240x128xf32, #tpu.memory_space<vmem_shared>> -> memref<128x128xf32, #tpu.memory_space<vmem_shared>>
        tpu.enqueue_dma source(%dma_start3A_67 : memref<128x128xf32, #tpu.memory_space<vmem_shared>>) target(%arg10 : memref<128x128xf32, #tpu.memory_space<vmem>>) target_semaphore(%run_scoped3A : memref<!tpu.dma_semaphore, #tpu.memory_space<semaphore_mem>>)
        %dma_wait3A = arith.constant 0 : i32
        %dma_wait3A_68 = tpu.memref_slice %arg14[%add3A_42, %dma_wait3A] : memref<10240x128xf32, #tpu.memory_space<vmem_shared>> -> memref<128x128xf32, #tpu.memory_space<vmem_shared>>
        %dma_wait3A_69 = arith.constant 0 : i32
        %dma_wait3A_70 = tpu.memref_slice %arg14[%add3A_42, %dma_wait3A_69] : memref<10240x128xf32, #tpu.memory_space<vmem_shared>> -> memref<128x128xf32, #tpu.memory_space<vmem_shared>>
        tpu.wait_dma2 semaphore(%run_scoped3A : memref<!tpu.dma_semaphore, #tpu.memory_space<semaphore_mem>>) src(%dma_wait3A_70 : memref<128x128xf32, #tpu.memory_space<vmem_shared>>) dst(%arg10 : memref<128x128xf32, #tpu.memory_space<vmem>>)
        tpu.yield
      }) : () -> ()
      %mul3A_43 = arith.constant 10240 : i32
      %mul3A_44 = arith.muli %arg0, %mul3A_43 : i32
      %mul3A_45 = arith.constant 640 : i32
      %mul3A_46 = arith.muli %arg1, %mul3A_45 : i32
      %add3A_47 = arith.addi %mul3A_44, %mul3A_46 : i32
      %mul3A_48 = arith.constant 128 : i32
      %mul3A_49 = arith.muli %scan3A_36, %mul3A_48 : i32
      %add3A_50 = arith.addi %add3A_47, %mul3A_49 : i32
      "tpu.region"() ({
        %run_scoped3A = tpu.sem_alloc : memref<!tpu.dma_semaphore, #tpu.memory_space<semaphore_mem>>
        %dma_start3A = arith.constant 0 : i32
        %dma_start3A_65 = tpu.memref_slice %arg6[%add3A_50, %dma_start3A] : memref<20480x128xf32, #tpu.memory_space<hbm>> -> memref<128x128xf32, #tpu.memory_space<hbm>>
        %dma_start3A_66 = arith.constant 0 : i32
        %dma_start3A_67 = tpu.memref_slice %arg6[%add3A_50, %dma_start3A_66] : memref<20480x128xf32, #tpu.memory_space<hbm>> -> memref<128x128xf32, #tpu.memory_space<hbm>>
        tpu.enqueue_dma source(%arg10 : memref<128x128xf32, #tpu.memory_space<vmem>>) target(%dma_start3A_67 : memref<128x128xf32, #tpu.memory_space<hbm>>) target_semaphore(%run_scoped3A : memref<!tpu.dma_semaphore, #tpu.memory_space<semaphore_mem>>)
        %dma_wait3A = arith.constant 0 : i32
        %dma_wait3A_68 = tpu.memref_slice %arg6[%add3A_50, %dma_wait3A] : memref<20480x128xf32, #tpu.memory_space<hbm>> -> memref<128x128xf32, #tpu.memory_space<hbm>>
        %dma_wait3A_69 = arith.constant 0 : i32
        %dma_wait3A_70 = tpu.memref_slice %arg6[%add3A_50, %dma_wait3A_69] : memref<20480x128xf32, #tpu.memory_space<hbm>> -> memref<128x128xf32, #tpu.memory_space<hbm>>
        tpu.wait_dma2 semaphore(%run_scoped3A : memref<!tpu.dma_semaphore, #tpu.memory_space<semaphore_mem>>) src(%arg10 : memref<128x128xf32, #tpu.memory_space<vmem>>) dst(%dma_wait3A_70 : memref<128x128xf32, #tpu.memory_space<hbm>>)
        tpu.yield
      }) : () -> ()
      %mul3A_51 = arith.constant 640 : i32
      %mul3A_52 = arith.muli %arg1, %mul3A_51 : i32
      %mul3A_53 = arith.constant 128 : i32
      %mul3A_54 = arith.muli %scan3A_36, %mul3A_53 : i32
      %add3A_55 = arith.addi %mul3A_52, %mul3A_54 : i32
      "tpu.region"() ({
        %run_scoped3A = tpu.sem_alloc : memref<!tpu.dma_semaphore, #tpu.memory_space<semaphore_mem>>
        %dma_start3A = tpu.memref_slice %arg15[%add3A_55] : memref<10240xf32, #tpu.memory_space<vmem_shared>> -> memref<128xf32, #tpu.memory_space<vmem_shared>>
        %dma_start3A_65 = tpu.memref_slice %arg15[%add3A_55] : memref<10240xf32, #tpu.memory_space<vmem_shared>> -> memref<128xf32, #tpu.memory_space<vmem_shared>>
        tpu.enqueue_dma source(%dma_start3A_65 : memref<128xf32, #tpu.memory_space<vmem_shared>>) target(%arg12 : memref<128xf32, #tpu.memory_space<vmem>>) target_semaphore(%run_scoped3A : memref<!tpu.dma_semaphore, #tpu.memory_space<semaphore_mem>>)
        %dma_wait3A = tpu.memref_slice %arg15[%add3A_55] : memref<10240xf32, #tpu.memory_space<vmem_shared>> -> memref<128xf32, #tpu.memory_space<vmem_shared>>
        %dma_wait3A_66 = tpu.memref_slice %arg15[%add3A_55] : memref<10240xf32, #tpu.memory_space<vmem_shared>> -> memref<128xf32, #tpu.memory_space<vmem_shared>>
        tpu.wait_dma2 semaphore(%run_scoped3A : memref<!tpu.dma_semaphore, #tpu.memory_space<semaphore_mem>>) src(%dma_wait3A_66 : memref<128xf32, #tpu.memory_space<vmem_shared>>) dst(%arg12 : memref<128xf32, #tpu.memory_space<vmem>>)
        tpu.yield
      }) : () -> ()
      %mul3A_56 = arith.constant 10240 : i32
      %mul3A_57 = arith.muli %arg0, %mul3A_56 : i32
      %mul3A_58 = arith.constant 640 : i32
      %mul3A_59 = arith.muli %arg1, %mul3A_58 : i32
      %add3A_60 = arith.addi %mul3A_57, %mul3A_59 : i32
      %mul3A_61 = arith.constant 128 : i32
      %mul3A_62 = arith.muli %scan3A_36, %mul3A_61 : i32
      %add3A_63 = arith.addi %add3A_60, %mul3A_62 : i32
      "tpu.region"() ({
        %run_scoped3A = tpu.sem_alloc : memref<!tpu.dma_semaphore, #tpu.memory_space<semaphore_mem>>
        %dma_start3A = tpu.memref_slice %arg7[%add3A_63] : memref<20480xf32, #tpu.memory_space<hbm>> -> memref<128xf32, #tpu.memory_space<hbm>>
        %dma_start3A_65 = tpu.memref_slice %arg7[%add3A_63] : memref<20480xf32, #tpu.memory_space<hbm>> -> memref<128xf32, #tpu.memory_space<hbm>>
        tpu.enqueue_dma source(%arg12 : memref<128xf32, #tpu.memory_space<vmem>>) target(%dma_start3A_65 : memref<128xf32, #tpu.memory_space<hbm>>) target_semaphore(%run_scoped3A : memref<!tpu.dma_semaphore, #tpu.memory_space<semaphore_mem>>)
        %dma_wait3A = tpu.memref_slice %arg7[%add3A_63] : memref<20480xf32, #tpu.memory_space<hbm>> -> memref<128xf32, #tpu.memory_space<hbm>>
        %dma_wait3A_66 = tpu.memref_slice %arg7[%add3A_63] : memref<20480xf32, #tpu.memory_space<hbm>> -> memref<128xf32, #tpu.memory_space<hbm>>
        tpu.wait_dma2 semaphore(%run_scoped3A : memref<!tpu.dma_semaphore, #tpu.memory_space<semaphore_mem>>) src(%arg12 : memref<128xf32, #tpu.memory_space<vmem>>) dst(%dma_wait3A_66 : memref<128xf32, #tpu.memory_space<hbm>>)
        tpu.yield
      }) : () -> ()
      %scan3A_64 = arith.constant 0 : i32
      scf.yield %scan3A_64 : i32
    }
    %scan3A_35 = arith.constant 5 : i32
    return
  }
}

#map = affine_map<(d0, d1) -> (0, 0)>
module attributes {stable_mosaic.version = 14 : i64} {
  func.func @_conv2_body(%arg0: i32, %arg1: i32, %arg2: memref<2560x128xi32, #tpu.memory_space<hbm>>, %arg3: memref<2560x128xi32, #tpu.memory_space<hbm>>, %arg4: memref<10240x128xf32, #tpu.memory_space<hbm>>, %arg5: memref<20480x128xf32, #tpu.memory_space<hbm>>, %arg6: memref<16x128xi32, #tpu.memory_space<vmem>>, %arg7: memref<16x128xi32, #tpu.memory_space<vmem>>, %arg8: memref<128x128xf32, #tpu.memory_space<vmem>>, %arg9: memref<128x128xf32, #tpu.memory_space<vmem>>, %arg10: memref<10240x128xf32, #tpu.memory_space<vmem_shared>>, %arg11: memref<!tpu.dma_semaphore, #tpu.memory_space<semaphore_mem>>, %arg12: memref<!tpu.dma_semaphore, #tpu.memory_space<semaphore_mem>>, %arg13: memref<!tpu.dma_semaphore, #tpu.memory_space<semaphore_mem>>, %arg14: memref<!tpu.dma_semaphore, #tpu.memory_space<semaphore_mem>>) attributes {dimension_semantics = [#tpu.dimension_semantics<core_parallel>, #tpu.dimension_semantics<subcore_parallel>], iteration_bounds = array<i64: 2, 16>, scalar_prefetch = 0 : i64, scratch_operands = 9 : i64, tpu.core_type = #tpu.core_type<sc_vector_subcore>, window_params = [{transform_indices = #map}, {transform_indices = #map}, {transform_indices = #map}, {transform_indices = #map}]} {
    %mul3A = arith.constant 16 : i32
    %mul3A_0 = arith.muli %arg0, %mul3A : i32
    %add3A = arith.addi %mul3A_0, %arg1 : i32
    %scan3A = arith.constant 0 : i32
    %scan3A_1 = arith.constant 0 : i32
    %scan3A_2 = arith.constant 128 : i32
    %scan3A_3 = arith.addi %scan3A_1, %scan3A_2 : i32
    %scan3A_4 = arith.constant 1 : i32
    %scan3A_5 = scf.for %scan3A_29 = %scan3A_1 to %scan3A_3 step %scan3A_4 iter_args(%scan3A_30 = %scan3A) -> (i32)  : i32 {
      %scan3A_31 = arith.constant 0 : i32
      %scan3A_32 = arith.constant 0 : i32
      %scan3A_33 = arith.constant 8 : i32
      %scan3A_34 = arith.addi %scan3A_32, %scan3A_33 : i32
      %scan3A_35 = arith.constant 1 : i32
      %scan3A_36 = scf.for %scan3A_39 = %scan3A_32 to %scan3A_34 step %scan3A_35 iter_args(%scan3A_40 = %scan3A_31) -> (i32)  : i32 {
        %broadcast_in_dim3A = arith.constant 0.000000e+00 : f32
        %broadcast_in_dim3A_41 = vector.broadcast %broadcast_in_dim3A : f32 to vector<16xf32>
        %mul3A_42 = arith.constant 16 : i32
        %mul3A_43 = arith.muli %scan3A_39, %mul3A_42 : i32
        %swap3A = arith.index_cast %scan3A_29 : i32 to index
        %swap3A_44 = arith.index_cast %mul3A_43 : i32 to index
        %swap3A_45 = tpu.vector_load %arg8[%swap3A, %swap3A_44] {strides = array<i32>} : memref<128x128xf32, #tpu.memory_space<vmem>>, vector<1x16xf32>,
        %swap3A_46 = vector.shape_cast %swap3A_45 : vector<1x16xf32> to vector<16xf32>
        %swap3A_47 = vector.shape_cast %broadcast_in_dim3A_41 : vector<16xf32> to vector<1x16xf32>
        tpu.vector_store %arg8[%swap3A, %swap3A_44], %swap3A_47 {strides = array<i32>} : memref<128x128xf32, #tpu.memory_space<vmem>>, vector<1x16xf32>,
        %scan3A_48 = arith.constant 0 : i32
        scf.yield %scan3A_48 : i32
      }
      %scan3A_37 = arith.constant 8 : i32
      %scan3A_38 = arith.constant 0 : i32
      scf.yield %scan3A_38 : i32
    }
    %scan3A_6 = arith.constant 128 : i32
    %scan3A_7 = arith.constant 0 : i32
    %scan3A_8 = arith.constant 0 : i32
    %scan3A_9 = arith.constant 5 : i32
    %scan3A_10 = arith.addi %scan3A_8, %scan3A_9 : i32
    %scan3A_11 = arith.constant 1 : i32
    %scan3A_12 = scf.for %scan3A_29 = %scan3A_8 to %scan3A_10 step %scan3A_11 iter_args(%scan3A_30 = %scan3A_7) -> (i32)  : i32 {
      %mul3A_31 = arith.constant 640 : i32
      %mul3A_32 = arith.muli %arg1, %mul3A_31 : i32
      %mul3A_33 = arith.constant 128 : i32
      %mul3A_34 = arith.muli %scan3A_29, %mul3A_33 : i32
      %add3A_35 = arith.addi %mul3A_32, %mul3A_34 : i32
      "tpu.region"() ({
        %run_scoped3A = tpu.sem_alloc : memref<!tpu.dma_semaphore, #tpu.memory_space<semaphore_mem>>
        %dma_start3A = arith.constant 0 : i32
        %dma_start3A_37 = tpu.memref_slice %arg10[%add3A_35, %dma_start3A] : memref<10240x128xf32, #tpu.memory_space<vmem_shared>> -> memref<128x128xf32, #tpu.memory_space<vmem_shared>>
        %dma_start3A_38 = arith.constant 0 : i32
        %dma_start3A_39 = tpu.memref_slice %arg10[%add3A_35, %dma_start3A_38] : memref<10240x128xf32, #tpu.memory_space<vmem_shared>> -> memref<128x128xf32, #tpu.memory_space<vmem_shared>>
        tpu.enqueue_dma source(%arg8 : memref<128x128xf32, #tpu.memory_space<vmem>>) target(%dma_start3A_39 : memref<128x128xf32, #tpu.memory_space<vmem_shared>>) target_semaphore(%run_scoped3A : memref<!tpu.dma_semaphore, #tpu.memory_space<semaphore_mem>>)
        %dma_wait3A = arith.constant 0 : i32
        %dma_wait3A_40 = tpu.memref_slice %arg10[%add3A_35, %dma_wait3A] : memref<10240x128xf32, #tpu.memory_space<vmem_shared>> -> memref<128x128xf32, #tpu.memory_space<vmem_shared>>
        %dma_wait3A_41 = arith.constant 0 : i32
        %dma_wait3A_42 = tpu.memref_slice %arg10[%add3A_35, %dma_wait3A_41] : memref<10240x128xf32, #tpu.memory_space<vmem_shared>> -> memref<128x128xf32, #tpu.memory_space<vmem_shared>>
        tpu.wait_dma2 semaphore(%run_scoped3A : memref<!tpu.dma_semaphore, #tpu.memory_space<semaphore_mem>>) src(%arg8 : memref<128x128xf32, #tpu.memory_space<vmem>>) dst(%dma_wait3A_42 : memref<128x128xf32, #tpu.memory_space<vmem_shared>>)
        tpu.yield
      }) : () -> ()
      %scan3A_36 = arith.constant 0 : i32
      scf.yield %scan3A_36 : i32
    }
    %scan3A_13 = arith.constant 5 : i32
    %barrier3A = arith.constant 0 : index
    tpu.barrier barrier_id(%barrier3A)
    %scan3A_14 = arith.constant 0 : i32
    %scan3A_15 = arith.constant 0 : i32
    %scan3A_16 = arith.constant 5 : i32
    %scan3A_17 = arith.addi %scan3A_15, %scan3A_16 : i32
    %scan3A_18 = arith.constant 1 : i32
    %scan3A_19 = scf.for %scan3A_29 = %scan3A_15 to %scan3A_17 step %scan3A_18 iter_args(%scan3A_30 = %scan3A_14) -> (i32)  : i32 {
      %mul3A_31 = arith.constant 80 : i32
      %mul3A_32 = arith.muli %add3A, %mul3A_31 : i32
      %mul3A_33 = arith.constant 16 : i32
      %mul3A_34 = arith.muli %scan3A_29, %mul3A_33 : i32
      %add3A_35 = arith.addi %mul3A_32, %mul3A_34 : i32
      "tpu.region"() ({
        %run_scoped3A = tpu.sem_alloc : memref<!tpu.dma_semaphore, #tpu.memory_space<semaphore_mem>>
        %dma_start3A = arith.constant 0 : i32
        %dma_start3A_57 = tpu.memref_slice %arg2[%add3A_35, %dma_start3A] : memref<2560x128xi32, #tpu.memory_space<hbm>> -> memref<16x128xi32, #tpu.memory_space<hbm>>
        %dma_start3A_58 = arith.constant 0 : i32
        %dma_start3A_59 = tpu.memref_slice %arg2[%add3A_35, %dma_start3A_58] : memref<2560x128xi32, #tpu.memory_space<hbm>> -> memref<16x128xi32, #tpu.memory_space<hbm>>
        tpu.enqueue_dma source(%dma_start3A_59 : memref<16x128xi32, #tpu.memory_space<hbm>>) target(%arg6 : memref<16x128xi32, #tpu.memory_space<vmem>>) target_semaphore(%run_scoped3A : memref<!tpu.dma_semaphore, #tpu.memory_space<semaphore_mem>>)
        %dma_wait3A_60 = arith.constant 0 : i32
        %dma_wait3A_61 = tpu.memref_slice %arg2[%add3A_35, %dma_wait3A_60] : memref<2560x128xi32, #tpu.memory_space<hbm>> -> memref<16x128xi32, #tpu.memory_space<hbm>>
        %dma_wait3A_62 = arith.constant 0 : i32
        %dma_wait3A_63 = tpu.memref_slice %arg2[%add3A_35, %dma_wait3A_62] : memref<2560x128xi32, #tpu.memory_space<hbm>> -> memref<16x128xi32, #tpu.memory_space<hbm>>
        tpu.wait_dma2 semaphore(%run_scoped3A : memref<!tpu.dma_semaphore, #tpu.memory_space<semaphore_mem>>) src(%dma_wait3A_63 : memref<16x128xi32, #tpu.memory_space<hbm>>) dst(%arg6 : memref<16x128xi32, #tpu.memory_space<vmem>>)
        tpu.yield
      }) : () -> ()
      "tpu.region"() ({
        %run_scoped3A = tpu.sem_alloc : memref<!tpu.dma_semaphore, #tpu.memory_space<semaphore_mem>>
        %dma_start3A = arith.constant 0 : i32
        %dma_start3A_57 = tpu.memref_slice %arg3[%add3A_35, %dma_start3A] : memref<2560x128xi32, #tpu.memory_space<hbm>> -> memref<16x128xi32, #tpu.memory_space<hbm>>
        %dma_start3A_58 = arith.constant 0 : i32
        %dma_start3A_59 = tpu.memref_slice %arg3[%add3A_35, %dma_start3A_58] : memref<2560x128xi32, #tpu.memory_space<hbm>> -> memref<16x128xi32, #tpu.memory_space<hbm>>
        tpu.enqueue_dma source(%dma_start3A_59 : memref<16x128xi32, #tpu.memory_space<hbm>>) target(%arg7 : memref<16x128xi32, #tpu.memory_space<vmem>>) target_semaphore(%run_scoped3A : memref<!tpu.dma_semaphore, #tpu.memory_space<semaphore_mem>>)
        %dma_wait3A_60 = arith.constant 0 : i32
        %dma_wait3A_61 = tpu.memref_slice %arg3[%add3A_35, %dma_wait3A_60] : memref<2560x128xi32, #tpu.memory_space<hbm>> -> memref<16x128xi32, #tpu.memory_space<hbm>>
        %dma_wait3A_62 = arith.constant 0 : i32
        %dma_wait3A_63 = tpu.memref_slice %arg3[%add3A_35, %dma_wait3A_62] : memref<2560x128xi32, #tpu.memory_space<hbm>> -> memref<16x128xi32, #tpu.memory_space<hbm>>
        tpu.wait_dma2 semaphore(%run_scoped3A : memref<!tpu.dma_semaphore, #tpu.memory_space<semaphore_mem>>) src(%dma_wait3A_63 : memref<16x128xi32, #tpu.memory_space<hbm>>) dst(%arg7 : memref<16x128xi32, #tpu.memory_space<vmem>>)
        tpu.yield
      }) : () -> ()
      %scan3A_36 = arith.constant 0 : i32
      %scan3A_37 = arith.constant 0 : i32
      %scan3A_38 = arith.constant 8 : i32
      %scan3A_39 = arith.addi %scan3A_37, %scan3A_38 : i32
      %scan3A_40 = arith.constant 1 : i32
      %scan3A_41 = scf.for %scan3A_57 = %scan3A_37 to %scan3A_39 step %scan3A_40 iter_args(%scan3A_58 = %scan3A_36) -> (i32)  : i32 {
        %mul3A_59 = arith.constant 2 : i32
        %mul3A_60 = arith.muli %scan3A_57, %mul3A_59 : i32
        %add3A_61 = arith.constant 0 : i32
        %add3A_62 = arith.addi %mul3A_60, %add3A_61 : i32
        %gt3A = arith.constant 0 : i32
        %gt3A_63 = arith.cmpi sgt, %scan3A_57, %gt3A : i32
        %convert_element_type3A = arith.extui %gt3A_63 : i1 to i32
        %cond3A = arith.constant 0 : i32
        %cond3A_64 = arith.cmpi ne, %convert_element_type3A, %cond3A : i32
        scf.if %cond3A_64 {
          %dma_wait3A_118 = arith.constant 0 : i32
          %dma_wait3A_119 = tpu.memref_slice %arg7[%add3A_62, %dma_wait3A_118] : memref<16x128xi32, #tpu.memory_space<vmem>> -> memref<1x128xi32, #tpu.memory_space<vmem>>
          %dma_wait3A_120 = tpu.memref_squeeze %dma_wait3A_119 : memref<1x128xi32, #tpu.memory_space<vmem>> -> memref<128xi32, #tpu.memory_space<vmem>>
          %dma_wait3A_121 = arith.constant 0 : i32
          %dma_wait3A_122 = arith.constant 0 : i32
          %dma_wait3A_123 = tpu.memref_slice %arg10[%dma_wait3A_121, %dma_wait3A_122] : memref<10240x128xf32, #tpu.memory_space<vmem_shared>> -> memref<10240x128xf32, #tpu.memory_space<vmem_shared>>
          tpu.wait_indirect_dma semaphore(%arg13 : memref<!tpu.dma_semaphore, #tpu.memory_space<semaphore_mem>>) src(%arg8 : memref<128x128xf32, #tpu.memory_space<vmem>>) dst(%dma_wait3A_123 : memref<10240x128xf32, #tpu.memory_space<vmem_shared>>)
        } else {
        }
        %dma_start3A = arith.constant 0 : i32
        %dma_start3A_65 = tpu.memref_slice %arg6[%add3A_62, %dma_start3A] : memref<16x128xi32, #tpu.memory_space<vmem>> -> memref<1x128xi32, #tpu.memory_space<vmem>>
        %dma_start3A_66 = tpu.memref_squeeze %dma_start3A_65 : memref<1x128xi32, #tpu.memory_space<vmem>> -> memref<128xi32, #tpu.memory_space<vmem>>
        %dma_start3A_67 = arith.constant 0 : i32
        %dma_start3A_68 = arith.constant 0 : i32
        %dma_start3A_69 = tpu.memref_slice %arg4[%dma_start3A_67, %dma_start3A_68] : memref<10240x128xf32, #tpu.memory_space<hbm>> -> memref<10240x128xf32, #tpu.memory_space<hbm>>
        tpu.enqueue_indirect_dma source(%dma_start3A_69 : memref<10240x128xf32, #tpu.memory_space<hbm>>) target(%arg8 : memref<128x128xf32, #tpu.memory_space<vmem>>) offsets(%dma_start3A_66 : memref<128xi32, #tpu.memory_space<vmem>>) semaphore(%arg11 : memref<!tpu.dma_semaphore, #tpu.memory_space<semaphore_mem>>)
        %mul3A_70 = arith.constant 2 : i32
        %mul3A_71 = arith.muli %scan3A_57, %mul3A_70 : i32
        %add3A_72 = arith.constant 1 : i32
        %add3A_73 = arith.addi %mul3A_71, %add3A_72 : i32
        %gt3A_74 = arith.constant 0 : i32
        %gt3A_75 = arith.cmpi sgt, %scan3A_57, %gt3A_74 : i32
        %convert_element_type3A_76 = arith.extui %gt3A_75 : i1 to i32
        %cond3A_77 = arith.constant 0 : i32
        %cond3A_78 = arith.cmpi ne, %convert_element_type3A_76, %cond3A_77 : i32
        scf.if %cond3A_78 {
          %dma_wait3A_118 = arith.constant 0 : i32
          %dma_wait3A_119 = tpu.memref_slice %arg7[%add3A_73, %dma_wait3A_118] : memref<16x128xi32, #tpu.memory_space<vmem>> -> memref<1x128xi32, #tpu.memory_space<vmem>>
          %dma_wait3A_120 = tpu.memref_squeeze %dma_wait3A_119 : memref<1x128xi32, #tpu.memory_space<vmem>> -> memref<128xi32, #tpu.memory_space<vmem>>
          %dma_wait3A_121 = arith.constant 0 : i32
          %dma_wait3A_122 = arith.constant 0 : i32
          %dma_wait3A_123 = tpu.memref_slice %arg10[%dma_wait3A_121, %dma_wait3A_122] : memref<10240x128xf32, #tpu.memory_space<vmem_shared>> -> memref<10240x128xf32, #tpu.memory_space<vmem_shared>>
          tpu.wait_indirect_dma semaphore(%arg14 : memref<!tpu.dma_semaphore, #tpu.memory_space<semaphore_mem>>) src(%arg9 : memref<128x128xf32, #tpu.memory_space<vmem>>) dst(%dma_wait3A_123 : memref<10240x128xf32, #tpu.memory_space<vmem_shared>>)
        } else {
        }
        %dma_start3A_79 = arith.constant 0 : i32
        %dma_start3A_80 = tpu.memref_slice %arg6[%add3A_73, %dma_start3A_79] : memref<16x128xi32, #tpu.memory_space<vmem>> -> memref<1x128xi32, #tpu.memory_space<vmem>>
        %dma_start3A_81 = tpu.memref_squeeze %dma_start3A_80 : memref<1x128xi32, #tpu.memory_space<vmem>> -> memref<128xi32, #tpu.memory_space<vmem>>
        %dma_start3A_82 = arith.constant 0 : i32
        %dma_start3A_83 = arith.constant 0 : i32
        %dma_start3A_84 = tpu.memref_slice %arg4[%dma_start3A_82, %dma_start3A_83] : memref<10240x128xf32, #tpu.memory_space<hbm>> -> memref<10240x128xf32, #tpu.memory_space<hbm>>
        tpu.enqueue_indirect_dma source(%dma_start3A_84 : memref<10240x128xf32, #tpu.memory_space<hbm>>) target(%arg9 : memref<128x128xf32, #tpu.memory_space<vmem>>) offsets(%dma_start3A_81 : memref<128xi32, #tpu.memory_space<vmem>>) semaphore(%arg12 : memref<!tpu.dma_semaphore, #tpu.memory_space<semaphore_mem>>)
        %mul3A_85 = arith.constant 2 : i32
        %mul3A_86 = arith.muli %scan3A_57, %mul3A_85 : i32
        %add3A_87 = arith.constant 0 : i32
        %add3A_88 = arith.addi %mul3A_86, %add3A_87 : i32
        %dma_wait3A_89 = arith.constant 0 : i32
        %dma_wait3A_90 = tpu.memref_slice %arg6[%add3A_62, %dma_wait3A_89] : memref<16x128xi32, #tpu.memory_space<vmem>> -> memref<1x128xi32, #tpu.memory_space<vmem>>
        %dma_wait3A_91 = tpu.memref_squeeze %dma_wait3A_90 : memref<1x128xi32, #tpu.memory_space<vmem>> -> memref<128xi32, #tpu.memory_space<vmem>>
        %dma_wait3A_92 = arith.constant 0 : i32
        %dma_wait3A_93 = arith.constant 0 : i32
        %dma_wait3A_94 = tpu.memref_slice %arg4[%dma_wait3A_92, %dma_wait3A_93] : memref<10240x128xf32, #tpu.memory_space<hbm>> -> memref<10240x128xf32, #tpu.memory_space<hbm>>
        tpu.wait_indirect_dma semaphore(%arg11 : memref<!tpu.dma_semaphore, #tpu.memory_space<semaphore_mem>>) src(%dma_wait3A_94 : memref<10240x128xf32, #tpu.memory_space<hbm>>) dst(%arg8 : memref<128x128xf32, #tpu.memory_space<vmem>>)
        %dma_start3A_95 = arith.constant 0 : i32
        %dma_start3A_96 = tpu.memref_slice %arg7[%add3A_88, %dma_start3A_95] : memref<16x128xi32, #tpu.memory_space<vmem>> -> memref<1x128xi32, #tpu.memory_space<vmem>>
        %dma_start3A_97 = tpu.memref_squeeze %dma_start3A_96 : memref<1x128xi32, #tpu.memory_space<vmem>> -> memref<128xi32, #tpu.memory_space<vmem>>
        %dma_start3A_98 = arith.constant 0 : i32
        %dma_start3A_99 = arith.constant 0 : i32
        %dma_start3A_100 = tpu.memref_slice %arg10[%dma_start3A_98, %dma_start3A_99] : memref<10240x128xf32, #tpu.memory_space<vmem_shared>> -> memref<10240x128xf32, #tpu.memory_space<vmem_shared>>
        tpu.enqueue_indirect_dma source(%arg8 : memref<128x128xf32, #tpu.memory_space<vmem>>) target(%dma_start3A_100 : memref<10240x128xf32, #tpu.memory_space<vmem_shared>>) offsets(%dma_start3A_97 : memref<128xi32, #tpu.memory_space<vmem>>) semaphore(%arg13 : memref<!tpu.dma_semaphore, #tpu.memory_space<semaphore_mem>>) {add = true}
        %mul3A_101 = arith.constant 2 : i32
        %mul3A_102 = arith.muli %scan3A_57, %mul3A_101 : i32
        %add3A_103 = arith.constant 1 : i32
        %add3A_104 = arith.addi %mul3A_102, %add3A_103 : i32
        %dma_wait3A_105 = arith.constant 0 : i32
        %dma_wait3A_106 = tpu.memref_slice %arg6[%add3A_73, %dma_wait3A_105] : memref<16x128xi32, #tpu.memory_space<vmem>> -> memref<1x128xi32, #tpu.memory_space<vmem>>
        %dma_wait3A_107 = tpu.memref_squeeze %dma_wait3A_106 : memref<1x128xi32, #tpu.memory_space<vmem>> -> memref<128xi32, #tpu.memory_space<vmem>>
        %dma_wait3A_108 = arith.constant 0 : i32
        %dma_wait3A_109 = arith.constant 0 : i32
        %dma_wait3A_110 = tpu.memref_slice %arg4[%dma_wait3A_108, %dma_wait3A_109] : memref<10240x128xf32, #tpu.memory_space<hbm>> -> memref<10240x128xf32, #tpu.memory_space<hbm>>
        tpu.wait_indirect_dma semaphore(%arg12 : memref<!tpu.dma_semaphore, #tpu.memory_space<semaphore_mem>>) src(%dma_wait3A_110 : memref<10240x128xf32, #tpu.memory_space<hbm>>) dst(%arg9 : memref<128x128xf32, #tpu.memory_space<vmem>>)
        %dma_start3A_111 = arith.constant 0 : i32
        %dma_start3A_112 = tpu.memref_slice %arg7[%add3A_104, %dma_start3A_111] : memref<16x128xi32, #tpu.memory_space<vmem>> -> memref<1x128xi32, #tpu.memory_space<vmem>>
        %dma_start3A_113 = tpu.memref_squeeze %dma_start3A_112 : memref<1x128xi32, #tpu.memory_space<vmem>> -> memref<128xi32, #tpu.memory_space<vmem>>
        %dma_start3A_114 = arith.constant 0 : i32
        %dma_start3A_115 = arith.constant 0 : i32
        %dma_start3A_116 = tpu.memref_slice %arg10[%dma_start3A_114, %dma_start3A_115] : memref<10240x128xf32, #tpu.memory_space<vmem_shared>> -> memref<10240x128xf32, #tpu.memory_space<vmem_shared>>
        tpu.enqueue_indirect_dma source(%arg9 : memref<128x128xf32, #tpu.memory_space<vmem>>) target(%dma_start3A_116 : memref<10240x128xf32, #tpu.memory_space<vmem_shared>>) offsets(%dma_start3A_113 : memref<128xi32, #tpu.memory_space<vmem>>) semaphore(%arg14 : memref<!tpu.dma_semaphore, #tpu.memory_space<semaphore_mem>>) {add = true}
        %scan3A_117 = arith.constant 0 : i32
        scf.yield %scan3A_117 : i32
      }
      %scan3A_42 = arith.constant 8 : i32
      %dma_wait3A = arith.constant 0 : i32
      %dma_wait3A_43 = arith.constant 0 : i32
      %dma_wait3A_44 = tpu.memref_slice %arg7[%dma_wait3A, %dma_wait3A_43] : memref<16x128xi32, #tpu.memory_space<vmem>> -> memref<1x128xi32, #tpu.memory_space<vmem>>
      %dma_wait3A_45 = tpu.memref_squeeze %dma_wait3A_44 : memref<1x128xi32, #tpu.memory_space<vmem>> -> memref<128xi32, #tpu.memory_space<vmem>>
      %dma_wait3A_46 = arith.constant 0 : i32
      %dma_wait3A_47 = arith.constant 0 : i32
      %dma_wait3A_48 = tpu.memref_slice %arg10[%dma_wait3A_46, %dma_wait3A_47] : memref<10240x128xf32, #tpu.memory_space<vmem_shared>> -> memref<10240x128xf32, #tpu.memory_space<vmem_shared>>
      tpu.wait_indirect_dma semaphore(%arg13 : memref<!tpu.dma_semaphore, #tpu.memory_space<semaphore_mem>>) src(%arg8 : memref<128x128xf32, #tpu.memory_space<vmem>>) dst(%dma_wait3A_48 : memref<10240x128xf32, #tpu.memory_space<vmem_shared>>)
      %dma_wait3A_49 = arith.constant 1 : i32
      %dma_wait3A_50 = arith.constant 0 : i32
      %dma_wait3A_51 = tpu.memref_slice %arg7[%dma_wait3A_49, %dma_wait3A_50] : memref<16x128xi32, #tpu.memory_space<vmem>> -> memref<1x128xi32, #tpu.memory_space<vmem>>
      %dma_wait3A_52 = tpu.memref_squeeze %dma_wait3A_51 : memref<1x128xi32, #tpu.memory_space<vmem>> -> memref<128xi32, #tpu.memory_space<vmem>>
      %dma_wait3A_53 = arith.constant 0 : i32
      %dma_wait3A_54 = arith.constant 0 : i32
      %dma_wait3A_55 = tpu.memref_slice %arg10[%dma_wait3A_53, %dma_wait3A_54] : memref<10240x128xf32, #tpu.memory_space<vmem_shared>> -> memref<10240x128xf32, #tpu.memory_space<vmem_shared>>
      tpu.wait_indirect_dma semaphore(%arg14 : memref<!tpu.dma_semaphore, #tpu.memory_space<semaphore_mem>>) src(%arg9 : memref<128x128xf32, #tpu.memory_space<vmem>>) dst(%dma_wait3A_55 : memref<10240x128xf32, #tpu.memory_space<vmem_shared>>)
      %scan3A_56 = arith.constant 0 : i32
      scf.yield %scan3A_56 : i32
    }
    %scan3A_20 = arith.constant 5 : i32
    %barrier3A_21 = arith.constant 0 : index
    tpu.barrier barrier_id(%barrier3A_21)
    %scan3A_22 = arith.constant 0 : i32
    %scan3A_23 = arith.constant 0 : i32
    %scan3A_24 = arith.constant 5 : i32
    %scan3A_25 = arith.addi %scan3A_23, %scan3A_24 : i32
    %scan3A_26 = arith.constant 1 : i32
    %scan3A_27 = scf.for %scan3A_29 = %scan3A_23 to %scan3A_25 step %scan3A_26 iter_args(%scan3A_30 = %scan3A_22) -> (i32)  : i32 {
      %mul3A_31 = arith.constant 640 : i32
      %mul3A_32 = arith.muli %arg1, %mul3A_31 : i32
      %mul3A_33 = arith.constant 128 : i32
      %mul3A_34 = arith.muli %scan3A_29, %mul3A_33 : i32
      %add3A_35 = arith.addi %mul3A_32, %mul3A_34 : i32
      "tpu.region"() ({
        %run_scoped3A = tpu.sem_alloc : memref<!tpu.dma_semaphore, #tpu.memory_space<semaphore_mem>>
        %dma_start3A = arith.constant 0 : i32
        %dma_start3A_45 = tpu.memref_slice %arg10[%add3A_35, %dma_start3A] : memref<10240x128xf32, #tpu.memory_space<vmem_shared>> -> memref<128x128xf32, #tpu.memory_space<vmem_shared>>
        %dma_start3A_46 = arith.constant 0 : i32
        %dma_start3A_47 = tpu.memref_slice %arg10[%add3A_35, %dma_start3A_46] : memref<10240x128xf32, #tpu.memory_space<vmem_shared>> -> memref<128x128xf32, #tpu.memory_space<vmem_shared>>
        tpu.enqueue_dma source(%dma_start3A_47 : memref<128x128xf32, #tpu.memory_space<vmem_shared>>) target(%arg8 : memref<128x128xf32, #tpu.memory_space<vmem>>) target_semaphore(%run_scoped3A : memref<!tpu.dma_semaphore, #tpu.memory_space<semaphore_mem>>)
        %dma_wait3A = arith.constant 0 : i32
        %dma_wait3A_48 = tpu.memref_slice %arg10[%add3A_35, %dma_wait3A] : memref<10240x128xf32, #tpu.memory_space<vmem_shared>> -> memref<128x128xf32, #tpu.memory_space<vmem_shared>>
        %dma_wait3A_49 = arith.constant 0 : i32
        %dma_wait3A_50 = tpu.memref_slice %arg10[%add3A_35, %dma_wait3A_49] : memref<10240x128xf32, #tpu.memory_space<vmem_shared>> -> memref<128x128xf32, #tpu.memory_space<vmem_shared>>
        tpu.wait_dma2 semaphore(%run_scoped3A : memref<!tpu.dma_semaphore, #tpu.memory_space<semaphore_mem>>) src(%dma_wait3A_50 : memref<128x128xf32, #tpu.memory_space<vmem_shared>>) dst(%arg8 : memref<128x128xf32, #tpu.memory_space<vmem>>)
        tpu.yield
      }) : () -> ()
      %mul3A_36 = arith.constant 10240 : i32
      %mul3A_37 = arith.muli %arg0, %mul3A_36 : i32
      %mul3A_38 = arith.constant 640 : i32
      %mul3A_39 = arith.muli %arg1, %mul3A_38 : i32
      %add3A_40 = arith.addi %mul3A_37, %mul3A_39 : i32
      %mul3A_41 = arith.constant 128 : i32
      %mul3A_42 = arith.muli %scan3A_29, %mul3A_41 : i32
      %add3A_43 = arith.addi %add3A_40, %mul3A_42 : i32
      "tpu.region"() ({
        %run_scoped3A = tpu.sem_alloc : memref<!tpu.dma_semaphore, #tpu.memory_space<semaphore_mem>>
        %dma_start3A = arith.constant 0 : i32
        %dma_start3A_45 = tpu.memref_slice %arg5[%add3A_43, %dma_start3A] : memref<20480x128xf32, #tpu.memory_space<hbm>> -> memref<128x128xf32, #tpu.memory_space<hbm>>
        %dma_start3A_46 = arith.constant 0 : i32
        %dma_start3A_47 = tpu.memref_slice %arg5[%add3A_43, %dma_start3A_46] : memref<20480x128xf32, #tpu.memory_space<hbm>> -> memref<128x128xf32, #tpu.memory_space<hbm>>
        tpu.enqueue_dma source(%arg8 : memref<128x128xf32, #tpu.memory_space<vmem>>) target(%dma_start3A_47 : memref<128x128xf32, #tpu.memory_space<hbm>>) target_semaphore(%run_scoped3A : memref<!tpu.dma_semaphore, #tpu.memory_space<semaphore_mem>>)
        %dma_wait3A = arith.constant 0 : i32
        %dma_wait3A_48 = tpu.memref_slice %arg5[%add3A_43, %dma_wait3A] : memref<20480x128xf32, #tpu.memory_space<hbm>> -> memref<128x128xf32, #tpu.memory_space<hbm>>
        %dma_wait3A_49 = arith.constant 0 : i32
        %dma_wait3A_50 = tpu.memref_slice %arg5[%add3A_43, %dma_wait3A_49] : memref<20480x128xf32, #tpu.memory_space<hbm>> -> memref<128x128xf32, #tpu.memory_space<hbm>>
        tpu.wait_dma2 semaphore(%run_scoped3A : memref<!tpu.dma_semaphore, #tpu.memory_space<semaphore_mem>>) src(%arg8 : memref<128x128xf32, #tpu.memory_space<vmem>>) dst(%dma_wait3A_50 : memref<128x128xf32, #tpu.memory_space<hbm>>)
        tpu.yield
      }) : () -> ()
      %scan3A_44 = arith.constant 0 : i32
      scf.yield %scan3A_44 : i32
    }
    %scan3A_28 = arith.constant 5 : i32
    return
  }
}

module attributes {stable_mosaic.version = 14 : i64} {
  func.func @_tc0_body(%arg0: i32, %arg1: memref<512x128xf32, #tpu.memory_space<vmem>>, %arg2: memref<128x128xf32, #tpu.memory_space<vmem>>, %arg3: memref<512x128xf32, #tpu.memory_space<vmem>>) attributes {dimension_semantics = [#tpu.dimension_semantics<arbitrary>], iteration_bounds = array<i64: 20>, scalar_prefetch = 0 : i64, scratch_operands = 0 : i64, tpu.core_type = #tpu.core_type<tc>, window_params = [{transform_indices = @transform_0, window_bounds = array<i64: 512, 128>}, {pipeline_mode = #tpu.pipeline_mode<synchronous>, transform_indices = @transform_1, window_bounds = array<i64: 128, 128>}, {transform_indices = @transform_2, window_bounds = array<i64: 512, 128>}]} {
    %get3A = arith.constant 0 : index
    %get3A_0 = arith.constant 0 : index
    %get3A_1 = vector.load %arg1[%get3A, %get3A_0] : memref<512x128xf32, #tpu.memory_space<vmem>>, vector<512x128xf32>
    %get3A_2 = arith.constant 0 : index
    %get3A_3 = arith.constant 0 : index
    %get3A_4 = vector.load %arg2[%get3A_2, %get3A_3] : memref<128x128xf32, #tpu.memory_space<vmem>>, vector<128x128xf32>
    %dot_general3A = arith.constant dense<0.000000e+00> : vector<512x128xf32>
    %dot_general3A_5 = tpu.matmul %get3A_1, %get3A_4, %dot_general3A {dimension_numbers = #tpu.dot_dimension_numbers<[1], [0], [0], [1], [0, 0, 1, 1], [], []>, transpose_lhs_hint = false} : vector<512x128xf32>, vector<128x128xf32>, vector<512x128xf32> -> vector<512x128xf32>
    %swap3A = arith.constant 0 : index
    %swap3A_6 = arith.constant 0 : index
    %swap3A_7 = vector.load %arg3[%swap3A, %swap3A_6] : memref<512x128xf32, #tpu.memory_space<vmem>>, vector<512x128xf32>
    tpu.vector_store %arg3[%swap3A, %swap3A_6], %dot_general3A_5 {strides = array<i32>} : memref<512x128xf32, #tpu.memory_space<vmem>>, vector<512x128xf32>,
    return
  }
  func.func @transform_0(%arg0: i32) -> (i32, i32) {
    %c0_i32 = arith.constant 0 : i32
    %c0_i32_0 = arith.constant 0 : i32
    return %arg0, %c0_i32 : i32, i32
  }
  func.func @transform_1(%arg0: i32) -> (i32, i32) {
    %c0_i32 = arith.constant 0 : i32
    %c0_i32_0 = arith.constant 0 : i32
    %c0_i32_1 = arith.constant 0 : i32
    return %c0_i32, %c0_i32_0 : i32, i32
  }
  func.func @transform_2(%arg0: i32) -> (i32, i32) {
    %c0_i32 = arith.constant 0 : i32
    %c0_i32_0 = arith.constant 0 : i32
    return %arg0, %c0_i32 : i32, i32
  }
}

module attributes {stable_mosaic.version = 14 : i64} {
  func.func @_tc1_body(%arg0: i32, %arg1: memref<512x128xf32, #tpu.memory_space<vmem>>, %arg2: memref<1x512x1xf32, #tpu.memory_space<vmem>>, %arg3: memref<1x512x1xf32, #tpu.memory_space<vmem>>, %arg4: memref<512x128xf32, #tpu.memory_space<vmem>>, %arg5: memref<512x1xf32, #tpu.memory_space<vmem>>) attributes {dimension_semantics = [#tpu.dimension_semantics<arbitrary>], iteration_bounds = array<i64: 20>, scalar_prefetch = 0 : i64, scratch_operands = 0 : i64, tpu.core_type = #tpu.core_type<tc>, window_params = [{transform_indices = @transform_0, window_bounds = array<i64: 512, 128>}, {transform_indices = @transform_1, window_bounds = array<i64: 1, 512, 1>}, {transform_indices = @transform_2, window_bounds = array<i64: 1, 512, 1>}, {transform_indices = @transform_3, window_bounds = array<i64: 512, 128>}, {transform_indices = @transform_4, window_bounds = array<i64: 512, 1>}]} {
    %get3A = arith.constant 0 : index
    %get3A_0 = arith.constant 0 : index
    %get3A_1 = arith.constant 0 : index
    %get3A_2 = vector.load %arg2[%get3A, %get3A_0, %get3A_1] : memref<1x512x1xf32, #tpu.memory_space<vmem>>, vector<1x512x1xf32>
    %get3A_3 = vector.shape_cast %get3A_2 : vector<1x512x1xf32> to vector<512x1xf32>
    %get3A_4 = arith.constant 0 : index
    %get3A_5 = arith.constant 0 : index
    %get3A_6 = arith.constant 0 : index
    %get3A_7 = vector.load %arg3[%get3A_4, %get3A_5, %get3A_6] : memref<1x512x1xf32, #tpu.memory_space<vmem>>, vector<1x512x1xf32>
    %get3A_8 = vector.shape_cast %get3A_7 : vector<1x512x1xf32> to vector<512x1xf32>
    %add3A = arith.addf %get3A_3, %get3A_8 : vector<512x1xf32>
    %add3A_9 = arith.constant 1.000000e+00 : f32
    %add3A_10 = vector.broadcast %add3A_9 : f32 to vector<512x1xf32>
    %add3A_11 = arith.addf %add3A, %add3A_10 : vector<512x1xf32>
    %sqrt3A = math.sqrt %add3A_11 : vector<512x1xf32>
    %div3A = arith.constant 1.000000e+00 : f32
    %div3A_12 = vector.broadcast %div3A : f32 to vector<512x1xf32>
    %div3A_13 = arith.divf %div3A_12, %sqrt3A : vector<512x1xf32>
    %get3A_14 = arith.constant 0 : index
    %get3A_15 = arith.constant 0 : index
    %get3A_16 = vector.load %arg1[%get3A_14, %get3A_15] : memref<512x128xf32, #tpu.memory_space<vmem>>, vector<512x128xf32>
    %mul3A = vector.broadcast %div3A_13 : vector<512x1xf32> to vector<512x128xf32>
    %mul3A_17 = arith.mulf %get3A_16, %mul3A : vector<512x128xf32>
    %swap3A = arith.constant 0 : index
    %swap3A_18 = arith.constant 0 : index
    %swap3A_19 = vector.load %arg4[%swap3A, %swap3A_18] : memref<512x128xf32, #tpu.memory_space<vmem>>, vector<512x128xf32>
    tpu.vector_store %arg4[%swap3A, %swap3A_18], %mul3A_17 {strides = array<i32>} : memref<512x128xf32, #tpu.memory_space<vmem>>, vector<512x128xf32>,
    %swap3A_20 = arith.constant 0 : index
    %swap3A_21 = arith.constant 0 : index
    %swap3A_22 = vector.load %arg5[%swap3A_20, %swap3A_21] : memref<512x1xf32, #tpu.memory_space<vmem>>, vector<512x1xf32>
    tpu.vector_store %arg5[%swap3A_20, %swap3A_21], %div3A_13 {strides = array<i32>} : memref<512x1xf32, #tpu.memory_space<vmem>>, vector<512x1xf32>,
    return
  }
  func.func @transform_0(%arg0: i32) -> (i32, i32) {
    %c0_i32 = arith.constant 0 : i32
    %c0_i32_0 = arith.constant 0 : i32
    return %arg0, %c0_i32 : i32, i32
  }
  func.func @transform_1(%arg0: i32) -> (i32, i32, i32) {
    %c0_i32 = arith.constant 0 : i32
    %c0_i32_0 = arith.constant 0 : i32
    %c0_i32_1 = arith.constant 0 : i32
    return %c0_i32, %arg0, %c0_i32_0 : i32, i32, i32
  }
  func.func @transform_2(%arg0: i32) -> (i32, i32, i32) {
    %c1_i32 = arith.constant 1 : i32
    %c0_i32 = arith.constant 0 : i32
    %c0_i32_0 = arith.constant 0 : i32
    return %c1_i32, %arg0, %c0_i32 : i32, i32, i32
  }
  func.func @transform_3(%arg0: i32) -> (i32, i32) {
    %c0_i32 = arith.constant 0 : i32
    %c0_i32_0 = arith.constant 0 : i32
    return %arg0, %c0_i32 : i32, i32
  }
  func.func @transform_4(%arg0: i32) -> (i32, i32) {
    %c0_i32 = arith.constant 0 : i32
    %c0_i32_0 = arith.constant 0 : i32
    return %arg0, %c0_i32 : i32, i32
  }
}

module attributes {stable_mosaic.version = 14 : i64} {
  func.func @_tc2_body(%arg0: i32, %arg1: memref<1x512x128xf32, #tpu.memory_space<vmem>>, %arg2: memref<1x512x128xf32, #tpu.memory_space<vmem>>, %arg3: memref<512x128xf32, #tpu.memory_space<vmem>>, %arg4: memref<512x1xf32, #tpu.memory_space<vmem>>, %arg5: memref<1x512x1xf32, #tpu.memory_space<vmem>>, %arg6: memref<1x512x1xf32, #tpu.memory_space<vmem>>, %arg7: memref<1x128xf32, #tpu.memory_space<vmem>>, %arg8: memref<1x16xf32, #tpu.memory_space<vmem>>, %arg9: memref<16x8xf32, #tpu.memory_space<vmem>>, %arg10: memref<1x8xf32, #tpu.memory_space<vmem>>, %arg11: memref<8x128xf32, #tpu.memory_space<vmem>>, %arg12: memref<1x128xf32, #tpu.memory_space<vmem>>, %arg13: memref<128x128xf32, #tpu.memory_space<vmem>>, %arg14: memref<128x128xf32, #tpu.memory_space<vmem>>, %arg15: memref<512x128xf32, #tpu.memory_space<vmem>>, %arg16: memref<512x1xf32, #tpu.memory_space<vmem>>) attributes {dimension_semantics = [#tpu.dimension_semantics<arbitrary>], iteration_bounds = array<i64: 20>, scalar_prefetch = 0 : i64, scratch_operands = 0 : i64, tpu.core_type = #tpu.core_type<tc>, window_params = [{transform_indices = @transform_0, window_bounds = array<i64: 1, 512, 128>}, {transform_indices = @transform_1, window_bounds = array<i64: 1, 512, 128>}, {transform_indices = @transform_2, window_bounds = array<i64: 512, 128>}, {transform_indices = @transform_3, window_bounds = array<i64: 512, 1>}, {transform_indices = @transform_4, window_bounds = array<i64: 1, 512, 1>}, {transform_indices = @transform_5, window_bounds = array<i64: 1, 512, 1>}, {pipeline_mode = #tpu.pipeline_mode<synchronous>, transform_indices = @transform_6, window_bounds = array<i64: 1, 128>}, {pipeline_mode = #tpu.pipeline_mode<synchronous>, transform_indices = @transform_7, window_bounds = array<i64: 1, 16>}, {pipeline_mode = #tpu.pipeline_mode<synchronous>, transform_indices = @transform_8, window_bounds = array<i64: 16, 8>}, {pipeline_mode = #tpu.pipeline_mode<synchronous>, transform_indices = @transform_9, window_bounds = array<i64: 1, 8>}, {pipeline_mode = #tpu.pipeline_mode<synchronous>, transform_indices = @transform_10, window_bounds = array<i64: 8, 128>}, {pipeline_mode = #tpu.pipeline_mode<synchronous>, transform_indices = @transform_11, window_bounds = array<i64: 1, 128>}, {pipeline_mode = #tpu.pipeline_mode<synchronous>, transform_indices = @transform_12, window_bounds = array<i64: 128, 128>}, {pipeline_mode = #tpu.pipeline_mode<synchronous>, transform_indices = @transform_13, window_bounds = array<i64: 128, 128>}, {transform_indices = @transform_14, window_bounds = array<i64: 512, 128>}, {transform_indices = @transform_15, window_bounds = array<i64: 512, 1>}]} {
    %iota3A = tpu.iota {dimensions = array<i32: 0>} : vector<512x1xi32>
    %mul3A = arith.constant 512 : i32
    %mul3A_0 = arith.muli %arg0, %mul3A : i32
    %add3A = vector.broadcast %mul3A_0 : i32 to vector<512x1xi32>
    %add3A_1 = arith.addi %iota3A, %add3A : vector<512x1xi32>
    %lt3A = arith.constant 10000 : i32
    %lt3A_2 = vector.broadcast %lt3A : i32 to vector<512x1xi32>
    %lt3A_3 = arith.cmpi slt, %add3A_1, %lt3A_2 : vector<512x1xi32>
    %convert_element_type3A = arith.extui %lt3A_3 : vector<512x1xi1> to vector<512x1xi32>
    %convert_element_type3A_4 = arith.sitofp %convert_element_type3A : vector<512x1xi32> to vector<512x1xf32>
    %get3A = arith.constant 0 : index
    %get3A_5 = arith.constant 0 : index
    %get3A_6 = vector.load %arg4[%get3A, %get3A_5] : memref<512x1xf32, #tpu.memory_space<vmem>>, vector<512x1xf32>
    %get3A_7 = arith.constant 0 : index
    %get3A_8 = arith.constant 0 : index
    %get3A_9 = arith.constant 0 : index
    %get3A_10 = vector.load %arg1[%get3A_7, %get3A_8, %get3A_9] : memref<1x512x128xf32, #tpu.memory_space<vmem>>, vector<1x512x128xf32>
    %get3A_11 = vector.shape_cast %get3A_10 : vector<1x512x128xf32> to vector<512x128xf32>
    %get3A_12 = arith.constant 0 : index
    %get3A_13 = arith.constant 0 : index
    %get3A_14 = arith.constant 0 : index
    %get3A_15 = vector.load %arg2[%get3A_12, %get3A_13, %get3A_14] : memref<1x512x128xf32, #tpu.memory_space<vmem>>, vector<1x512x128xf32>
    %get3A_16 = vector.shape_cast %get3A_15 : vector<1x512x128xf32> to vector<512x128xf32>
    %add3A_17 = arith.addf %get3A_11, %get3A_16 : vector<512x128xf32>
    %get3A_18 = arith.constant 0 : index
    %get3A_19 = arith.constant 0 : index
    %get3A_20 = vector.load %arg3[%get3A_18, %get3A_19] : memref<512x128xf32, #tpu.memory_space<vmem>>, vector<512x128xf32>
    %add3A_21 = arith.addf %add3A_17, %get3A_20 : vector<512x128xf32>
    %mul3A_22 = vector.broadcast %get3A_6 : vector<512x1xf32> to vector<512x128xf32>
    %mul3A_23 = arith.mulf %mul3A_22, %add3A_21 : vector<512x128xf32>
    %get3A_24 = arith.constant 0 : index
    %get3A_25 = arith.constant 0 : index
    %get3A_26 = vector.load %arg7[%get3A_24, %get3A_25] : memref<1x128xf32, #tpu.memory_space<vmem>>, vector<1x128xf32>
    %add3A_27 = vector.broadcast %get3A_26 : vector<1x128xf32> to vector<512x128xf32>
    %add3A_28 = arith.addf %mul3A_23, %add3A_27 : vector<512x128xf32>
    %max3A = arith.constant 0.000000e+00 : f32
    %max3A_29 = vector.broadcast %max3A : f32 to vector<512x128xf32>
    %max3A_30 = arith.maximumf %add3A_28, %max3A_29 : vector<512x128xf32>
    %mul3A_31 = vector.broadcast %convert_element_type3A_4 : vector<512x1xf32> to vector<512x128xf32>
    %mul3A_32 = arith.mulf %max3A_30, %mul3A_31 : vector<512x128xf32>
    %get3A_33 = arith.constant 0 : index
    %get3A_34 = arith.constant 0 : index
    %get3A_35 = arith.constant 0 : index
    %get3A_36 = vector.load %arg5[%get3A_33, %get3A_34, %get3A_35] : memref<1x512x1xf32, #tpu.memory_space<vmem>>, vector<1x512x1xf32>
    %get3A_37 = vector.shape_cast %get3A_36 : vector<1x512x1xf32> to vector<512x1xf32>
    %get3A_38 = arith.constant 0 : index
    %get3A_39 = arith.constant 0 : index
    %get3A_40 = arith.constant 0 : index
    %get3A_41 = vector.load %arg6[%get3A_38, %get3A_39, %get3A_40] : memref<1x512x1xf32, #tpu.memory_space<vmem>>, vector<1x512x1xf32>
    %get3A_42 = vector.shape_cast %get3A_41 : vector<1x512x1xf32> to vector<512x1xf32>
    %add3A_43 = arith.addf %get3A_37, %get3A_42 : vector<512x1xf32>
    %add3A_44 = arith.addf %add3A_43, %get3A_6 : vector<512x1xf32>
    %mul3A_45 = arith.mulf %add3A_44, %get3A_6 : vector<512x1xf32>
    %mul3A_46 = arith.mulf %mul3A_45, %convert_element_type3A_4 : vector<512x1xf32>
    %swap3A = arith.constant 0 : index
    %swap3A_47 = arith.constant 0 : index
    %swap3A_48 = vector.load %arg16[%swap3A, %swap3A_47] : memref<512x1xf32, #tpu.memory_space<vmem>>, vector<512x1xf32>
    tpu.vector_store %arg16[%swap3A, %swap3A_47], %mul3A_46 {strides = array<i32>} : memref<512x1xf32, #tpu.memory_space<vmem>>, vector<512x1xf32>,
    %get3A_49 = arith.constant 0 : index
    %get3A_50 = arith.constant 0 : index
    %get3A_51 = vector.load %arg8[%get3A_49, %get3A_50] : memref<1x16xf32, #tpu.memory_space<vmem>>, vector<1x16xf32>
    %get3A_52 = arith.constant 0 : index
    %get3A_53 = arith.constant 0 : index
    %get3A_54 = vector.load %arg9[%get3A_52, %get3A_53] : memref<16x8xf32, #tpu.memory_space<vmem>>, vector<16x8xf32>
    %dot_general3A = arith.constant dense<0.000000e+00> : vector<1x8xf32>
    %dot_general3A_55 = tpu.matmul %get3A_51, %get3A_54, %dot_general3A {dimension_numbers = #tpu.dot_dimension_numbers<[1], [0], [0], [1], [0, 0, 1, 1], [], []>, transpose_lhs_hint = false} : vector<1x16xf32>, vector<16x8xf32>, vector<1x8xf32> -> vector<1x8xf32>
    %get3A_56 = arith.constant 0 : index
    %get3A_57 = arith.constant 0 : index
    %get3A_58 = vector.load %arg10[%get3A_56, %get3A_57] : memref<1x8xf32, #tpu.memory_space<vmem>>, vector<1x8xf32>
    %add3A_59 = arith.addf %dot_general3A_55, %get3A_58 : vector<1x8xf32>
    %max3A_60 = arith.constant 0.000000e+00 : f32
    %max3A_61 = vector.broadcast %max3A_60 : f32 to vector<1x8xf32>
    %max3A_62 = arith.maximumf %add3A_59, %max3A_61 : vector<1x8xf32>
    %get3A_63 = arith.constant 0 : index
    %get3A_64 = arith.constant 0 : index
    %get3A_65 = vector.load %arg11[%get3A_63, %get3A_64] : memref<8x128xf32, #tpu.memory_space<vmem>>, vector<8x128xf32>
    %dot_general3A_66 = arith.constant dense<0.000000e+00> : vector<1x128xf32>
    %dot_general3A_67 = tpu.matmul %max3A_62, %get3A_65, %dot_general3A_66 {dimension_numbers = #tpu.dot_dimension_numbers<[1], [0], [0], [1], [0, 0, 1, 1], [], []>, transpose_lhs_hint = false} : vector<1x8xf32>, vector<8x128xf32>, vector<1x128xf32> -> vector<1x128xf32>
    %get3A_68 = arith.constant 0 : index
    %get3A_69 = arith.constant 0 : index
    %get3A_70 = vector.load %arg12[%get3A_68, %get3A_69] : memref<1x128xf32, #tpu.memory_space<vmem>>, vector<1x128xf32>
    %add3A_71 = arith.addf %dot_general3A_67, %get3A_70 : vector<1x128xf32>
    %convert_element_type3A_72 = arith.truncf %mul3A_32 : vector<512x128xf32> to vector<512x128xbf16>
    %convert_element_type3A_73 = arith.extf %convert_element_type3A_72 : vector<512x128xbf16> to vector<512x128xf32>
    %get3A_74 = arith.constant 0 : index
    %get3A_75 = arith.constant 0 : index
    %get3A_76 = vector.load %arg13[%get3A_74, %get3A_75] : memref<128x128xf32, #tpu.memory_space<vmem>>, vector<128x128xf32>
    %convert_element_type3A_77 = arith.truncf %get3A_76 : vector<128x128xf32> to vector<128x128xbf16>
    %convert_element_type3A_78 = arith.extf %convert_element_type3A_77 : vector<128x128xbf16> to vector<128x128xf32>
    %dot_general3A_79 = arith.constant dense<0.000000e+00> : vector<512x128xf32>
    %dot_general3A_80 = tpu.matmul %convert_element_type3A_73, %convert_element_type3A_78, %dot_general3A_79 {dimension_numbers = #tpu.dot_dimension_numbers<[1], [0], [0], [1], [0, 0, 1, 1], [], []>, precision = #tpu.contract_precision<fp32>, transpose_lhs_hint = false} : vector<512x128xf32>, vector<128x128xf32>, vector<512x128xf32> -> vector<512x128xf32>
    %convert_element_type3A_81 = arith.truncf %add3A_71 : vector<1x128xf32> to vector<1x128xbf16>
    %convert_element_type3A_82 = arith.extf %convert_element_type3A_81 : vector<1x128xbf16> to vector<1x128xf32>
    %get3A_83 = arith.constant 0 : index
    %get3A_84 = arith.constant 0 : index
    %get3A_85 = vector.load %arg14[%get3A_83, %get3A_84] : memref<128x128xf32, #tpu.memory_space<vmem>>, vector<128x128xf32>
    %convert_element_type3A_86 = arith.truncf %get3A_85 : vector<128x128xf32> to vector<128x128xbf16>
    %convert_element_type3A_87 = arith.extf %convert_element_type3A_86 : vector<128x128xbf16> to vector<128x128xf32>
    %dot_general3A_88 = arith.constant dense<0.000000e+00> : vector<1x128xf32>
    %dot_general3A_89 = tpu.matmul %convert_element_type3A_82, %convert_element_type3A_87, %dot_general3A_88 {dimension_numbers = #tpu.dot_dimension_numbers<[1], [0], [0], [1], [0, 0, 1, 1], [], []>, precision = #tpu.contract_precision<fp32>, transpose_lhs_hint = false} : vector<1x128xf32>, vector<128x128xf32>, vector<1x128xf32> -> vector<1x128xf32>
    %add3A_90 = vector.broadcast %dot_general3A_89 : vector<1x128xf32> to vector<512x128xf32>
    %add3A_91 = arith.addf %dot_general3A_80, %add3A_90 : vector<512x128xf32>
    %mul3A_92 = vector.broadcast %get3A_6 : vector<512x1xf32> to vector<512x128xf32>
    %mul3A_93 = arith.mulf %add3A_91, %mul3A_92 : vector<512x128xf32>
    %mul3A_94 = vector.broadcast %convert_element_type3A_4 : vector<512x1xf32> to vector<512x128xf32>
    %mul3A_95 = arith.mulf %mul3A_93, %mul3A_94 : vector<512x128xf32>
    %swap3A_96 = arith.constant 0 : index
    %swap3A_97 = arith.constant 0 : index
    %swap3A_98 = vector.load %arg15[%swap3A_96, %swap3A_97] : memref<512x128xf32, #tpu.memory_space<vmem>>, vector<512x128xf32>
    tpu.vector_store %arg15[%swap3A_96, %swap3A_97], %mul3A_95 {strides = array<i32>} : memref<512x128xf32, #tpu.memory_space<vmem>>, vector<512x128xf32>,
    return
  }
  func.func @transform_0(%arg0: i32) -> (i32, i32, i32) {
    %c0_i32 = arith.constant 0 : i32
    %c0_i32_0 = arith.constant 0 : i32
    %c0_i32_1 = arith.constant 0 : i32
    return %c0_i32, %arg0, %c0_i32_0 : i32, i32, i32
  }
  func.func @transform_1(%arg0: i32) -> (i32, i32, i32) {
    %c1_i32 = arith.constant 1 : i32
    %c0_i32 = arith.constant 0 : i32
    %c0_i32_0 = arith.constant 0 : i32
    return %c1_i32, %arg0, %c0_i32 : i32, i32, i32
  }
  func.func @transform_2(%arg0: i32) -> (i32, i32) {
    %c0_i32 = arith.constant 0 : i32
    %c0_i32_0 = arith.constant 0 : i32
    return %arg0, %c0_i32 : i32, i32
  }
  func.func @transform_3(%arg0: i32) -> (i32, i32) {
    %c0_i32 = arith.constant 0 : i32
    %c0_i32_0 = arith.constant 0 : i32
    return %arg0, %c0_i32 : i32, i32
  }
  func.func @transform_4(%arg0: i32) -> (i32, i32, i32) {
    %c0_i32 = arith.constant 0 : i32
    %c0_i32_0 = arith.constant 0 : i32
    %c0_i32_1 = arith.constant 0 : i32
    return %c0_i32, %arg0, %c0_i32_0 : i32, i32, i32
  }
  func.func @transform_5(%arg0: i32) -> (i32, i32, i32) {
    %c1_i32 = arith.constant 1 : i32
    %c0_i32 = arith.constant 0 : i32
    %c0_i32_0 = arith.constant 0 : i32
    return %c1_i32, %arg0, %c0_i32 : i32, i32, i32
  }
  func.func @transform_6(%arg0: i32) -> (i32, i32) {
    %c0_i32 = arith.constant 0 : i32
    %c0_i32_0 = arith.constant 0 : i32
    %c0_i32_1 = arith.constant 0 : i32
    return %c0_i32, %c0_i32_0 : i32, i32
  }
  func.func @transform_7(%arg0: i32) -> (i32, i32) {
    %c0_i32 = arith.constant 0 : i32
    %c0_i32_0 = arith.constant 0 : i32
    %c0_i32_1 = arith.constant 0 : i32
    return %c0_i32, %c0_i32_0 : i32, i32
  }
  func.func @transform_8(%arg0: i32) -> (i32, i32) {
    %c0_i32 = arith.constant 0 : i32
    %c0_i32_0 = arith.constant 0 : i32
    %c0_i32_1 = arith.constant 0 : i32
    return %c0_i32, %c0_i32_0 : i32, i32
  }
  func.func @transform_9(%arg0: i32) -> (i32, i32) {
    %c0_i32 = arith.constant 0 : i32
    %c0_i32_0 = arith.constant 0 : i32
    %c0_i32_1 = arith.constant 0 : i32
    return %c0_i32, %c0_i32_0 : i32, i32
  }
  func.func @transform_10(%arg0: i32) -> (i32, i32) {
    %c0_i32 = arith.constant 0 : i32
    %c0_i32_0 = arith.constant 0 : i32
    %c0_i32_1 = arith.constant 0 : i32
    return %c0_i32, %c0_i32_0 : i32, i32
  }
  func.func @transform_11(%arg0: i32) -> (i32, i32) {
    %c0_i32 = arith.constant 0 : i32
    %c0_i32_0 = arith.constant 0 : i32
    %c0_i32_1 = arith.constant 0 : i32
    return %c0_i32, %c0_i32_0 : i32, i32
  }
  func.func @transform_12(%arg0: i32) -> (i32, i32) {
    %c0_i32 = arith.constant 0 : i32
    %c0_i32_0 = arith.constant 0 : i32
    %c0_i32_1 = arith.constant 0 : i32
    return %c0_i32, %c0_i32_0 : i32, i32
  }
  func.func @transform_13(%arg0: i32) -> (i32, i32) {
    %c0_i32 = arith.constant 0 : i32
    %c0_i32_0 = arith.constant 0 : i32
    %c0_i32_1 = arith.constant 0 : i32
    return %c0_i32, %c0_i32_0 : i32, i32
  }
  func.func @transform_14(%arg0: i32) -> (i32, i32) {
    %c0_i32 = arith.constant 0 : i32
    %c0_i32_0 = arith.constant 0 : i32
    return %arg0, %c0_i32 : i32, i32
  }
  func.func @transform_15(%arg0: i32) -> (i32, i32) {
    %c0_i32 = arith.constant 0 : i32
    %c0_i32_0 = arith.constant 0 : i32
    return %arg0, %c0_i32 : i32, i32
  }
}

module attributes {stable_mosaic.version = 14 : i64} {
  func.func @_tc3_body(%arg0: i32, %arg1: memref<1x512x128xf32, #tpu.memory_space<vmem>>, %arg2: memref<1x512x128xf32, #tpu.memory_space<vmem>>, %arg3: memref<512x128xf32, #tpu.memory_space<vmem>>, %arg4: memref<512x1xf32, #tpu.memory_space<vmem>>, %arg5: memref<512x1xf32, #tpu.memory_space<vmem>>, %arg6: memref<1x128xf32, #tpu.memory_space<vmem>>, %arg7: memref<128x128xf32, #tpu.memory_space<vmem>>, %arg8: memref<1x128xf32, #tpu.memory_space<vmem>>, %arg9: memref<128x256xf32, #tpu.memory_space<vmem>>, %arg10: memref<1x256xf32, #tpu.memory_space<vmem>>, %arg11: memref<256x128xf32, #tpu.memory_space<vmem>>, %arg12: memref<1x128xf32, #tpu.memory_space<vmem>>, %arg13: memref<128x2xf32, #tpu.memory_space<vmem>>, %arg14: memref<1x2xf32, #tpu.memory_space<vmem>>, %arg15: memref<1x2xf32, #tpu.memory_space<vmem>>, %arg16: memref<1x128xf32, #tpu.memory_space<vmem>>) attributes {dimension_semantics = [#tpu.dimension_semantics<arbitrary>], iteration_bounds = array<i64: 20>, scalar_prefetch = 0 : i64, scratch_operands = 1 : i64, tpu.core_type = #tpu.core_type<tc>, window_params = [{transform_indices = @transform_0, window_bounds = array<i64: 1, 512, 128>}, {transform_indices = @transform_1, window_bounds = array<i64: 1, 512, 128>}, {transform_indices = @transform_2, window_bounds = array<i64: 512, 128>}, {transform_indices = @transform_3, window_bounds = array<i64: 512, 1>}, {transform_indices = @transform_4, window_bounds = array<i64: 512, 1>}, {pipeline_mode = #tpu.pipeline_mode<synchronous>, transform_indices = @transform_5, window_bounds = array<i64: 1, 128>}, {pipeline_mode = #tpu.pipeline_mode<synchronous>, transform_indices = @transform_6, window_bounds = array<i64: 128, 128>}, {pipeline_mode = #tpu.pipeline_mode<synchronous>, transform_indices = @transform_7, window_bounds = array<i64: 1, 128>}, {pipeline_mode = #tpu.pipeline_mode<synchronous>, transform_indices = @transform_8, window_bounds = array<i64: 128, 256>}, {pipeline_mode = #tpu.pipeline_mode<synchronous>, transform_indices = @transform_9, window_bounds = array<i64: 1, 256>}, {pipeline_mode = #tpu.pipeline_mode<synchronous>, transform_indices = @transform_10, window_bounds = array<i64: 256, 128>}, {pipeline_mode = #tpu.pipeline_mode<synchronous>, transform_indices = @transform_11, window_bounds = array<i64: 1, 128>}, {pipeline_mode = #tpu.pipeline_mode<synchronous>, transform_indices = @transform_12, window_bounds = array<i64: 128, 2>}, {pipeline_mode = #tpu.pipeline_mode<synchronous>, transform_indices = @transform_13, window_bounds = array<i64: 1, 2>}, {pipeline_mode = #tpu.pipeline_mode<synchronous>, transform_indices = @transform_14, window_bounds = array<i64: 1, 2>}]} {
    %eq3A = arith.constant 0 : i32
    %eq3A_0 = arith.cmpi eq, %arg0, %eq3A : i32
    %convert_element_type3A = arith.extui %eq3A_0 : i1 to i32
    %cond3A = arith.constant 0 : i32
    %cond3A_1 = arith.cmpi ne, %convert_element_type3A, %cond3A : i32
    scf.if %cond3A_1 {
      %broadcast_in_dim3A_43 = arith.constant 0.000000e+00 : f32
      %broadcast_in_dim3A_44 = vector.broadcast %broadcast_in_dim3A_43 : f32 to vector<1x128xf32>
      %swap3A_45 = arith.constant 0 : index
      %swap3A_46 = arith.constant 0 : index
      %swap3A_47 = vector.load %arg16[%swap3A_45, %swap3A_46] : memref<1x128xf32, #tpu.memory_space<vmem>>, vector<1x128xf32>
      tpu.vector_store %arg16[%swap3A_45, %swap3A_46], %broadcast_in_dim3A_44 {strides = array<i32>} : memref<1x128xf32, #tpu.memory_space<vmem>>, vector<1x128xf32>,
    } else {
    }
    %get3A = arith.constant 0 : index
    %get3A_2 = arith.constant 0 : index
    %get3A_3 = arith.constant 0 : index
    %get3A_4 = vector.load %arg1[%get3A, %get3A_2, %get3A_3] : memref<1x512x128xf32, #tpu.memory_space<vmem>>, vector<1x512x128xf32>
    %get3A_5 = vector.shape_cast %get3A_4 : vector<1x512x128xf32> to vector<512x128xf32>
    %get3A_6 = arith.constant 0 : index
    %get3A_7 = arith.constant 0 : index
    %get3A_8 = arith.constant 0 : index
    %get3A_9 = vector.load %arg2[%get3A_6, %get3A_7, %get3A_8] : memref<1x512x128xf32, #tpu.memory_space<vmem>>, vector<1x512x128xf32>
    %get3A_10 = vector.shape_cast %get3A_9 : vector<1x512x128xf32> to vector<512x128xf32>
    %add3A = arith.addf %get3A_5, %get3A_10 : vector<512x128xf32>
    %get3A_11 = arith.constant 0 : index
    %get3A_12 = arith.constant 0 : index
    %get3A_13 = vector.load %arg4[%get3A_11, %get3A_12] : memref<512x1xf32, #tpu.memory_space<vmem>>, vector<512x1xf32>
    %get3A_14 = arith.constant 0 : index
    %get3A_15 = arith.constant 0 : index
    %get3A_16 = vector.load %arg3[%get3A_14, %get3A_15] : memref<512x128xf32, #tpu.memory_space<vmem>>, vector<512x128xf32>
    %add3A_17 = arith.addf %add3A, %get3A_16 : vector<512x128xf32>
    %mul3A = vector.broadcast %get3A_13 : vector<512x1xf32> to vector<512x128xf32>
    %mul3A_18 = arith.mulf %mul3A, %add3A_17 : vector<512x128xf32>
    %get3A_19 = arith.constant 0 : index
    %get3A_20 = arith.constant 0 : index
    %get3A_21 = vector.load %arg6[%get3A_19, %get3A_20] : memref<1x128xf32, #tpu.memory_space<vmem>>, vector<1x128xf32>
    %add3A_22 = vector.broadcast %get3A_21 : vector<1x128xf32> to vector<512x128xf32>
    %add3A_23 = arith.addf %mul3A_18, %add3A_22 : vector<512x128xf32>
    %get3A_24 = arith.constant 0 : index
    %get3A_25 = arith.constant 0 : index
    %get3A_26 = vector.load %arg16[%get3A_24, %get3A_25] : memref<1x128xf32, #tpu.memory_space<vmem>>, vector<1x128xf32>
    %get3A_27 = arith.constant 0 : index
    %get3A_28 = arith.constant 0 : index
    %get3A_29 = vector.load %arg5[%get3A_27, %get3A_28] : memref<512x1xf32, #tpu.memory_space<vmem>>, vector<512x1xf32>
    %convert_element_type3A_30 = arith.truncf %add3A_23 : vector<512x128xf32> to vector<512x128xbf16>
    %convert_element_type3A_31 = arith.extf %convert_element_type3A_30 : vector<512x128xbf16> to vector<512x128xf32>
    %mul3A_32 = vector.broadcast %get3A_29 : vector<512x1xf32> to vector<512x128xf32>
    %mul3A_33 = arith.mulf %mul3A_32, %convert_element_type3A_31 : vector<512x128xf32>
    %reduce_sum3A = arith.constant dense<0.000000e+00> : vector<128xf32>
    %reduce_sum3A_34 = vector.multi_reduction <add>, %mul3A_33, %reduce_sum3A [0] : vector<512x128xf32> to vector<128xf32>
    %broadcast_in_dim3A = vector.shape_cast %reduce_sum3A_34 : vector<128xf32> to vector<1x128xf32>
    %add3A_35 = arith.addf %get3A_26, %broadcast_in_dim3A : vector<1x128xf32>
    %swap3A = arith.constant 0 : index
    %swap3A_36 = arith.constant 0 : index
    %swap3A_37 = vector.load %arg16[%swap3A, %swap3A_36] : memref<1x128xf32, #tpu.memory_space<vmem>>, vector<1x128xf32>
    tpu.vector_store %arg16[%swap3A, %swap3A_36], %add3A_35 {strides = array<i32>} : memref<1x128xf32, #tpu.memory_space<vmem>>, vector<1x128xf32>,
    %eq3A_38 = arith.constant 19 : i32
    %eq3A_39 = arith.cmpi eq, %arg0, %eq3A_38 : i32
    %convert_element_type3A_40 = arith.extui %eq3A_39 : i1 to i32
    %cond3A_41 = arith.constant 0 : i32
    %cond3A_42 = arith.cmpi ne, %convert_element_type3A_40, %cond3A_41 : i32
    scf.if %cond3A_42 {
      %get3A_43 = arith.constant 0 : index
      %get3A_44 = arith.constant 0 : index
      %get3A_45 = vector.load %arg16[%get3A_43, %get3A_44] : memref<1x128xf32, #tpu.memory_space<vmem>>, vector<1x128xf32>
      %get3A_46 = arith.constant 0 : index
      %get3A_47 = arith.constant 0 : index
      %get3A_48 = vector.load %arg7[%get3A_46, %get3A_47] : memref<128x128xf32, #tpu.memory_space<vmem>>, vector<128x128xf32>
      %convert_element_type3A_49 = arith.truncf %get3A_48 : vector<128x128xf32> to vector<128x128xbf16>
      %convert_element_type3A_50 = arith.extf %convert_element_type3A_49 : vector<128x128xbf16> to vector<128x128xf32>
      %dot_general3A = arith.constant dense<0.000000e+00> : vector<1x128xf32>
      %dot_general3A_51 = tpu.matmul %get3A_45, %convert_element_type3A_50, %dot_general3A {dimension_numbers = #tpu.dot_dimension_numbers<[1], [0], [0], [1], [0, 0, 1, 1], [], []>, precision = #tpu.contract_precision<fp32>, transpose_lhs_hint = false} : vector<1x128xf32>, vector<128x128xf32>, vector<1x128xf32> -> vector<1x128xf32>
      %mul3A_52 = arith.constant 9.99999974E-5 : f32
      %mul3A_53 = vector.broadcast %mul3A_52 : f32 to vector<1x128xf32>
      %mul3A_54 = arith.mulf %dot_general3A_51, %mul3A_53 : vector<1x128xf32>
      %get3A_55 = arith.constant 0 : index
      %get3A_56 = arith.constant 0 : index
      %get3A_57 = vector.load %arg8[%get3A_55, %get3A_56] : memref<1x128xf32, #tpu.memory_space<vmem>>, vector<1x128xf32>
      %add3A_58 = arith.addf %mul3A_54, %get3A_57 : vector<1x128xf32>
      %get3A_59 = arith.constant 0 : index
      %get3A_60 = arith.constant 0 : index
      %get3A_61 = vector.load %arg9[%get3A_59, %get3A_60] : memref<128x256xf32, #tpu.memory_space<vmem>>, vector<128x256xf32>
      %dot_general3A_62 = arith.constant dense<0.000000e+00> : vector<1x256xf32>
      %dot_general3A_63 = tpu.matmul %add3A_58, %get3A_61, %dot_general3A_62 {dimension_numbers = #tpu.dot_dimension_numbers<[1], [0], [0], [1], [0, 0, 1, 1], [], []>, transpose_lhs_hint = false} : vector<1x128xf32>, vector<128x256xf32>, vector<1x256xf32> -> vector<1x256xf32>
      %get3A_64 = arith.constant 0 : index
      %get3A_65 = arith.constant 0 : index
      %get3A_66 = vector.load %arg10[%get3A_64, %get3A_65] : memref<1x256xf32, #tpu.memory_space<vmem>>, vector<1x256xf32>
      %add3A_67 = arith.addf %dot_general3A_63, %get3A_66 : vector<1x256xf32>
      %max3A = arith.constant 0.000000e+00 : f32
      %max3A_68 = vector.broadcast %max3A : f32 to vector<1x256xf32>
      %max3A_69 = arith.maximumf %add3A_67, %max3A_68 : vector<1x256xf32>
      %get3A_70 = arith.constant 0 : index
      %get3A_71 = arith.constant 0 : index
      %get3A_72 = vector.load %arg11[%get3A_70, %get3A_71] : memref<256x128xf32, #tpu.memory_space<vmem>>, vector<256x128xf32>
      %dot_general3A_73 = arith.constant dense<0.000000e+00> : vector<1x128xf32>
      %dot_general3A_74 = tpu.matmul %max3A_69, %get3A_72, %dot_general3A_73 {dimension_numbers = #tpu.dot_dimension_numbers<[1], [0], [0], [1], [0, 0, 1, 1], [], []>, transpose_lhs_hint = false} : vector<1x256xf32>, vector<256x128xf32>, vector<1x128xf32> -> vector<1x128xf32>
      %get3A_75 = arith.constant 0 : index
      %get3A_76 = arith.constant 0 : index
      %get3A_77 = vector.load %arg12[%get3A_75, %get3A_76] : memref<1x128xf32, #tpu.memory_space<vmem>>, vector<1x128xf32>
      %add3A_78 = arith.addf %dot_general3A_74, %get3A_77 : vector<1x128xf32>
      %max3A_79 = arith.constant 0.000000e+00 : f32
      %max3A_80 = vector.broadcast %max3A_79 : f32 to vector<1x128xf32>
      %max3A_81 = arith.maximumf %add3A_78, %max3A_80 : vector<1x128xf32>
      %get3A_82 = arith.constant 0 : index
      %get3A_83 = arith.constant 0 : index
      %get3A_84 = vector.load %arg13[%get3A_82, %get3A_83] : memref<128x2xf32, #tpu.memory_space<vmem>>, vector<128x2xf32>
      %dot_general3A_85 = arith.constant dense<0.000000e+00> : vector<1x2xf32>
      %dot_general3A_86 = tpu.matmul %max3A_81, %get3A_84, %dot_general3A_85 {dimension_numbers = #tpu.dot_dimension_numbers<[1], [0], [0], [1], [0, 0, 1, 1], [], []>, transpose_lhs_hint = false} : vector<1x128xf32>, vector<128x2xf32>, vector<1x2xf32> -> vector<1x2xf32>
      %get3A_87 = arith.constant 0 : index
      %get3A_88 = arith.constant 0 : index
      %get3A_89 = vector.load %arg14[%get3A_87, %get3A_88] : memref<1x2xf32, #tpu.memory_space<vmem>>, vector<1x2xf32>
      %add3A_90 = arith.addf %dot_general3A_86, %get3A_89 : vector<1x2xf32>
      %swap3A_91 = arith.constant 0 : index
      %swap3A_92 = arith.constant 0 : index
      %swap3A_93 = vector.load %arg15[%swap3A_91, %swap3A_92] : memref<1x2xf32, #tpu.memory_space<vmem>>, vector<1x2xf32>
      tpu.vector_store %arg15[%swap3A_91, %swap3A_92], %add3A_90 {strides = array<i32>} : memref<1x2xf32, #tpu.memory_space<vmem>>, vector<1x2xf32>,
    } else {
    }
    return
  }
  func.func @transform_0(%arg0: i32) -> (i32, i32, i32) {
    %c0_i32 = arith.constant 0 : i32
    %c0_i32_0 = arith.constant 0 : i32
    %c0_i32_1 = arith.constant 0 : i32
    return %c0_i32, %arg0, %c0_i32_0 : i32, i32, i32
  }
  func.func @transform_1(%arg0: i32) -> (i32, i32, i32) {
    %c1_i32 = arith.constant 1 : i32
    %c0_i32 = arith.constant 0 : i32
    %c0_i32_0 = arith.constant 0 : i32
    return %c1_i32, %arg0, %c0_i32 : i32, i32, i32
  }
  func.func @transform_2(%arg0: i32) -> (i32, i32) {
    %c0_i32 = arith.constant 0 : i32
    %c0_i32_0 = arith.constant 0 : i32
    return %arg0, %c0_i32 : i32, i32
  }
  func.func @transform_3(%arg0: i32) -> (i32, i32) {
    %c0_i32 = arith.constant 0 : i32
    %c0_i32_0 = arith.constant 0 : i32
    return %arg0, %c0_i32 : i32, i32
  }
  func.func @transform_4(%arg0: i32) -> (i32, i32) {
    %c0_i32 = arith.constant 0 : i32
    %c0_i32_0 = arith.constant 0 : i32
    return %arg0, %c0_i32 : i32, i32
  }
  func.func @transform_5(%arg0: i32) -> (i32, i32) {
    %c0_i32 = arith.constant 0 : i32
    %c0_i32_0 = arith.constant 0 : i32
    %c0_i32_1 = arith.constant 0 : i32
    return %c0_i32, %c0_i32_0 : i32, i32
  }
  func.func @transform_6(%arg0: i32) -> (i32, i32) {
    %c0_i32 = arith.constant 0 : i32
    %c0_i32_0 = arith.constant 0 : i32
    %c0_i32_1 = arith.constant 0 : i32
    return %c0_i32, %c0_i32_0 : i32, i32
  }
  func.func @transform_7(%arg0: i32) -> (i32, i32) {
    %c0_i32 = arith.constant 0 : i32
    %c0_i32_0 = arith.constant 0 : i32
    %c0_i32_1 = arith.constant 0 : i32
    return %c0_i32, %c0_i32_0 : i32, i32
  }
  func.func @transform_8(%arg0: i32) -> (i32, i32) {
    %c0_i32 = arith.constant 0 : i32
    %c0_i32_0 = arith.constant 0 : i32
    %c0_i32_1 = arith.constant 0 : i32
    return %c0_i32, %c0_i32_0 : i32, i32
  }
  func.func @transform_9(%arg0: i32) -> (i32, i32) {
    %c0_i32 = arith.constant 0 : i32
    %c0_i32_0 = arith.constant 0 : i32
    %c0_i32_1 = arith.constant 0 : i32
    return %c0_i32, %c0_i32_0 : i32, i32
  }
  func.func @transform_10(%arg0: i32) -> (i32, i32) {
    %c0_i32 = arith.constant 0 : i32
    %c0_i32_0 = arith.constant 0 : i32
    %c0_i32_1 = arith.constant 0 : i32
    return %c0_i32, %c0_i32_0 : i32, i32
  }
  func.func @transform_11(%arg0: i32) -> (i32, i32) {
    %c0_i32 = arith.constant 0 : i32
    %c0_i32_0 = arith.constant 0 : i32
    %c0_i32_1 = arith.constant 0 : i32
    return %c0_i32, %c0_i32_0 : i32, i32
  }
  func.func @transform_12(%arg0: i32) -> (i32, i32) {
    %c0_i32 = arith.constant 0 : i32
    %c0_i32_0 = arith.constant 0 : i32
    %c0_i32_1 = arith.constant 0 : i32
    return %c0_i32, %c0_i32_0 : i32, i32
  }
  func.func @transform_13(%arg0: i32) -> (i32, i32) {
    %c0_i32 = arith.constant 0 : i32
    %c0_i32_0 = arith.constant 0 : i32
    %c0_i32_1 = arith.constant 0 : i32
    return %c0_i32, %c0_i32_0 : i32, i32
  }
  func.func @transform_14(%arg0: i32) -> (i32, i32) {
    %c0_i32 = arith.constant 0 : i32
    %c0_i32_0 = arith.constant 0 : i32
    %c0_i32_1 = arith.constant 0 : i32
    return %c0_i32, %c0_i32_0 : i32, i32
  }
}

</mosaic_0001>

<sc_bundles>
// kernel: kernel.12.cloned.1.call-start
scs
__scs_entry_jumppad:
0x0: {  	(pc) =	sbr.rel $0x88, $3  }
0x1: {  	(tag) =	ssettag $0x0;
	lr =	simm.s32 $0x1  }
0x2: {  	[smem:$0x3F8E] =	sst lr;
	_ =	strace $0xD0000000  }
0x3: {  	_ = 	snop  }
0x4: {  	_ = 	snop  }
0x5: {  	_ = 	snop  }
0x6: {  	_ = 	snop  }
0x7: {  	_ = 	snop  }
__scs_overlays_trampoline_lowered:
0x8: {  	[smem:$0x3F9D] =	sst s0  }
0x9: {  	[smem:$0x3F9E] =	sst s1  }
0xa: {  	[smem:$0x3F9F] =	sst s2  }
0xb: {  	[smem:$0x3FA0] =	sst s3  }
0xc: {  	[smem:$0x3FA1] =	sst s4  }
0xd: {  	[smem:$0x3FA2] =	sst s5  }
0xe: {  	[smem:$0x3FA3] =	sst s6  }
0xf: {  	[smem:$0x3FA4] =	sst s7  }
0x10: {  	[smem:$0x3FA5] =	sst s8  }
0x11: {  	[smem:$0x3FA6] =	sst s9;
	s0 =	simm.s32 @!p0 $0x0  }
0x12: {  	s1 =	sld [smem:$0x3F8C];
	s0 =	simm.s32 @p0 $0x1  }
0x13: {  	[smem:$0x3FA7] =	sst s0;
	s0 =	simm.s32 @!p1 $0x0  }
0x14: {  	s2 =	sld [smem:$0x3F8B];
	s0 =	simm.s32 @p1 $0x1  }
0x15: {  	[smem:$0x3FA8] =	sst s0;
	s0 =	simm.s32 @!p2 $0x0  }
0x16: {  	s3 =	sld [smem:$0x3FDB];
	s0 =	simm.s32 @p2 $0x1  }
0x17: {  	s4 =	simm.s32 $0x1BF5;
	[smem:$0x3FAA] =	sst s0  }
0x18: {  	s0 =	sld [smem:$0x3F8D];
	_ =	swait.ge [sflag:s4], $0x0  }
0x19: {  	s7 =	sld [smem:$0x3F8E]  }
0x1a: {  	s8 =	sadd.s32 $0xFFFFE003, lr  }
0x1b: {  	s9 =	sadd.s32 $0xFFFFFEF7, lr;
	s5 =	simm.s32 $0xFFFFFFFF;
	p2 =	slt.u32 s8, $0xFFFFF086  }
0x1c: {  	p1 =	slt.u32 s9, $0xF7A;
	s5 =	simm.s32 @!p2 $0x0  }
0x1d: {  	s5 =	simm.s32 @p1 $0x1;
	p0 =	seq.s32 s7, s2  }
0x1e: {  	s7 =	smul.u32 @!p0 $0xF7A, s2;
	p2 =	seq.s32 @!p0 s5, $0x0  }
0x1f: {  	s9 =	smul.u32 $0xF7A, s1;
	s8 =	simm.s32 @!p0 $0x1BF5;
	p2 =	por !p2, p0  }
0x20: {  	[sflag:s8] =	ssyncset.s32 @!p0 $0xFFFFF086;
	s6 =	sadd.s32 @!p0 s3, s7;
	s7 =	simm.s32 @!p0 $0x108  }
0x21: {  	s3 =	sadd.s32 s3, s9;
	s6 =	sadd.s32 @!p0 $0x88, s6;
	s7 =	simm.s32 @p2 $0x1082  }
0x22: {  	[simem:s7], [sflag:s8] =	dma.local @!p0 [hbm:s6], $0xF7A  }
0x23: {  	s9 =	sor.u32 $0xD0000000, s2;
	s6 =	simm.s32 $0x108;
	_ =	swait.ge @!p0 [sflag:s8], $0x0  }
0x24: {  	s3 =	sadd.s32 $0x88, s3;
	s6 =	simm.s32 @!p1 $0x1082;
	[sflag:s4] =	ssyncset.s32 $0xFFFFF086  }
0x25: {  	[simem:s6], [sflag:s4] =	dma.local [hbm:s3], $0xF7A  }
0x26: {  	[smem:$0x3F8E] =	sst s1;
	(tag) =	ssettag s2;
	_ =	strace s9  }
0x27: {  	s1 =	sld [smem:$0x3F9E]  }
0x28: {  	s2 =	sld [smem:$0x3F9F]  }
0x29: {  	s4 =	sld [smem:$0x3FA1]  }
0x2a: {  	p0 =	seq.s32 s5, $0x0;
	s5 =	sld [smem:$0x3FA2]  }
0x2b: {  	s6 =	sld [smem:$0x3FA3]  }
0x2c: {  	s7 =	sld [smem:$0x3FA4]  }
0x2d: {  	s3 =	simm.s32 $0x108;
	s8 =	sld [smem:$0x3FA5]  }
0x2e: {  	s3 =	simm.s32 @!p0 $0x1082;
	s9 =	sld [smem:$0x3FA6]  }
0x2f: {  	lr =	sadd.s32 s0, s3;
	s0 =	sld [smem:$0x3F9D]  }
0x30: {  	s3 =	sld [smem:$0x3FA0]  }
0x31: {  	[smem:$0x3FA9] =	sst s10  }
0x32: {  	s10 =	sld [smem:$0x3FA7];
	_ =	sdelay $0x3  }
0x33: {  	p0 =	seq.s32 s10, $0x1;
	s10 =	sld [smem:$0x3FA9];
	_ =	sdelay $0x3  }
0x34: {  	[smem:$0x3FA9] =	sst s10  }
0x35: {  	s10 =	sld [smem:$0x3FA8];
	_ =	sdelay $0x3  }
0x36: {  	p1 =	seq.s32 s10, $0x1;
	s10 =	sld [smem:$0x3FA9];
	_ =	sdelay $0x3  }
0x37: {  	[smem:$0x3FA9] =	sst s10  }
0x38: {  	s10 =	sld [smem:$0x3FAA]  }
0x39: {  	_ = 	snop;
	(pc) =	sbr.ind lr, $3  }
0x3a: {  	_ = 	snop  }
0x3b: {  	_ = 	snop  }
0x3c: {  	p2 =	seq.s32 s10, $0x1;
	s10 =	sld [smem:$0x3FA9]  }
0x3d: {  	_ =	shalt  }
0x3e: {  	_ =	shalt  }
0x3f: {  	_ =	shalt  }
0x40: {  	_ =	shalt  }
0x41: {  	_ =	shalt  }
0x42: {  	_ =	shalt  }
0x43: {  	_ =	shalt  }
0x44: {  	_ =	shalt  }
0x45: {  	_ =	shalt  }
0x46: {  	_ =	shalt  }
0x47: {  	_ =	shalt  }
0x48: {  	_ =	shalt  }
0x49: {  	_ =	shalt  }
0x4a: {  	_ =	shalt  }
0x4b: {  	_ =	shalt  }
0x4c: {  	_ =	shalt  }
0x4d: {  	_ =	shalt  }
0x4e: {  	_ =	shalt  }
0x4f: {  	_ =	shalt  }
0x50: {  	_ =	shalt  }
0x51: {  	_ =	shalt  }
0x52: {  	_ =	shalt  }
0x53: {  	_ =	shalt  }
0x54: {  	_ =	shalt  }
0x55: {  	_ =	shalt  }
0x56: {  	_ =	shalt  }
0x57: {  	_ =	shalt  }
0x58: {  	_ =	shalt  }
0x59: {  	_ =	shalt  }
0x5a: {  	_ =	shalt  }
0x5b: {  	_ =	shalt  }
0x5c: {  	_ =	shalt  }
0x5d: {  	_ =	shalt  }
0x5e: {  	_ =	shalt  }
0x5f: {  	_ =	shalt  }
0x60: {  	_ =	shalt  }
0x61: {  	_ =	shalt  }
0x62: {  	_ =	shalt  }
0x63: {  	_ =	shalt  }
0x64: {  	_ =	shalt  }
0x65: {  	_ =	shalt  }
0x66: {  	_ =	shalt  }
0x67: {  	_ =	shalt  }
0x68: {  	_ =	shalt  }
0x69: {  	_ =	shalt  }
0x6a: {  	_ =	shalt  }
0x6b: {  	_ =	shalt  }
0x6c: {  	_ =	shalt  }
0x6d: {  	_ =	shalt  }
0x6e: {  	_ =	shalt  }
0x6f: {  	_ =	shalt  }
0x70: {  	_ =	shalt  }
0x71: {  	_ =	shalt  }
0x72: {  	_ =	shalt  }
0x73: {  	_ =	shalt  }
0x74: {  	_ =	shalt  }
0x75: {  	_ =	shalt  }
0x76: {  	_ =	shalt  }
0x77: {  	_ =	shalt  }
0x78: {  	_ =	shalt  }
0x79: {  	_ =	shalt  }
0x7a: {  	_ =	shalt  }
0x7b: {  	_ =	shalt  }
0x7c: {  	_ =	shalt  }
0x7d: {  	_ =	shalt  }
0x7e: {  	_ =	shalt  }
0x7f: {  	_ =	shalt  }
0x80: {  	_ =	shalt  }
0x81: {  	_ =	shalt  }
0x82: {  	_ =	shalt  }
0x83: {  	_ =	shalt  }
0x84: {  	_ =	shalt  }
0x85: {  	_ =	shalt  }
0x86: {  	_ =	shalt  }
0x87: {  	_ =	shalt  }
.Lfunc_end0:
.L_simem_size_0:
called_computation.1_lowered:
.L_overlay_start_0:
0x88: {  	s2 =	sld [smem:$0x3FD9]  }
0x89: {  	s3 =	sld [smem:$0x3FFE];
	_ =	sdelay $0x1  }
0x8a: {  	s1 =	srdreg.scid  }
0x8b: {  	s0 =	sand.u32 $0x1, s1  }
0x8c: {  	s16 =	sshll.u32 s0, $0xA;
	s2 =	sadd.s32 s3, s2  }
0x8d: {  	s2 =	sadd.s32 s2, s16  }
0x8e: {  	[smem:$0x3FB5] =	sst s2  }
0x8f: {  	_ = 	snop  }
0x90: {  	(tm) =	ssettm $0x1  }
0x91: {  	s17 =	sld [smem:$0x3FFB];
	_ =	sdelay $0x3  }
0x92: {  	_ =	strace s17  }
0x93: {  	s2 =	sld [smem:$0x3FFC];
	_ =	sdelay $0x3  }
0x94: {  	_ =	strace s2  }
0x95: {  	s2 =	sld [smem:$0x3FFD];
	_ =	sdelay $0x3  }
0x96: {  	_ =	strace s2  }
0x97: {  	_ =	strace $0x8FFFFFFF  }
0x98: {  	s18 =	sld [smem:$0x3FDB];
	_ =	sdelay $0x1  }
0x99: {  	s19 =	simm.s32 $_scs_section_size  }
0x9a: {  	s4 =	simm.s32 $_size__tile_overlayer_lowered;
	s5 =	simm.s32 $_tile_overlayer_lowered  }
0x9b: {  	s22 =	simm.s32 $0x1BFF;
	s21 =	sshll.u32 s5, $0x1;
	s2 =	sadd.s32 s19, s18  }
0x9c: {  	s6 =	simm.s32 $0x0;
	s20 =	sshll.u32 s4, $0x1;
	s4 =	sadd.s32 s21, s2  }
0x9d: {  	[timem:s6], [sflag:s22] =	dma.local [hbm:s4], s20  }
0x9e: {  	_ =	swait.ge [sflag:s22], s20  }
0x9f: {  	s3 =	ssub.s32 $0x0, s20;
	[sflag:s22] =	ssyncset.done $0x0  }
0xa0: {  	[sflag:s22] =	ssyncadd.s32 s3;
	_ =	sdelay $0x1  }
0xa1: {  	s23 =	simm.s32 $0x1B8B  }
0xa2: {  	_ =	swait.ge [sflag:s23], $0x1  }
0xa3: {  	[sflag:s23] =	ssyncset.done $0x0  }
0xa4: {  	s25 =	simm.s32 $0x1B8E;
	s24 =	sld [smem:$0x3FFE];
	[sflag:s23] =	ssyncadd.s32 $0xFFFFFFFF  }
0xa5: {  	s26 =	simm.s32 $execute0_lowered;
	[smem:$0x3FD2] =	sst s25  }
0xa6: {  	s4 =	sshll.u32 s26, $0x1;
	_ =	strace $0x80000049;
	[dreg:$0x1] =	wrdreg $0xFFFFFFFF  }
0xa7: {  	s28 =	simm.s32 $_size_execute0_lowered;
	s2 =	sadd.s32 s2, s4;
	[dreg:$0x0] =	wrdreg $0x0  }
0xa8: {  	s4 =	sshll.u32 s28, $0x1;
	[dreg:$0x2] =	wrdreg s2  }
0xa9: {  	[dreg:$0x3] =	wrdreg s4  }
0xaa: {  	[dreg:$0x4] =	wrdreg $0xC0  }
0xab: {  	_ =	task [dreg:s6], $0x5FFFF  }
0xac: {  	[dreg:$0x1] =	wrdreg $0xFFFFFFFF  }
0xad: {  	[dreg:$0x0] =	wrdreg $0x60  }
0xae: {  	[dreg:$0x2] =	wrdreg s24  }
0xaf: {  	[dreg:$0x3] =	wrdreg $0x91000  }
0xb0: {  	[dreg:$0x4] =	wrdreg $0x1D1000  }
0xb1: {  	[dreg:$0x5] =	wrdreg $0x9  }
0xb2: {  	_ =	task.clear_ibuf [dreg:s6], $0x6FFFF;
	_ =	strace $0x90000049  }
0xb3: {  	s29 =	simm.s32 $0x9;
	_ =	strace $0x8000004B  }
0xb4: {  	_ =	swait.ge [sflag:s29], $0x1  }
0xb5: {  	[sflag:s29] =	ssyncadd.s32 $0xFFFFFFFF  }
0xb6: {  	_ =	strace $0x9000004B  }
0xb7: {  	_ =	sfence  }
0xb8: {  	s30 =	sld [smem:$0x0];
	_ =	sdelay $0x2  }
0xb9: {  	s31 =	sshll.u32 s1, $0xD;
	s1 =	sshrl.u32 s1, $0x2  }
0xba: {  	s3 =	sand.u32 $0x4000, s31;
	s1 =	sadd.s32 s1, s30  }
0xbb: {  	s0 =	sor.u32 s3, s0;
	s1 =	sshll.u32 s1, $0x11  }
0xbc: {  	s0 =	sor.u32 s1, s0  }
0xbd: {  	s0 =	sadd.s32 $0x8F2B, s0  }
0xbe: {  	[sflag:s0] =	ssyncadd.remote.s32 $0x1  }
0xbf: {  	_ =	sfence.sel $0xFFFF  }
0xc0: {  	[dreg:$0x0] =	wrdreg $0xFFFFFFFF;
	(pc) =	sbr.abs _section_cstart, $3  }
0xc1: {  	[dreg:$0x1] =	wrdreg $0xFFFFFFFF  }
0xc2: {  	_ =	task.clear_ibuf [dreg:s6], $0x2FFFF;
	_ =	strace $0x9FFFFFFF  }
0xc3: {  	(tm) =	ssettm $0x7FFFFFFF  }
tec
execute0_lowered:
.L_overlay_start_1:
0x0: {  	(tag) =	ssettag $0x1  }
0x1: {  	s0 =	rddreg [dreg:$0x0]  }
0x2: {  	s1 =	rddreg [dreg:$0x1]  }
0x3: {  	s2 =	rddreg [dreg:$0x2];
	s3 =	simm.s32 $0x0;
	s4 =	srdreg.scid  }
0x4: {  	s15 =	stileid.u32;
	[smem:$0x7FF] =	sst s3;
	s5 =	sadd.s32 $0xE800, s0  }
0x5: {  	s6 =	sadd.s32 $0x4800, s0;
	s7 =	sadd.s32 $0x18800, s0;
	s8 =	sadd.s32 $0x40800, s0  }
0x6: {  	s4 =	sand.u32 $0x1, s4;
	s10 =	smul.u32 $0x280, s15;
	s11 =	sadd.s32 $0x41800, s0  }
0x7: {  	s14 =	smul.u32 $0x50000, s15;
	s0 =	sadd.s32 $0x40E00, s0;
	_ =	strace $0x8000004A  }
0x8: {  	s9 =	ssub.s32 $0x2, s4;
	s12 =	smul.u32 $0x2800, s4;
	s4 =	sshll.u32 s4, $0x4  }
0x9: {  	s13 =	sshrl.u32 s9, $0x1;
	s4 =	sor.u32 s15, s4;
	s25 =	sshrl.u32 s14, $0x2  }
0xa: {  	s20 =	sadd.s32 $0x80, s10;
	s13 =	ssub.s32 s9, s13;
	s9 =	smul.u32 $0x2800, s4  }
0xb: {  	s19 =	sadd.s32 s12, s10;
	s28 =	sadd.s32 s25, s1;
	s30 =	sadd.s32 s20, s2  }
0xc: {  	s26 =	smax.u32 s13, $0x1;
	s13 =	sadd.s32 $0x80, s19;
	s21 =	sshll.u32 s19, $0x4  }
0xd: {  	s23 =	sshrl.u32 s19, $0x3;
	s24 =	sadd.s32 $0x100, s19;
	[dreg:$0x4] =	wrdreg s28  }
0xe: {  	s16 =	sadd.s32 $0x180, s19;
	s4 =	sadd.s32 $0x200, s19;
	[dreg:$0x11] =	wrdreg s30  }
0xf: {  	[dreg:$0x5] =	wrdreg s26;
	s22 =	sshll.u32 s13, $0x4;
	s14 =	sadd.s32 s11, s21  }
0x10: {  	s17 =	sshll.u32 s24, $0x4;
	s18 =	sshll.u32 s16, $0x4;
	s19 =	sshll.u32 s4, $0x4  }
0x11: {  	s26 =	sadd.s32 $0x100, s10;
	s12 =	sshrl.u32 s13, $0x3;
	s4 =	sshrl.u32 s4, $0x3  }
0x12: {  	s21 =	sadd.s32 $0x200, s10;
	[dreg:$0x6] =	wrdreg s14;
	s15 =	sadd.s32 s11, s22  }
0x13: {  	s13 =	simm.s32 $0x80;
	s17 =	sadd.s32 s11, s17;
	[dreg:$0x7] =	wrdreg s15  }
0x14: {  	s25 =	sadd.s32 s11, s18;
	s11 =	sadd.s32 s11, s19;
	[dreg:$0x8] =	wrdreg s17  }
0x15: {  	s14 =	sadd.s32 s0, s23;
	s12 =	sadd.s32 s0, s12;
	[dreg:$0x9] =	wrdreg s25  }
0x16: {  	s18 =	sshll.u32 s26, $0x7;
	s19 =	sadd.s32 s10, s2;
	[dreg:$0xa] =	wrdreg s11  }
0x17: {  	s22 =	sadd.s32 s26, s2;
	s26 =	sadd.s32 s21, s2;
	[dreg:$0xb] =	wrdreg s14  }
0x18: {  	[dreg:$0xc] =	wrdreg s12;
	s14 =	sshrl.u32 s24, $0x3;
	s15 =	sshrl.u32 s16, $0x3  }
0x19: {  	s17 =	sshll.u32 s20, $0x7;
	s31 =	sadd.s32 s18, s1;
	[dreg:$0x13] =	wrdreg s19  }
0x1a: {  	s20 =	sadd.s32 $0x180, s10;
	[dreg:$0x14] =	wrdreg s22;
	s24 =	sshll.u32 s21, $0x7  }
0x1b: {  	[dreg:$0x18] =	wrdreg s26;
	s11 =	simm.s32 $0x9000;
	s18 =	simm.s32 $0x3  }
0x1c: {  	s19 =	simm.s32 $0x2;
	s21 =	simm.s32 $0x5;
	s22 =	simm.s32 $0x6  }
0x1d: {  	s12 =	sadd.s32 s0, s14;
	s16 =	sadd.s32 s0, s15;
	s0 =	sadd.s32 s0, s4  }
0x1e: {  	s29 =	sadd.s32 s17, s1;
	s23 =	sshll.u32 s20, $0x7;
	[dreg:$0x12] =	wrdreg s31  }
0x1f: {  	s25 =	sadd.s32 s24, s1;
	s4 =	simm.s32 $0x9;
	[dreg:$0xd] =	wrdreg s12  }
0x20: {  	s14 =	simm.s32 $0x5000;
	s15 =	simm.s32 $0x880;
	[dreg:$0xe] =	wrdreg s16  }
0x21: {  	s17 =	simm.s32 $0x1;
	s24 =	simm.s32 $0x0;
	[dreg:$0xf] =	wrdreg s0  }
0x22: {  	s10 =	sadd.s32 s23, s1;
	s0 =	sadd.s32 s20, s2;
	[dreg:$0x17] =	wrdreg s25  }
0x23: {  	s12 =	simm.s32 $0x800;
	s16 =	simm.s32 $0x9080;
	[dreg:$0x10] =	wrdreg s29  }
0x24: {  	s20 =	simm.s32 $0x4;
	s23 =	simm.s32 $0x8;
	[dreg:$0x15] =	wrdreg s10  }
0x25: {  	v0 =	vimm.f32 $0.0e+00;
	[dreg:$0x16] =	wrdreg s0;
	s0 =	simm.s32 $0x1000;
	s10 =	simm.s32 $0x7  }
.LBB2_1:
0x26: {  	s25 =	simm.s32 $0x0;
	s26 =	simm.s32 $0x200  }
.LBB2_2:
0x27: {  	p0 =	sne.s32 s26, $0xFE00;
	[tilespmem:s25+$0x1070] =	vst v0  }
0x28: {  	[tilespmem:s25+$0x1000] =	vst v0  }
0x29: {  	[tilespmem:s25+$0x1010] =	vst v0  }
.Ltmp0:
0x2a: {  	[tilespmem:s25+$0x1020] =	vst v0;
	(pc) =	sbr.rel @p0 .LBB2_2-.Ltmp0, $4  }
0x2b: {  	[tilespmem:s25+$0x1030] =	vst v0  }
0x2c: {  	[tilespmem:s25+$0x1040] =	vst v0  }
0x2d: {  	[tilespmem:s25+$0x1050] =	vst v0  }
0x2e: {  	[tilespmem:s25+$0x1060] =	vst v0;
	s25 =	sshra.s32 s26, $0x2;
	s26 =	sadd.s32 $0x200, s26  }
0x2f: {  	[tilespmem:s25+$0x1070] =	vst v0  }
0x30: {  	[tilespmem:s25+$0x1000] =	vst v0  }
0x31: {  	[tilespmem:s25+$0x1010] =	vst v0  }
0x32: {  	[tilespmem:s25+$0x1020] =	vst v0  }
0x33: {  	[tilespmem:s25+$0x1030] =	vst v0  }
0x34: {  	[tilespmem:s25+$0x1040] =	vst v0  }
0x35: {  	[tilespmem:s25+$0x1050] =	vst v0  }
0x36: {  	[tilespmem:s25+$0x1060] =	vst v0  }
0x37: {  	[tilespmem:$0x9000] =	vst v0  }
0x38: {  	[tilespmem:$0x9010] =	vst v0  }
0x39: {  	[tilespmem:$0x9020] =	vst v0  }
0x3a: {  	[tilespmem:$0x9030] =	vst v0  }
0x3b: {  	[tilespmem:$0x9040] =	vst v0  }
0x3c: {  	[tilespmem:$0x9050] =	vst v0  }
0x3d: {  	[tilespmem:$0x9060] =	vst v0  }
0x3e: {  	[tilespmem:$0x9070] =	vst v0  }
0x3f: {  	[spmem:s28] =	stream.linear.scatter [tilespmem:s0], [sflag:$0x9], $0x4000, $0x38;
	[tilespmem:$0x1D380] =	vst v63  }
0x40: {  	_ =	swait.ge [sflag:s4], $0x4000  }
0x41: {  	[sflag:s4] =	ssyncset.done $0x0  }
0x42: {  	s28 =	rddreg [dreg:$0x13];
	[sflag:s4] =	ssyncadd.s32 $0xFFFFC000  }
0x43: {  	[spmem:s28] =	stream.linear.scatter [tilespmem:s11], [sflag:$0x9], $0x80, $0x38;
	[tilespmem:$0x1D380] =	vst v63  }
0x44: {  	_ =	swait.ge [sflag:s4], $0x80  }
0x45: {  	[sflag:s4] =	ssyncset.done $0x0  }
0x46: {  	[sflag:s4] =	ssyncadd.s32 $0xFFFFFF80  }
0x47: {  	[spmem:s29] =	stream.linear.scatter [tilespmem:s0], [sflag:$0x9], $0x4000, $0x38;
	[tilespmem:$0x1D380] =	vst v63  }
0x48: {  	_ =	swait.ge [sflag:s4], $0x4000  }
0x49: {  	[sflag:s4] =	ssyncset.done $0x0  }
0x4a: {  	[sflag:s4] =	ssyncadd.s32 $0xFFFFC000  }
0x4b: {  	[spmem:s30] =	stream.linear.scatter [tilespmem:s11], [sflag:$0x9], $0x80, $0x38;
	[tilespmem:$0x1D380] =	vst v63  }
0x4c: {  	_ =	swait.ge [sflag:s4], $0x80  }
0x4d: {  	[sflag:s4] =	ssyncset.done $0x0  }
0x4e: {  	[sflag:s4] =	ssyncadd.s32 $0xFFFFFF80  }
0x4f: {  	[spmem:s31] =	stream.linear.scatter [tilespmem:s0], [sflag:$0x9], $0x4000, $0x38;
	[tilespmem:$0x1D380] =	vst v63  }
0x50: {  	_ =	swait.ge [sflag:s4], $0x4000  }
0x51: {  	[sflag:s4] =	ssyncset.done $0x0  }
0x52: {  	s26 =	rddreg [dreg:$0x14];
	[sflag:s4] =	ssyncadd.s32 $0xFFFFC000  }
0x53: {  	[spmem:s26] =	stream.linear.scatter [tilespmem:s11], [sflag:$0x9], $0x80, $0x38;
	[tilespmem:$0x1D380] =	vst v63  }
0x54: {  	_ =	swait.ge [sflag:s4], $0x80  }
0x55: {  	[sflag:s4] =	ssyncset.done $0x0  }
0x56: {  	s28 =	rddreg [dreg:$0x15];
	[sflag:s4] =	ssyncadd.s32 $0xFFFFFF80  }
0x57: {  	[spmem:s28] =	stream.linear.scatter [tilespmem:s0], [sflag:$0x9], $0x4000, $0x38;
	[tilespmem:$0x1D380] =	vst v63  }
0x58: {  	_ =	swait.ge [sflag:s4], $0x4000  }
0x59: {  	[sflag:s4] =	ssyncset.done $0x0  }
0x5a: {  	s29 =	rddreg [dreg:$0x16];
	[sflag:s4] =	ssyncadd.s32 $0xFFFFC000  }
0x5b: {  	[spmem:s29] =	stream.linear.scatter [tilespmem:s11], [sflag:$0x9], $0x80, $0x38;
	[tilespmem:$0x1D380] =	vst v63  }
0x5c: {  	_ =	swait.ge [sflag:s4], $0x80  }
0x5d: {  	[sflag:s4] =	ssyncset.done $0x0  }
0x5e: {  	s30 =	rddreg [dreg:$0x17];
	[sflag:s4] =	ssyncadd.s32 $0xFFFFFF80  }
0x5f: {  	[spmem:s30] =	stream.linear.scatter [tilespmem:s0], [sflag:$0x9], $0x4000, $0x38;
	[tilespmem:$0x1D380] =	vst v63  }
0x60: {  	_ =	swait.ge [sflag:s4], $0x4000  }
0x61: {  	[sflag:s4] =	ssyncset.done $0x0  }
0x62: {  	s31 =	rddreg [dreg:$0x18];
	[sflag:s4] =	ssyncadd.s32 $0xFFFFC000  }
0x63: {  	[spmem:s31] =	stream.linear.scatter [tilespmem:s11], [sflag:$0x9], $0x80, $0x38;
	[tilespmem:$0x1D380] =	vst v63  }
0x64: {  	_ =	swait.ge [sflag:s4], $0x80  }
0x65: {  	[sflag:s4] =	ssyncset.done $0x0  }
0x66: {  	[sflag:s4] =	ssyncadd.s32 $0xFFFFFF80  }
0x67: {  	s25 =	simm.s32 $0x0;
	[bflag:$0x0] =	sbarrier.arrive $0xFFFF  }
.LBB2_4:
0x68: {  	s26 =	sshll.u32 s25, $0xB  }
0x69: {  	s26 =	sadd.s32 s9, s26  }
0x6a: {  	s26 =	sshrl.u32 s26, $0x3  }
0x6b: {  	s28 =	sadd.s32 s5, s26  }
0x6c: {  	[tilespmem:s3], [sflag:$0x9] =	stream.linear.gather [hbm4b:s28+s3], $0x800, $0x38;
	[tilespmem:$0x1D380] =	vst v63  }
0x6d: {  	_ =	swait.ge [sflag:s4], $0x800  }
0x6e: {  	[sflag:s4] =	ssyncset.done $0x0  }
0x6f: {  	s26 =	sadd.s32 s6, s26;
	[sflag:s4] =	ssyncadd.s32 $0xFFFFF800  }
0x70: {  	[tilespmem:s12], [sflag:$0x9] =	stream.linear.gather [hbm4b:s26+s3], $0x800, $0x38;
	[tilespmem:$0x1D380] =	vst v63  }
0x71: {  	_ =	swait.ge [sflag:s4], $0x800  }
0x72: {  	[sflag:s4] =	ssyncset.done $0x0  }
0x73: {  	[sflag:s4] =	ssyncadd.s32 $0xFFFFF800  }
0x74: {  	[tilespmem:s0], [sflag:$0x1] =	stream.indirect.gather [hbm4b:s7+s13], $0x80, s3, s13, $0xb8;
	[tilespmem:$0x1D380] =	vst v63  }
0x75: {  	_ = 	snop  }
0x76: {  	[tilespmem:s11], [sflag:$0x3] =	stream.indirect.gather [hbm4b:s8+s13], $0x1, s12, s13, $0xb8;
	[tilespmem:$0x1D380] =	vst v63  }
0x77: {  	_ = 	snop  }
0x78: {  	[tilespmem:s14], [sflag:$0x2] =	stream.indirect.gather [hbm4b:s7+s13], $0x80, s13, s13, $0xb8;
	[tilespmem:$0x1D380] =	vst v63  }
0x79: {  	_ = 	snop  }
0x7a: {  	[tilespmem:s16], [sflag:$0x4] =	stream.indirect.gather [hbm4b:s8+s13], $0x1, s15, s13, $0xb8;
	[tilespmem:$0x1D380] =	vst v63  }
0x7b: {  	_ =	swait.ge [sflag:s17], $0x4000  }
0x7c: {  	[sflag:s17] =	ssyncset.done $0x0  }
0x7d: {  	[sflag:s17] =	ssyncadd.s32 $0xFFFFC000  }
0x7e: {  	[spmem:s1] =	stream.indirect.scatter.add.f32 [tilespmem:s0], [sflag:$0x5], $0x80, s12, s13, $0xb8;
	[tilespmem:$0x1D380] =	vst v63  }
0x7f: {  	_ =	swait.ge [sflag:s18], $0x80  }
0x80: {  	[sflag:s18] =	ssyncset.done $0x0  }
0x81: {  	[sflag:s18] =	ssyncadd.s32 $0xFFFFFF80  }
0x82: {  	[spmem:s2] =	stream.indirect.scatter.add.f32 [tilespmem:s11], [sflag:$0x7], $0x1, s3, s13, $0xb8;
	[tilespmem:$0x1D380] =	vst v63  }
0x83: {  	_ =	swait.ge [sflag:s19], $0x4000  }
0x84: {  	[sflag:s19] =	ssyncset.done $0x0  }
0x85: {  	[sflag:s19] =	ssyncadd.s32 $0xFFFFC000  }
0x86: {  	[spmem:s1] =	stream.indirect.scatter.add.f32 [tilespmem:s14], [sflag:$0x6], $0x80, s15, s13, $0xb8;
	[tilespmem:$0x1D380] =	vst v63  }
0x87: {  	_ =	swait.ge [sflag:s20], $0x80  }
0x88: {  	[sflag:s20] =	ssyncset.done $0x0  }
0x89: {  	[sflag:s20] =	ssyncadd.s32 $0xFFFFFF80  }
0x8a: {  	[spmem:s2] =	stream.indirect.scatter.add.f32 [tilespmem:s16], [sflag:$0x8], $0x1, s13, s13, $0xb8;
	[tilespmem:$0x1D380] =	vst v63  }
0x8b: {  	_ =	swait.ge [sflag:s21], $0x4000  }
0x8c: {  	[sflag:s21] =	ssyncset.done $0x0  }
0x8d: {  	[sflag:s21] =	ssyncadd.s32 $0xFFFFC000  }
0x8e: {  	_ =	swait.ge [sflag:s10], $0x80  }
0x8f: {  	[sflag:s10] =	ssyncset.done $0x0  }
0x90: {  	s31 =	simm.s32 $0x100;
	[sflag:s10] =	ssyncadd.s32 $0xFFFFFF80  }
0x91: {  	[tilespmem:s0], [sflag:$0x1] =	stream.indirect.gather [hbm4b:s7+s13], $0x80, s31, s13, $0xb8;
	[tilespmem:$0x1D380] =	vst v63  }
0x92: {  	s29 =	simm.s32 $0x900  }
0x93: {  	[tilespmem:s11], [sflag:$0x3] =	stream.indirect.gather [hbm4b:s8+s13], $0x1, s29, s13, $0xb8;
	[tilespmem:$0x1D380] =	vst v63  }
0x94: {  	_ =	swait.ge [sflag:s22], $0x4000  }
0x95: {  	[sflag:s22] =	ssyncset.done $0x0  }
0x96: {  	[sflag:s22] =	ssyncadd.s32 $0xFFFFC000  }
0x97: {  	_ =	swait.ge [sflag:s23], $0x80  }
0x98: {  	[sflag:s23] =	ssyncset.done $0x0  }
0x99: {  	s28 =	simm.s32 $0x180;
	[sflag:s23] =	ssyncadd.s32 $0xFFFFFF80  }
0x9a: {  	[tilespmem:s14], [sflag:$0x2] =	stream.indirect.gather [hbm4b:s7+s13], $0x80, s28, s13, $0xb8;
	[tilespmem:$0x1D380] =	vst v63  }
0x9b: {  	s30 =	simm.s32 $0x980  }
0x9c: {  	[tilespmem:s16], [sflag:$0x4] =	stream.indirect.gather [hbm4b:s8+s13], $0x1, s30, s13, $0xb8;
	[tilespmem:$0x1D380] =	vst v63  }
0x9d: {  	_ =	swait.ge [sflag:s17], $0x4000  }
0x9e: {  	[sflag:s17] =	ssyncset.done $0x0  }
0x9f: {  	[sflag:s17] =	ssyncadd.s32 $0xFFFFC000  }
0xa0: {  	[spmem:s1] =	stream.indirect.scatter.add.f32 [tilespmem:s0], [sflag:$0x5], $0x80, s29, s13, $0xb8;
	[tilespmem:$0x1D380] =	vst v63  }
0xa1: {  	_ =	swait.ge [sflag:s18], $0x80  }
0xa2: {  	[sflag:s18] =	ssyncset.done $0x0  }
0xa3: {  	[sflag:s18] =	ssyncadd.s32 $0xFFFFFF80  }
0xa4: {  	[spmem:s2] =	stream.indirect.scatter.add.f32 [tilespmem:s11], [sflag:$0x7], $0x1, s31, s13, $0xb8;
	[tilespmem:$0x1D380] =	vst v63  }
0xa5: {  	_ =	swait.ge [sflag:s19], $0x4000  }
0xa6: {  	[sflag:s19] =	ssyncset.done $0x0  }
0xa7: {  	[sflag:s19] =	ssyncadd.s32 $0xFFFFC000  }
0xa8: {  	[spmem:s1] =	stream.indirect.scatter.add.f32 [tilespmem:s14], [sflag:$0x6], $0x80, s30, s13, $0xb8;
	[tilespmem:$0x1D380] =	vst v63  }
0xa9: {  	_ =	swait.ge [sflag:s20], $0x80  }
0xaa: {  	[sflag:s20] =	ssyncset.done $0x0  }
0xab: {  	s26 =	simm.s32 $0xFFFFE800;
	[sflag:s20] =	ssyncadd.s32 $0xFFFFFF80  }
.LBB2_5:
0xac: {  	[spmem:s2] =	stream.indirect.scatter.add.f32 [tilespmem:s16], [sflag:$0x8], $0x1, s28, s13, $0xb8;
	[tilespmem:$0x1D380] =	vst v63  }
0xad: {  	s28 =	smov.u32 s26  }
0xae: {  	p0 =	sne.s32 s26, $0xFFFFFC00;
	s26 =	sadd.s32 $0x400, s26;
	_ =	swait.ge [sflag:s21], $0x4000  }
0xaf: {  	[sflag:s21] =	ssyncset.done $0x0  }
0xb0: {  	[sflag:s21] =	ssyncadd.s32 $0xFFFFC000  }
0xb1: {  	_ =	swait.ge [sflag:s10], $0x80  }
0xb2: {  	s29 =	sshra.s32 s28, $0x2;
	[sflag:s10] =	ssyncset.done $0x0  }
0xb3: {  	s30 =	sadd.s32 $0x800, s29;
	[sflag:s10] =	ssyncadd.s32 $0xFFFFFF80  }
0xb4: {  	[tilespmem:s0], [sflag:$0x1] =	stream.indirect.gather [hbm4b:s7+s13], $0x80, s30, s13, $0xb8;
	[tilespmem:$0x1D380] =	vst v63  }
0xb5: {  	s31 =	sadd.s32 $0x1000, s29  }
0xb6: {  	[tilespmem:s11], [sflag:$0x3] =	stream.indirect.gather [hbm4b:s8+s13], $0x1, s31, s13, $0xb8;
	[tilespmem:$0x1D380] =	vst v63  }
0xb7: {  	_ =	swait.ge [sflag:s22], $0x4000  }
0xb8: {  	[sflag:s22] =	ssyncset.done $0x0  }
0xb9: {  	[sflag:s22] =	ssyncadd.s32 $0xFFFFC000  }
0xba: {  	_ =	swait.ge [sflag:s23], $0x80  }
0xbb: {  	[sflag:s23] =	ssyncset.done $0x0  }
0xbc: {  	s28 =	sadd.s32 $0x880, s29;
	[sflag:s23] =	ssyncadd.s32 $0xFFFFFF80  }
0xbd: {  	[tilespmem:s14], [sflag:$0x2] =	stream.indirect.gather [hbm4b:s7+s13], $0x80, s28, s13, $0xb8;
	[tilespmem:$0x1D380] =	vst v63  }
0xbe: {  	s29 =	sadd.s32 $0x1080, s29  }
0xbf: {  	[tilespmem:s16], [sflag:$0x4] =	stream.indirect.gather [hbm4b:s8+s13], $0x1, s29, s13, $0xb8;
	[tilespmem:$0x1D380] =	vst v63  }
0xc0: {  	_ =	swait.ge [sflag:s17], $0x4000  }
0xc1: {  	[sflag:s17] =	ssyncset.done $0x0  }
0xc2: {  	[sflag:s17] =	ssyncadd.s32 $0xFFFFC000  }
0xc3: {  	[spmem:s1] =	stream.indirect.scatter.add.f32 [tilespmem:s0], [sflag:$0x5], $0x80, s31, s13, $0xb8;
	[tilespmem:$0x1D380] =	vst v63  }
0xc4: {  	_ =	swait.ge [sflag:s18], $0x80  }
0xc5: {  	[sflag:s18] =	ssyncset.done $0x0  }
0xc6: {  	[sflag:s18] =	ssyncadd.s32 $0xFFFFFF80  }
0xc7: {  	[spmem:s2] =	stream.indirect.scatter.add.f32 [tilespmem:s11], [sflag:$0x7], $0x1, s30, s13, $0xb8;
	[tilespmem:$0x1D380] =	vst v63  }
0xc8: {  	_ =	swait.ge [sflag:s19], $0x4000  }
0xc9: {  	[sflag:s19] =	ssyncset.done $0x0  }
.Ltmp1:
0xca: {  	[sflag:s19] =	ssyncadd.s32 $0xFFFFC000;
	(pc) =	sbr.rel @p0 .LBB2_5-.Ltmp1, $4  }
0xcb: {  	[spmem:s1] =	stream.indirect.scatter.add.f32 [tilespmem:s14], [sflag:$0x6], $0x80, s29, s13, $0xb8;
	[tilespmem:$0x1D380] =	vst v63  }
0xcc: {  	_ =	swait.ge [sflag:s20], $0x80  }
0xcd: {  	[sflag:s20] =	ssyncset.done $0x0  }
0xce: {  	[sflag:s20] =	ssyncadd.s32 $0xFFFFFF80  }
0xcf: {  	[spmem:s2] =	stream.indirect.scatter.add.f32 [tilespmem:s16], [sflag:$0x8], $0x1, s28, s13, $0xb8;
	[tilespmem:$0x1D380] =	vst v63  }
0xd0: {  	_ =	swait.ge [sflag:s21], $0x4000  }
0xd1: {  	[sflag:s21] =	ssyncset.done $0x0  }
0xd2: {  	[sflag:s21] =	ssyncadd.s32 $0xFFFFC000  }
0xd3: {  	_ =	swait.ge [sflag:s10], $0x80  }
0xd4: {  	[sflag:s10] =	ssyncset.done $0x0  }
0xd5: {  	s25 =	sadd.s32 $0x1, s25;
	[sflag:s10] =	ssyncadd.s32 $0xFFFFFF80  }
0xd6: {  	p0 =	sne.s32 s25, $0x5;
	_ =	swait.ge [sflag:s22], $0x4000  }
.Ltmp2:
0xd7: {  	[sflag:s22] =	ssyncset.done $0x0;
	(pc) =	sbr.rel @p0 .LBB2_4-.Ltmp2, $4  }
0xd8: {  	[sflag:s22] =	ssyncadd.s32 $0xFFFFC000  }
0xd9: {  	_ =	swait.ge [sflag:s23], $0x80  }
0xda: {  	[sflag:s23] =	ssyncset.done $0x0  }
0xdb: {  	[sflag:s23] =	ssyncadd.s32 $0xFFFFFF80  }
0xdc: {  	[bflag:$0x0] =	sbarrier.arrive $0xFFFF  }
0xdd: {  	s28 =	rddreg [dreg:$0x4]  }
0xde: {  	[tilespmem:s0], [sflag:$0x9] =	stream.linear.gather [spmem:s28], $0x4000, $0x38;
	[tilespmem:$0x1D380] =	vst v63  }
0xdf: {  	_ =	swait.ge [sflag:s4], $0x4000  }
0xe0: {  	[sflag:s4] =	ssyncset.done $0x0  }
0xe1: {  	s25 =	rddreg [dreg:$0x6];
	[sflag:s4] =	ssyncadd.s32 $0xFFFFC000  }
0xe2: {  	[hbm4b:s25+s3] =	stream.linear.scatter [tilespmem:s0], [sflag:$0x9], $0x4000, $0x38;
	[tilespmem:$0x1D380] =	vst v63  }
0xe3: {  	_ =	swait.ge [sflag:s4], $0x4000  }
0xe4: {  	[sflag:s4] =	ssyncset.done $0x0  }
0xe5: {  	s26 =	rddreg [dreg:$0x13];
	[sflag:s4] =	ssyncadd.s32 $0xFFFFC000  }
0xe6: {  	[tilespmem:s11], [sflag:$0x9] =	stream.linear.gather [spmem:s26], $0x80, $0x38;
	[tilespmem:$0x1D380] =	vst v63  }
0xe7: {  	_ =	swait.ge [sflag:s4], $0x80  }
0xe8: {  	[sflag:s4] =	ssyncset.done $0x0  }
0xe9: {  	s26 =	rddreg [dreg:$0xb];
	[sflag:s4] =	ssyncadd.s32 $0xFFFFFF80  }
0xea: {  	[hbm4b:s26+s3] =	stream.linear.scatter [tilespmem:s11], [sflag:$0x9], $0x80, $0x38;
	[tilespmem:$0x1D380] =	vst v63  }
0xeb: {  	_ =	swait.ge [sflag:s4], $0x80  }
0xec: {  	[sflag:s4] =	ssyncset.done $0x0  }
0xed: {  	s29 =	rddreg [dreg:$0x10];
	[sflag:s4] =	ssyncadd.s32 $0xFFFFFF80  }
0xee: {  	[tilespmem:s0], [sflag:$0x9] =	stream.linear.gather [spmem:s29], $0x4000, $0x38;
	[tilespmem:$0x1D380] =	vst v63  }
0xef: {  	_ =	swait.ge [sflag:s4], $0x4000  }
0xf0: {  	[sflag:s4] =	ssyncset.done $0x0  }
0xf1: {  	s26 =	rddreg [dreg:$0x7];
	[sflag:s4] =	ssyncadd.s32 $0xFFFFC000  }
0xf2: {  	[hbm4b:s26+s3] =	stream.linear.scatter [tilespmem:s0], [sflag:$0x9], $0x4000, $0x38;
	[tilespmem:$0x1D380] =	vst v63  }
0xf3: {  	_ =	swait.ge [sflag:s4], $0x4000  }
0xf4: {  	[sflag:s4] =	ssyncset.done $0x0  }
0xf5: {  	s30 =	rddreg [dreg:$0x11];
	[sflag:s4] =	ssyncadd.s32 $0xFFFFC000  }
0xf6: {  	[tilespmem:s11], [sflag:$0x9] =	stream.linear.gather [spmem:s30], $0x80, $0x38;
	[tilespmem:$0x1D380] =	vst v63  }
0xf7: {  	_ =	swait.ge [sflag:s4], $0x80  }
0xf8: {  	[sflag:s4] =	ssyncset.done $0x0  }
0xf9: {  	s26 =	rddreg [dreg:$0xc];
	[sflag:s4] =	ssyncadd.s32 $0xFFFFFF80  }
0xfa: {  	[hbm4b:s26+s3] =	stream.linear.scatter [tilespmem:s11], [sflag:$0x9], $0x80, $0x38;
	[tilespmem:$0x1D380] =	vst v63  }
0xfb: {  	_ =	swait.ge [sflag:s4], $0x80  }
0xfc: {  	[sflag:s4] =	ssyncset.done $0x0  }
0xfd: {  	s31 =	rddreg [dreg:$0x12];
	[sflag:s4] =	ssyncadd.s32 $0xFFFFFF80  }
0xfe: {  	[tilespmem:s0], [sflag:$0x9] =	stream.linear.gather [spmem:s31], $0x4000, $0x38;
	[tilespmem:$0x1D380] =	vst v63  }
0xff: {  	_ =	swait.ge [sflag:s4], $0x4000  }
0x100: {  	[sflag:s4] =	ssyncset.done $0x0  }
0x101: {  	s26 =	rddreg [dreg:$0x8];
	[sflag:s4] =	ssyncadd.s32 $0xFFFFC000  }
0x102: {  	[hbm4b:s26+s3] =	stream.linear.scatter [tilespmem:s0], [sflag:$0x9], $0x4000, $0x38;
	[tilespmem:$0x1D380] =	vst v63  }
0x103: {  	_ =	swait.ge [sflag:s4], $0x4000  }
0x104: {  	[sflag:s4] =	ssyncset.done $0x0  }
0x105: {  	s26 =	rddreg [dreg:$0x14];
	[sflag:s4] =	ssyncadd.s32 $0xFFFFC000  }
0x106: {  	[tilespmem:s11], [sflag:$0x9] =	stream.linear.gather [spmem:s26], $0x80, $0x38;
	[tilespmem:$0x1D380] =	vst v63  }
0x107: {  	_ =	swait.ge [sflag:s4], $0x80  }
0x108: {  	[sflag:s4] =	ssyncset.done $0x0  }
0x109: {  	s26 =	rddreg [dreg:$0xd];
	[sflag:s4] =	ssyncadd.s32 $0xFFFFFF80  }
0x10a: {  	[hbm4b:s26+s3] =	stream.linear.scatter [tilespmem:s11], [sflag:$0x9], $0x80, $0x38;
	[tilespmem:$0x1D380] =	vst v63  }
0x10b: {  	_ =	swait.ge [sflag:s4], $0x80  }
0x10c: {  	[sflag:s4] =	ssyncset.done $0x0  }
0x10d: {  	s26 =	rddreg [dreg:$0x15];
	[sflag:s4] =	ssyncadd.s32 $0xFFFFFF80  }
0x10e: {  	[tilespmem:s0], [sflag:$0x9] =	stream.linear.gather [spmem:s26], $0x4000, $0x38;
	[tilespmem:$0x1D380] =	vst v63  }
0x10f: {  	_ =	swait.ge [sflag:s4], $0x4000  }
0x110: {  	[sflag:s4] =	ssyncset.done $0x0  }
0x111: {  	s26 =	rddreg [dreg:$0x9];
	[sflag:s4] =	ssyncadd.s32 $0xFFFFC000  }
0x112: {  	[hbm4b:s26+s3] =	stream.linear.scatter [tilespmem:s0], [sflag:$0x9], $0x4000, $0x38;
	[tilespmem:$0x1D380] =	vst v63  }
0x113: {  	_ =	swait.ge [sflag:s4], $0x4000  }
0x114: {  	[sflag:s4] =	ssyncset.done $0x0  }
0x115: {  	s26 =	rddreg [dreg:$0x16];
	[sflag:s4] =	ssyncadd.s32 $0xFFFFC000  }
0x116: {  	[tilespmem:s11], [sflag:$0x9] =	stream.linear.gather [spmem:s26], $0x80, $0x38;
	[tilespmem:$0x1D380] =	vst v63  }
0x117: {  	_ =	swait.ge [sflag:s4], $0x80  }
0x118: {  	[sflag:s4] =	ssyncset.done $0x0  }
0x119: {  	s26 =	rddreg [dreg:$0xe];
	[sflag:s4] =	ssyncadd.s32 $0xFFFFFF80  }
0x11a: {  	[hbm4b:s26+s3] =	stream.linear.scatter [tilespmem:s11], [sflag:$0x9], $0x80, $0x38;
	[tilespmem:$0x1D380] =	vst v63  }
0x11b: {  	_ =	swait.ge [sflag:s4], $0x80  }
0x11c: {  	[sflag:s4] =	ssyncset.done $0x0  }
0x11d: {  	s26 =	rddreg [dreg:$0x17];
	[sflag:s4] =	ssyncadd.s32 $0xFFFFFF80  }
0x11e: {  	[tilespmem:s0], [sflag:$0x9] =	stream.linear.gather [spmem:s26], $0x4000, $0x38;
	[tilespmem:$0x1D380] =	vst v63  }
0x11f: {  	_ =	swait.ge [sflag:s4], $0x4000  }
0x120: {  	[sflag:s4] =	ssyncset.done $0x0  }
0x121: {  	s26 =	rddreg [dreg:$0xa];
	[sflag:s4] =	ssyncadd.s32 $0xFFFFC000  }
0x122: {  	[hbm4b:s26+s3] =	stream.linear.scatter [tilespmem:s0], [sflag:$0x9], $0x4000, $0x38;
	[tilespmem:$0x1D380] =	vst v63  }
0x123: {  	_ =	swait.ge [sflag:s4], $0x4000  }
0x124: {  	[sflag:s4] =	ssyncset.done $0x0  }
0x125: {  	s26 =	rddreg [dreg:$0x18];
	[sflag:s4] =	ssyncadd.s32 $0xFFFFC000  }
0x126: {  	[tilespmem:s11], [sflag:$0x9] =	stream.linear.gather [spmem:s26], $0x80, $0x38;
	[tilespmem:$0x1D380] =	vst v63  }
0x127: {  	_ =	swait.ge [sflag:s4], $0x80  }
0x128: {  	[sflag:s4] =	ssyncset.done $0x0  }
0x129: {  	s26 =	rddreg [dreg:$0xf];
	[sflag:s4] =	ssyncadd.s32 $0xFFFFFF80  }
0x12a: {  	[hbm4b:s26+s3] =	stream.linear.scatter [tilespmem:s11], [sflag:$0x9], $0x80, $0x38;
	[tilespmem:$0x1D380] =	vst v63  }
0x12b: {  	_ =	swait.ge [sflag:s4], $0x80  }
0x12c: {  	s24 =	sadd.s32 $0x1, s24;
	s26 =	rddreg [dreg:$0x5]  }
0x12d: {  	p0 =	sne.s32 s24, s26  }
.Ltmp3:
0x12e: {  	_ = 	snop;
	(pc) =	sbr.rel @p0 .LBB2_1-.Ltmp3, $3  }
0x12f: {  	_ =	sdelay $0x1  }
0x130: {  	[sflag:s4] =	ssyncset.done $0x0  }
0x131: {  	[sflag:s4] =	ssyncadd.s32 $0xFFFFFF80  }
0x132: {  	_ =	sfence.sel $0x180000  }
0x133: {  	[bflag:$0x0] =	sbarrier.arrive $0xFFFF  }
0x134: {  	_ =	strace $0x9000004A  }
0x135: {  	s0 =	stileid.u32;
	[bflag:$0x2] =	sbarrier.arrive $0xFFFF  }
0x136: {  	p0 =	sne.s32 s0, $0x0;
	s0 =	rddreg [dreg:$0x3]  }
0x137: {  	s0 =	sadd.s32 @!p0 $0x100000, s0  }
0x138: {  	[sflag:s0] =	ssyncadd.tile.s32 @!p0 $0x1;
	_ =	shalt  }
.Lfunc_end2:
_tile_overlayer_lowered:
.L_overlay_start_2:
0x139: {  	(tag) =	ssettag $0x2  }
0x13a: {  	s0 =	rddreg [dreg:$0x0];
	s2 =	stileid.u32  }
0x13b: {  	s1 =	rddreg [dreg:$0x1];
	p0 =	sne.s32 s2, $0x0  }
0x13c: {  	s3 =	rddreg [dreg:$0x2];
	[bflag:$0x3] =	sbarrier.arrive $0xFFFF;
	s2 =	simm.s32 @!p0 $0x1C09  }
0x13d: {  	[timem:s3], [sflag:s2] =	dma.local @!p0 [hbm:s0], s1  }
0x13e: {  	s0 =	simm.s32 @!p0 $0x9  }
0x13f: {  	_ =	swait.ge @!p0 [sflag:s0], s1  }
0x140: {  	s1 =	ssub.s32 @!p0 $0x0, s1;
	[sflag:s0] =	ssyncset.done @!p0 $0x0  }
0x141: {  	[sflag:s0] =	ssyncadd.s32 @!p0 s1  }
0x142: {  	[bflag:$0x3] =	sbarrier.arrive $0xFFFF  }
0x143: {  	_ =	shalt  }

// kernel: kernel.15.cloned.1.call-start
scs
__scs_entry_jumppad:
0x0: {  	(pc) =	sbr.rel $0x88, $3  }
0x1: {  	(tag) =	ssettag $0x0;
	lr =	simm.s32 $0x1  }
0x2: {  	[smem:$0x3F8E] =	sst lr;
	_ =	strace $0xD0000000  }
0x3: {  	_ = 	snop  }
0x4: {  	_ = 	snop  }
0x5: {  	_ = 	snop  }
0x6: {  	_ = 	snop  }
0x7: {  	_ = 	snop  }
__scs_overlays_trampoline_lowered:
0x8: {  	[smem:$0x3F9D] =	sst s0  }
0x9: {  	[smem:$0x3F9E] =	sst s1  }
0xa: {  	[smem:$0x3F9F] =	sst s2  }
0xb: {  	[smem:$0x3FA0] =	sst s3  }
0xc: {  	[smem:$0x3FA1] =	sst s4  }
0xd: {  	[smem:$0x3FA2] =	sst s5  }
0xe: {  	[smem:$0x3FA3] =	sst s6  }
0xf: {  	[smem:$0x3FA4] =	sst s7  }
0x10: {  	[smem:$0x3FA5] =	sst s8  }
0x11: {  	[smem:$0x3FA6] =	sst s9;
	s0 =	simm.s32 @!p0 $0x0  }
0x12: {  	s1 =	sld [smem:$0x3F8C];
	s0 =	simm.s32 @p0 $0x1  }
0x13: {  	[smem:$0x3FA7] =	sst s0;
	s0 =	simm.s32 @!p1 $0x0  }
0x14: {  	s2 =	sld [smem:$0x3F8B];
	s0 =	simm.s32 @p1 $0x1  }
0x15: {  	[smem:$0x3FA8] =	sst s0;
	s0 =	simm.s32 @!p2 $0x0  }
0x16: {  	s3 =	sld [smem:$0x3FDB];
	s0 =	simm.s32 @p2 $0x1  }
0x17: {  	s4 =	simm.s32 $0x1BF5;
	[smem:$0x3FAA] =	sst s0  }
0x18: {  	s0 =	sld [smem:$0x3F8D];
	_ =	swait.ge [sflag:s4], $0x0  }
0x19: {  	s7 =	sld [smem:$0x3F8E]  }
0x1a: {  	s8 =	sadd.s32 $0xFFFFE003, lr  }
0x1b: {  	s9 =	sadd.s32 $0xFFFFFEF7, lr;
	s5 =	simm.s32 $0xFFFFFFFF;
	p2 =	slt.u32 s8, $0xFFFFF086  }
0x1c: {  	p1 =	slt.u32 s9, $0xF7A;
	s5 =	simm.s32 @!p2 $0x0  }
0x1d: {  	s5 =	simm.s32 @p1 $0x1;
	p0 =	seq.s32 s7, s2  }
0x1e: {  	s7 =	smul.u32 @!p0 $0xF7A, s2;
	p2 =	seq.s32 @!p0 s5, $0x0  }
0x1f: {  	s9 =	smul.u32 $0xF7A, s1;
	s8 =	simm.s32 @!p0 $0x1BF5;
	p2 =	por !p2, p0  }
0x20: {  	[sflag:s8] =	ssyncset.s32 @!p0 $0xFFFFF086;
	s6 =	sadd.s32 @!p0 s3, s7;
	s7 =	simm.s32 @!p0 $0x108  }
0x21: {  	s3 =	sadd.s32 s3, s9;
	s6 =	sadd.s32 @!p0 $0x88, s6;
	s7 =	simm.s32 @p2 $0x1082  }
0x22: {  	[simem:s7], [sflag:s8] =	dma.local @!p0 [hbm:s6], $0xF7A  }
0x23: {  	s9 =	sor.u32 $0xD0000000, s2;
	s6 =	simm.s32 $0x108;
	_ =	swait.ge @!p0 [sflag:s8], $0x0  }
0x24: {  	s3 =	sadd.s32 $0x88, s3;
	s6 =	simm.s32 @!p1 $0x1082;
	[sflag:s4] =	ssyncset.s32 $0xFFFFF086  }
0x25: {  	[simem:s6], [sflag:s4] =	dma.local [hbm:s3], $0xF7A  }
0x26: {  	[smem:$0x3F8E] =	sst s1;
	(tag) =	ssettag s2;
	_ =	strace s9  }
0x27: {  	s1 =	sld [smem:$0x3F9E]  }
0x28: {  	s2 =	sld [smem:$0x3F9F]  }
0x29: {  	s4 =	sld [smem:$0x3FA1]  }
0x2a: {  	p0 =	seq.s32 s5, $0x0;
	s5 =	sld [smem:$0x3FA2]  }
0x2b: {  	s6 =	sld [smem:$0x3FA3]  }
0x2c: {  	s7 =	sld [smem:$0x3FA4]  }
0x2d: {  	s3 =	simm.s32 $0x108;
	s8 =	sld [smem:$0x3FA5]  }
0x2e: {  	s3 =	simm.s32 @!p0 $0x1082;
	s9 =	sld [smem:$0x3FA6]  }
0x2f: {  	lr =	sadd.s32 s0, s3;
	s0 =	sld [smem:$0x3F9D]  }
0x30: {  	s3 =	sld [smem:$0x3FA0]  }
0x31: {  	[smem:$0x3FA9] =	sst s10  }
0x32: {  	s10 =	sld [smem:$0x3FA7];
	_ =	sdelay $0x3  }
0x33: {  	p0 =	seq.s32 s10, $0x1;
	s10 =	sld [smem:$0x3FA9];
	_ =	sdelay $0x3  }
0x34: {  	[smem:$0x3FA9] =	sst s10  }
0x35: {  	s10 =	sld [smem:$0x3FA8];
	_ =	sdelay $0x3  }
0x36: {  	p1 =	seq.s32 s10, $0x1;
	s10 =	sld [smem:$0x3FA9];
	_ =	sdelay $0x3  }
0x37: {  	[smem:$0x3FA9] =	sst s10  }
0x38: {  	s10 =	sld [smem:$0x3FAA]  }
0x39: {  	_ = 	snop;
	(pc) =	sbr.ind lr, $3  }
0x3a: {  	_ = 	snop  }
0x3b: {  	_ = 	snop  }
0x3c: {  	p2 =	seq.s32 s10, $0x1;
	s10 =	sld [smem:$0x3FA9]  }
0x3d: {  	_ =	shalt  }
0x3e: {  	_ =	shalt  }
0x3f: {  	_ =	shalt  }
0x40: {  	_ =	shalt  }
0x41: {  	_ =	shalt  }
0x42: {  	_ =	shalt  }
0x43: {  	_ =	shalt  }
0x44: {  	_ =	shalt  }
0x45: {  	_ =	shalt  }
0x46: {  	_ =	shalt  }
0x47: {  	_ =	shalt  }
0x48: {  	_ =	shalt  }
0x49: {  	_ =	shalt  }
0x4a: {  	_ =	shalt  }
0x4b: {  	_ =	shalt  }
0x4c: {  	_ =	shalt  }
0x4d: {  	_ =	shalt  }
0x4e: {  	_ =	shalt  }
0x4f: {  	_ =	shalt  }
0x50: {  	_ =	shalt  }
0x51: {  	_ =	shalt  }
0x52: {  	_ =	shalt  }
0x53: {  	_ =	shalt  }
0x54: {  	_ =	shalt  }
0x55: {  	_ =	shalt  }
0x56: {  	_ =	shalt  }
0x57: {  	_ =	shalt  }
0x58: {  	_ =	shalt  }
0x59: {  	_ =	shalt  }
0x5a: {  	_ =	shalt  }
0x5b: {  	_ =	shalt  }
0x5c: {  	_ =	shalt  }
0x5d: {  	_ =	shalt  }
0x5e: {  	_ =	shalt  }
0x5f: {  	_ =	shalt  }
0x60: {  	_ =	shalt  }
0x61: {  	_ =	shalt  }
0x62: {  	_ =	shalt  }
0x63: {  	_ =	shalt  }
0x64: {  	_ =	shalt  }
0x65: {  	_ =	shalt  }
0x66: {  	_ =	shalt  }
0x67: {  	_ =	shalt  }
0x68: {  	_ =	shalt  }
0x69: {  	_ =	shalt  }
0x6a: {  	_ =	shalt  }
0x6b: {  	_ =	shalt  }
0x6c: {  	_ =	shalt  }
0x6d: {  	_ =	shalt  }
0x6e: {  	_ =	shalt  }
0x6f: {  	_ =	shalt  }
0x70: {  	_ =	shalt  }
0x71: {  	_ =	shalt  }
0x72: {  	_ =	shalt  }
0x73: {  	_ =	shalt  }
0x74: {  	_ =	shalt  }
0x75: {  	_ =	shalt  }
0x76: {  	_ =	shalt  }
0x77: {  	_ =	shalt  }
0x78: {  	_ =	shalt  }
0x79: {  	_ =	shalt  }
0x7a: {  	_ =	shalt  }
0x7b: {  	_ =	shalt  }
0x7c: {  	_ =	shalt  }
0x7d: {  	_ =	shalt  }
0x7e: {  	_ =	shalt  }
0x7f: {  	_ =	shalt  }
0x80: {  	_ =	shalt  }
0x81: {  	_ =	shalt  }
0x82: {  	_ =	shalt  }
0x83: {  	_ =	shalt  }
0x84: {  	_ =	shalt  }
0x85: {  	_ =	shalt  }
0x86: {  	_ =	shalt  }
0x87: {  	_ =	shalt  }
.Lfunc_end0:
.L_simem_size_0:
called_computation.2_lowered:
.L_overlay_start_0:
0x88: {  	s2 =	sld [smem:$0x3FD9]  }
0x89: {  	s3 =	sld [smem:$0x3FFE];
	_ =	sdelay $0x1  }
0x8a: {  	s1 =	srdreg.scid  }
0x8b: {  	s0 =	sand.u32 $0x1, s1  }
0x8c: {  	s16 =	sshll.u32 s0, $0xA;
	s2 =	sadd.s32 s3, s2  }
0x8d: {  	s2 =	sadd.s32 s2, s16  }
0x8e: {  	[smem:$0x3FB5] =	sst s2  }
0x8f: {  	_ = 	snop  }
0x90: {  	(tm) =	ssettm $0x1  }
0x91: {  	s17 =	sld [smem:$0x3FFB];
	_ =	sdelay $0x3  }
0x92: {  	_ =	strace s17  }
0x93: {  	s2 =	sld [smem:$0x3FFC];
	_ =	sdelay $0x3  }
0x94: {  	_ =	strace s2  }
0x95: {  	s2 =	sld [smem:$0x3FFD];
	_ =	sdelay $0x3  }
0x96: {  	_ =	strace s2  }
0x97: {  	_ =	strace $0x8FFFFFFF  }
0x98: {  	s18 =	sld [smem:$0x3FDB];
	_ =	sdelay $0x1  }
0x99: {  	s19 =	simm.s32 $_scs_section_size  }
0x9a: {  	s4 =	simm.s32 $_size__tile_overlayer_lowered;
	s5 =	simm.s32 $_tile_overlayer_lowered  }
0x9b: {  	s22 =	simm.s32 $0x1BFF;
	s21 =	sshll.u32 s5, $0x1;
	s2 =	sadd.s32 s19, s18  }
0x9c: {  	s6 =	simm.s32 $0x0;
	s20 =	sshll.u32 s4, $0x1;
	s4 =	sadd.s32 s21, s2  }
0x9d: {  	[timem:s6], [sflag:s22] =	dma.local [hbm:s4], s20  }
0x9e: {  	_ =	swait.ge [sflag:s22], s20  }
0x9f: {  	s3 =	ssub.s32 $0x0, s20;
	[sflag:s22] =	ssyncset.done $0x0  }
0xa0: {  	[sflag:s22] =	ssyncadd.s32 s3;
	_ =	sdelay $0x1  }
0xa1: {  	s23 =	simm.s32 $0x1B8B  }
0xa2: {  	_ =	swait.ge [sflag:s23], $0x1  }
0xa3: {  	[sflag:s23] =	ssyncset.done $0x0  }
0xa4: {  	s25 =	simm.s32 $0x1B8E;
	s24 =	sld [smem:$0x3FFE];
	[sflag:s23] =	ssyncadd.s32 $0xFFFFFFFF  }
0xa5: {  	s26 =	simm.s32 $execute0_lowered;
	[smem:$0x3FD2] =	sst s25  }
0xa6: {  	s4 =	sshll.u32 s26, $0x1;
	_ =	strace $0x8000004C;
	[dreg:$0x1] =	wrdreg $0xFFFFFFFF  }
0xa7: {  	s28 =	simm.s32 $_size_execute0_lowered;
	s2 =	sadd.s32 s2, s4;
	[dreg:$0x0] =	wrdreg $0x0  }
0xa8: {  	s4 =	sshll.u32 s28, $0x1;
	[dreg:$0x2] =	wrdreg s2  }
0xa9: {  	[dreg:$0x3] =	wrdreg s4  }
0xaa: {  	[dreg:$0x4] =	wrdreg $0xC0  }
0xab: {  	_ =	task [dreg:s6], $0x5FFFF  }
0xac: {  	[dreg:$0x1] =	wrdreg $0xFFFFFFFF  }
0xad: {  	[dreg:$0x0] =	wrdreg $0x60  }
0xae: {  	[dreg:$0x2] =	wrdreg s24  }
0xaf: {  	[dreg:$0x3] =	wrdreg $0x90000  }
0xb0: {  	[dreg:$0x4] =	wrdreg $0x9  }
0xb1: {  	_ =	task.clear_ibuf [dreg:s6], $0x5FFFF;
	_ =	strace $0x9000004C  }
0xb2: {  	s29 =	simm.s32 $0x9;
	_ =	strace $0x8000004E  }
0xb3: {  	_ =	swait.ge [sflag:s29], $0x1  }
0xb4: {  	[sflag:s29] =	ssyncadd.s32 $0xFFFFFFFF  }
0xb5: {  	_ =	strace $0x9000004E  }
0xb6: {  	_ =	sfence  }
0xb7: {  	s30 =	sld [smem:$0x0];
	_ =	sdelay $0x2  }
0xb8: {  	s31 =	sshll.u32 s1, $0xD;
	s1 =	sshrl.u32 s1, $0x2  }
0xb9: {  	s3 =	sand.u32 $0x4000, s31;
	s1 =	sadd.s32 s1, s30  }
0xba: {  	s0 =	sor.u32 s3, s0;
	s1 =	sshll.u32 s1, $0x11  }
0xbb: {  	s0 =	sor.u32 s1, s0  }
0xbc: {  	s0 =	sadd.s32 $0x8F2B, s0  }
0xbd: {  	[sflag:s0] =	ssyncadd.remote.s32 $0x1  }
0xbe: {  	_ =	sfence.sel $0xFFFF  }
0xbf: {  	[dreg:$0x0] =	wrdreg $0xFFFFFFFF;
	(pc) =	sbr.abs _section_cstart, $3  }
0xc0: {  	[dreg:$0x1] =	wrdreg $0xFFFFFFFF  }
0xc1: {  	_ =	task.clear_ibuf [dreg:s6], $0x2FFFF;
	_ =	strace $0x9FFFFFFF  }
0xc2: {  	(tm) =	ssettm $0x7FFFFFFF  }
0xc3: {  	_ =	shalt  }
tec
execute0_lowered:
.L_overlay_start_1:
0x0: {  	(tag) =	ssettag $0x1  }
0x1: {  	s1 =	rddreg [dreg:$0x0]  }
0x2: {  	s0 =	srdreg.scid;
	s2 =	rddreg [dreg:$0x1];
	s3 =	simm.s32 $0x0  }
0x3: {  	s8 =	stileid.u32;
	s9 =	simm.s32 $0x880;
	[smem:$0x7FF] =	sst s3  }
0x4: {  	s11 =	simm.s32 $0x100;
	_ =	strace $0x8000004D;
	[dreg:$0x5] =	wrdreg s9  }
0x5: {  	s13 =	simm.s32 $0x180;
	s15 =	simm.s32 $0x900;
	[dreg:$0x6] =	wrdreg s11  }
0x6: {  	s17 =	simm.s32 $0x980;
	s18 =	simm.s32 $0x200;
	[dreg:$0x7] =	wrdreg s13  }
0x7: {  	s19 =	simm.s32 $0x280;
	s5 =	smul.u32 $0x2800, s8;
	[dreg:$0x8] =	wrdreg s15  }
0x8: {  	s20 =	simm.s32 $0xA00;
	s21 =	smul.u32 $0x280, s8;
	[dreg:$0x9] =	wrdreg s17  }
0x9: {  	s0 =	sand.u32 $0x1, s0;
	s8 =	smul.u32 $0x50000, s8;
	[dreg:$0xa] =	wrdreg s18  }
0xa: {  	s28 =	simm.s32 $0xC80;
	s4 =	smul.u32 $0x28000, s0;
	[dreg:$0xb] =	wrdreg s19  }
0xb: {  	s6 =	smul.u32 $0x2800, s0;
	s0 =	ssub.s32 $0x2, s0;
	[dreg:$0xc] =	wrdreg s20  }
0xc: {  	s22 =	sshrl.u32 s0, $0x1;
	s23 =	sshrl.u32 s8, $0x2;
	s4 =	sadd.s32 s5, s4  }
0xd: {  	s5 =	sadd.s32 s6, s21;
	s0 =	ssub.s32 s0, s22;
	s21 =	simm.s32 $0xA80  }
0xe: {  	s22 =	simm.s32 $0x300;
	s4 =	sshrl.u32 s4, $0x3;
	[dreg:$0xd] =	wrdreg s21  }
0xf: {  	s5 =	sshll.u32 s5, $0x4;
	s0 =	smax.u32 s0, $0x1;
	[dreg:$0xe] =	wrdreg s22  }
0x10: {  	s7 =	sadd.s32 s4, s1;
	s4 =	sadd.s32 $0x18800, s1;
	s1 =	sadd.s32 s5, s1  }
0x11: {  	s5 =	sadd.s32 s23, s2;
	[dreg:$0x14] =	wrdreg s0;
	s23 =	simm.s32 $0x380  }
0x12: {  	s29 =	simm.s32 $0x500;
	s30 =	simm.s32 $0x580;
	[dreg:$0xf] =	wrdreg s23  }
0x13: {  	s31 =	simm.s32 $0xD00;
	s24 =	sadd.s32 $0x4000, s5;
	[dreg:$0x13] =	wrdreg s5  }
0x14: {  	s17 =	simm.s32 $0x5;
	s25 =	sadd.s32 $0x8000, s5;
	[dreg:$0x15] =	wrdreg s24  }
0x15: {  	s18 =	simm.s32 $0x800;
	s6 =	sadd.s32 $0xC000, s5;
	[dreg:$0x16] =	wrdreg s25  }
0x16: {  	s19 =	simm.s32 $0x80;
	s26 =	sadd.s32 $0x4800, s7;
	[dreg:$0x17] =	wrdreg s6  }
0x17: {  	s20 =	simm.s32 $0x5000;
	s8 =	sadd.s32 $0x10000, s5;
	[dreg:$0x3] =	wrdreg s26  }
0x18: {  	s11 =	simm.s32 $0xE00;
	s7 =	sadd.s32 $0xE800, s7;
	[dreg:$0x18] =	wrdreg s8  }
0x19: {  	s13 =	simm.s32 $0x700;
	s10 =	sadd.s32 $0x40800, s1;
	[dreg:$0x4] =	wrdreg s7  }
0x1a: {  	s15 =	simm.s32 $0xF00;
	s12 =	sadd.s32 $0x41000, s1;
	[dreg:$0x19] =	wrdreg s10  }
0x1b: {  	s9 =	simm.s32 $0x0;
	s14 =	sadd.s32 $0x41800, s1;
	[dreg:$0x1a] =	wrdreg s12  }
0x1c: {  	s21 =	simm.s32 $0x1;
	s16 =	sadd.s32 $0x42000, s1;
	[dreg:$0x1b] =	wrdreg s14  }
0x1d: {  	s22 =	simm.s32 $0x2;
	s1 =	sadd.s32 $0x42800, s1;
	[dreg:$0x1c] =	wrdreg s16  }
0x1e: {  	s0 =	simm.s32 $0x600;
	s23 =	simm.s32 $0x3;
	[dreg:$0x1d] =	wrdreg s1  }
0x1f: {  	s16 =	simm.s32 $0x1000;
	s24 =	simm.s32 $0xB00;
	s25 =	simm.s32 $0xB80  }
0x20: {  	s26 =	simm.s32 $0x400;
	s1 =	simm.s32 $0xD80;
	s6 =	simm.s32 $0x680  }
0x21: {  	s12 =	simm.s32 $0xE80;
	s14 =	simm.s32 $0x780;
	[dreg:$0x10] =	wrdreg s24  }
0x22: {  	s7 =	simm.s32 $0xF80;
	[dreg:$0x11] =	wrdreg s25;
	s24 =	simm.s32 $0x4  }
0x23: {  	v0 =	vimm.f32 $0.0e+00;
	[dreg:$0x12] =	wrdreg s26;
	s25 =	simm.s32 $0x480;
	s26 =	simm.s32 $0xC00  }
.LBB2_1:
0x24: {  	[dreg:$0x1e] =	wrdreg s9;
	s9 =	simm.s32 $0x0;
	s10 =	simm.s32 $0x200  }
.LBB2_2:
0x25: {  	p0 =	sne.s32 s10, $0xFE00;
	[tilespmem:s9+$0x1070] =	vst v0  }
0x26: {  	[tilespmem:s9+$0x1000] =	vst v0  }
0x27: {  	[tilespmem:s9+$0x1010] =	vst v0  }
.Ltmp0:
0x28: {  	[tilespmem:s9+$0x1020] =	vst v0;
	(pc) =	sbr.rel @p0 .LBB2_2-.Ltmp0, $4  }
0x29: {  	[tilespmem:s9+$0x1030] =	vst v0  }
0x2a: {  	[tilespmem:s9+$0x1040] =	vst v0  }
0x2b: {  	[tilespmem:s9+$0x1050] =	vst v0  }
0x2c: {  	[tilespmem:s9+$0x1060] =	vst v0;
	s9 =	sshra.s32 s10, $0x2;
	s10 =	sadd.s32 $0x200, s10  }
0x2d: {  	[tilespmem:s9+$0x1070] =	vst v0  }
0x2e: {  	[tilespmem:s9+$0x1000] =	vst v0  }
0x2f: {  	[tilespmem:s9+$0x1010] =	vst v0  }
0x30: {  	[tilespmem:s9+$0x1020] =	vst v0  }
0x31: {  	[tilespmem:s9+$0x1030] =	vst v0  }
0x32: {  	[tilespmem:s9+$0x1040] =	vst v0  }
0x33: {  	[tilespmem:s9+$0x1050] =	vst v0  }
0x34: {  	[tilespmem:s9+$0x1060] =	vst v0  }
0x35: {  	[spmem:s5] =	stream.linear.scatter [tilespmem:s16], [sflag:$0x5], $0x4000, $0x38;
	[tilespmem:$0x1D000] =	vst v63  }
0x36: {  	_ =	swait.ge [sflag:s17], $0x4000  }
0x37: {  	[sflag:s17] =	ssyncset.done $0x0  }
0x38: {  	s9 =	rddreg [dreg:$0x15];
	[sflag:s17] =	ssyncadd.s32 $0xFFFFC000  }
0x39: {  	[spmem:s9] =	stream.linear.scatter [tilespmem:s16], [sflag:$0x5], $0x4000, $0x38;
	[tilespmem:$0x1D000] =	vst v63  }
0x3a: {  	_ =	swait.ge [sflag:s17], $0x4000  }
0x3b: {  	[sflag:s17] =	ssyncset.done $0x0  }
0x3c: {  	s10 =	rddreg [dreg:$0x16];
	[sflag:s17] =	ssyncadd.s32 $0xFFFFC000  }
0x3d: {  	[spmem:s10] =	stream.linear.scatter [tilespmem:s16], [sflag:$0x5], $0x4000, $0x38;
	[tilespmem:$0x1D000] =	vst v63  }
0x3e: {  	_ =	swait.ge [sflag:s17], $0x4000  }
0x3f: {  	[sflag:s17] =	ssyncset.done $0x0  }
0x40: {  	s8 =	rddreg [dreg:$0x17];
	[sflag:s17] =	ssyncadd.s32 $0xFFFFC000  }
0x41: {  	[spmem:s8] =	stream.linear.scatter [tilespmem:s16], [sflag:$0x5], $0x4000, $0x38;
	[tilespmem:$0x1D000] =	vst v63  }
0x42: {  	_ =	swait.ge [sflag:s17], $0x4000  }
0x43: {  	[sflag:s17] =	ssyncset.done $0x0  }
0x44: {  	s9 =	rddreg [dreg:$0x18];
	[sflag:s17] =	ssyncadd.s32 $0xFFFFC000  }
0x45: {  	[spmem:s9] =	stream.linear.scatter [tilespmem:s16], [sflag:$0x5], $0x4000, $0x38;
	[tilespmem:$0x1D000] =	vst v63  }
0x46: {  	_ =	swait.ge [sflag:s17], $0x4000  }
0x47: {  	[sflag:s17] =	ssyncset.done $0x0  }
0x48: {  	[sflag:s17] =	ssyncadd.s32 $0xFFFFC000  }
0x49: {  	[bflag:$0x0] =	sbarrier.arrive $0xFFFF  }
0x4a: {  	s10 =	rddreg [dreg:$0x4]  }
0x4b: {  	s5 =	sadd.s32 $0x0, s10  }
0x4c: {  	[tilespmem:s3], [sflag:$0x5] =	stream.linear.gather [hbm4b:s5+s3], $0x800, $0x38;
	[tilespmem:$0x1D000] =	vst v63  }
0x4d: {  	_ =	swait.ge [sflag:s17], $0x800  }
0x4e: {  	s8 =	rddreg [dreg:$0x3];
	[sflag:s17] =	ssyncset.done $0x0  }
0x4f: {  	[sflag:s17] =	ssyncadd.s32 $0xFFFFF800;
	s5 =	sadd.s32 $0x0, s8  }
0x50: {  	[tilespmem:s18], [sflag:$0x5] =	stream.linear.gather [hbm4b:s5+s3], $0x800, $0x38;
	[tilespmem:$0x1D000] =	vst v63  }
0x51: {  	_ =	swait.ge [sflag:s17], $0x800  }
0x52: {  	[sflag:s17] =	ssyncset.done $0x0  }
0x53: {  	[sflag:s17] =	ssyncadd.s32 $0xFFFFF800  }
0x54: {  	[tilespmem:s16], [sflag:$0x1] =	stream.indirect.gather [hbm4b:s4+s19], $0x80, s3, s19, $0xb8;
	[tilespmem:$0x1D000] =	vst v63  }
0x55: {  	_ = 	snop  }
0x56: {  	[tilespmem:s20], [sflag:$0x2] =	stream.indirect.gather [hbm4b:s4+s19], $0x80, s19, s19, $0xb8;
	[tilespmem:$0x1D000] =	vst v63  }
0x57: {  	_ =	swait.ge [sflag:s21], $0x4000  }
0x58: {  	[sflag:s21] =	ssyncset.done $0x0  }
0x59: {  	[sflag:s21] =	ssyncadd.s32 $0xFFFFC000  }
0x5a: {  	[spmem:s2] =	stream.indirect.scatter.add.f32 [tilespmem:s16], [sflag:$0x3], $0x80, s18, s19, $0xb8;
	[tilespmem:$0x1D000] =	vst v63  }
0x5b: {  	_ =	swait.ge [sflag:s22], $0x4000  }
0x5c: {  	[sflag:s22] =	ssyncset.done $0x0  }
0x5d: {  	s9 =	rddreg [dreg:$0x5];
	[sflag:s22] =	ssyncadd.s32 $0xFFFFC000  }
0x5e: {  	[spmem:s2] =	stream.indirect.scatter.add.f32 [tilespmem:s20], [sflag:$0x4], $0x80, s9, s19, $0xb8;
	[tilespmem:$0x1D000] =	vst v63  }
0x5f: {  	_ =	swait.ge [sflag:s23], $0x4000  }
0x60: {  	[sflag:s23] =	ssyncset.done $0x0  }
0x61: {  	s10 =	rddreg [dreg:$0x6];
	[sflag:s23] =	ssyncadd.s32 $0xFFFFC000  }
0x62: {  	[tilespmem:s16], [sflag:$0x1] =	stream.indirect.gather [hbm4b:s4+s19], $0x80, s10, s19, $0xb8;
	[tilespmem:$0x1D000] =	vst v63  }
0x63: {  	_ =	swait.ge [sflag:s24], $0x4000  }
0x64: {  	[sflag:s24] =	ssyncset.done $0x0  }
0x65: {  	s8 =	rddreg [dreg:$0x7];
	[sflag:s24] =	ssyncadd.s32 $0xFFFFC000  }
0x66: {  	[tilespmem:s20], [sflag:$0x2] =	stream.indirect.gather [hbm4b:s4+s19], $0x80, s8, s19, $0xb8;
	[tilespmem:$0x1D000] =	vst v63  }
0x67: {  	_ =	swait.ge [sflag:s21], $0x4000  }
0x68: {  	[sflag:s21] =	ssyncset.done $0x0  }
0x69: {  	s9 =	rddreg [dreg:$0x8];
	[sflag:s21] =	ssyncadd.s32 $0xFFFFC000  }
0x6a: {  	[spmem:s2] =	stream.indirect.scatter.add.f32 [tilespmem:s16], [sflag:$0x3], $0x80, s9, s19, $0xb8;
	[tilespmem:$0x1D000] =	vst v63  }
0x6b: {  	_ =	swait.ge [sflag:s22], $0x4000  }
0x6c: {  	[sflag:s22] =	ssyncset.done $0x0  }
0x6d: {  	s10 =	rddreg [dreg:$0x9];
	[sflag:s22] =	ssyncadd.s32 $0xFFFFC000  }
0x6e: {  	[spmem:s2] =	stream.indirect.scatter.add.f32 [tilespmem:s20], [sflag:$0x4], $0x80, s10, s19, $0xb8;
	[tilespmem:$0x1D000] =	vst v63  }
0x6f: {  	_ =	swait.ge [sflag:s23], $0x4000  }
0x70: {  	[sflag:s23] =	ssyncset.done $0x0  }
0x71: {  	s8 =	rddreg [dreg:$0xa];
	[sflag:s23] =	ssyncadd.s32 $0xFFFFC000  }
0x72: {  	[tilespmem:s16], [sflag:$0x1] =	stream.indirect.gather [hbm4b:s4+s19], $0x80, s8, s19, $0xb8;
	[tilespmem:$0x1D000] =	vst v63  }
0x73: {  	_ =	swait.ge [sflag:s24], $0x4000  }
0x74: {  	[sflag:s24] =	ssyncset.done $0x0  }
0x75: {  	s9 =	rddreg [dreg:$0xb];
	[sflag:s24] =	ssyncadd.s32 $0xFFFFC000  }
0x76: {  	[tilespmem:s20], [sflag:$0x2] =	stream.indirect.gather [hbm4b:s4+s19], $0x80, s9, s19, $0xb8;
	[tilespmem:$0x1D000] =	vst v63  }
0x77: {  	_ =	swait.ge [sflag:s21], $0x4000  }
0x78: {  	[sflag:s21] =	ssyncset.done $0x0  }
0x79: {  	s10 =	rddreg [dreg:$0xc];
	[sflag:s21] =	ssyncadd.s32 $0xFFFFC000  }
0x7a: {  	[spmem:s2] =	stream.indirect.scatter.add.f32 [tilespmem:s16], [sflag:$0x3], $0x80, s10, s19, $0xb8;
	[tilespmem:$0x1D000] =	vst v63  }
0x7b: {  	_ =	swait.ge [sflag:s22], $0x4000  }
0x7c: {  	[sflag:s22] =	ssyncset.done $0x0  }
0x7d: {  	s8 =	rddreg [dreg:$0xd];
	[sflag:s22] =	ssyncadd.s32 $0xFFFFC000  }
0x7e: {  	[spmem:s2] =	stream.indirect.scatter.add.f32 [tilespmem:s20], [sflag:$0x4], $0x80, s8, s19, $0xb8;
	[tilespmem:$0x1D000] =	vst v63  }
0x7f: {  	_ =	swait.ge [sflag:s23], $0x4000  }
0x80: {  	[sflag:s23] =	ssyncset.done $0x0  }
0x81: {  	s9 =	rddreg [dreg:$0xe];
	[sflag:s23] =	ssyncadd.s32 $0xFFFFC000  }
0x82: {  	[tilespmem:s16], [sflag:$0x1] =	stream.indirect.gather [hbm4b:s4+s19], $0x80, s9, s19, $0xb8;
	[tilespmem:$0x1D000] =	vst v63  }
0x83: {  	_ =	swait.ge [sflag:s24], $0x4000  }
0x84: {  	[sflag:s24] =	ssyncset.done $0x0  }
0x85: {  	s10 =	rddreg [dreg:$0xf];
	[sflag:s24] =	ssyncadd.s32 $0xFFFFC000  }
0x86: {  	[tilespmem:s20], [sflag:$0x2] =	stream.indirect.gather [hbm4b:s4+s19], $0x80, s10, s19, $0xb8;
	[tilespmem:$0x1D000] =	vst v63  }
0x87: {  	_ =	swait.ge [sflag:s21], $0x4000  }
0x88: {  	[sflag:s21] =	ssyncset.done $0x0  }
0x89: {  	s8 =	rddreg [dreg:$0x10];
	[sflag:s21] =	ssyncadd.s32 $0xFFFFC000  }
0x8a: {  	[spmem:s2] =	stream.indirect.scatter.add.f32 [tilespmem:s16], [sflag:$0x3], $0x80, s8, s19, $0xb8;
	[tilespmem:$0x1D000] =	vst v63  }
0x8b: {  	_ =	swait.ge [sflag:s22], $0x4000  }
0x8c: {  	[sflag:s22] =	ssyncset.done $0x0  }
0x8d: {  	s9 =	rddreg [dreg:$0x11];
	[sflag:s22] =	ssyncadd.s32 $0xFFFFC000  }
0x8e: {  	[spmem:s2] =	stream.indirect.scatter.add.f32 [tilespmem:s20], [sflag:$0x4], $0x80, s9, s19, $0xb8;
	[tilespmem:$0x1D000] =	vst v63  }
0x8f: {  	_ =	swait.ge [sflag:s23], $0x4000  }
0x90: {  	[sflag:s23] =	ssyncset.done $0x0  }
0x91: {  	s10 =	rddreg [dreg:$0x12];
	[sflag:s23] =	ssyncadd.s32 $0xFFFFC000  }
0x92: {  	[tilespmem:s16], [sflag:$0x1] =	stream.indirect.gather [hbm4b:s4+s19], $0x80, s10, s19, $0xb8;
	[tilespmem:$0x1D000] =	vst v63  }
0x93: {  	_ =	swait.ge [sflag:s24], $0x4000  }
0x94: {  	[sflag:s24] =	ssyncset.done $0x0  }
0x95: {  	[sflag:s24] =	ssyncadd.s32 $0xFFFFC000  }
0x96: {  	[tilespmem:s20], [sflag:$0x2] =	stream.indirect.gather [hbm4b:s4+s19], $0x80, s25, s19, $0xb8;
	[tilespmem:$0x1D000] =	vst v63  }
0x97: {  	_ =	swait.ge [sflag:s21], $0x4000  }
0x98: {  	[sflag:s21] =	ssyncset.done $0x0  }
0x99: {  	[sflag:s21] =	ssyncadd.s32 $0xFFFFC000  }
0x9a: {  	[spmem:s2] =	stream.indirect.scatter.add.f32 [tilespmem:s16], [sflag:$0x3], $0x80, s26, s19, $0xb8;
	[tilespmem:$0x1D000] =	vst v63  }
0x9b: {  	_ =	swait.ge [sflag:s22], $0x4000  }
0x9c: {  	[sflag:s22] =	ssyncset.done $0x0  }
0x9d: {  	[sflag:s22] =	ssyncadd.s32 $0xFFFFC000  }
0x9e: {  	[spmem:s2] =	stream.indirect.scatter.add.f32 [tilespmem:s20], [sflag:$0x4], $0x80, s28, s19, $0xb8;
	[tilespmem:$0x1D000] =	vst v63  }
0x9f: {  	_ =	swait.ge [sflag:s23], $0x4000  }
0xa0: {  	[sflag:s23] =	ssyncset.done $0x0  }
0xa1: {  	[sflag:s23] =	ssyncadd.s32 $0xFFFFC000  }
0xa2: {  	[tilespmem:s16], [sflag:$0x1] =	stream.indirect.gather [hbm4b:s4+s19], $0x80, s29, s19, $0xb8;
	[tilespmem:$0x1D000] =	vst v63  }
0xa3: {  	_ =	swait.ge [sflag:s24], $0x4000  }
0xa4: {  	[sflag:s24] =	ssyncset.done $0x0  }
0xa5: {  	[sflag:s24] =	ssyncadd.s32 $0xFFFFC000  }
0xa6: {  	[tilespmem:s20], [sflag:$0x2] =	stream.indirect.gather [hbm4b:s4+s19], $0x80, s30, s19, $0xb8;
	[tilespmem:$0x1D000] =	vst v63  }
0xa7: {  	_ =	swait.ge [sflag:s21], $0x4000  }
0xa8: {  	[sflag:s21] =	ssyncset.done $0x0  }
0xa9: {  	[sflag:s21] =	ssyncadd.s32 $0xFFFFC000  }
0xaa: {  	[spmem:s2] =	stream.indirect.scatter.add.f32 [tilespmem:s16], [sflag:$0x3], $0x80, s31, s19, $0xb8;
	[tilespmem:$0x1D000] =	vst v63  }
0xab: {  	_ =	swait.ge [sflag:s22], $0x4000  }
0xac: {  	[sflag:s22] =	ssyncset.done $0x0  }
0xad: {  	[sflag:s22] =	ssyncadd.s32 $0xFFFFC000  }
0xae: {  	[spmem:s2] =	stream.indirect.scatter.add.f32 [tilespmem:s20], [sflag:$0x4], $0x80, s1, s19, $0xb8;
	[tilespmem:$0x1D000] =	vst v63  }
0xaf: {  	_ =	swait.ge [sflag:s23], $0x4000  }
0xb0: {  	[sflag:s23] =	ssyncset.done $0x0  }
0xb1: {  	[sflag:s23] =	ssyncadd.s32 $0xFFFFC000  }
0xb2: {  	[tilespmem:s16], [sflag:$0x1] =	stream.indirect.gather [hbm4b:s4+s19], $0x80, s0, s19, $0xb8;
	[tilespmem:$0x1D000] =	vst v63  }
0xb3: {  	_ =	swait.ge [sflag:s24], $0x4000  }
0xb4: {  	[sflag:s24] =	ssyncset.done $0x0  }
0xb5: {  	[sflag:s24] =	ssyncadd.s32 $0xFFFFC000  }
0xb6: {  	[tilespmem:s20], [sflag:$0x2] =	stream.indirect.gather [hbm4b:s4+s19], $0x80, s6, s19, $0xb8;
	[tilespmem:$0x1D000] =	vst v63  }
0xb7: {  	_ =	swait.ge [sflag:s21], $0x4000  }
0xb8: {  	[sflag:s21] =	ssyncset.done $0x0  }
0xb9: {  	[sflag:s21] =	ssyncadd.s32 $0xFFFFC000  }
0xba: {  	[spmem:s2] =	stream.indirect.scatter.add.f32 [tilespmem:s16], [sflag:$0x3], $0x80, s11, s19, $0xb8;
	[tilespmem:$0x1D000] =	vst v63  }
0xbb: {  	_ =	swait.ge [sflag:s22], $0x4000  }
0xbc: {  	[sflag:s22] =	ssyncset.done $0x0  }
0xbd: {  	[sflag:s22] =	ssyncadd.s32 $0xFFFFC000  }
0xbe: {  	[spmem:s2] =	stream.indirect.scatter.add.f32 [tilespmem:s20], [sflag:$0x4], $0x80, s12, s19, $0xb8;
	[tilespmem:$0x1D000] =	vst v63  }
0xbf: {  	_ =	swait.ge [sflag:s23], $0x4000  }
0xc0: {  	[sflag:s23] =	ssyncset.done $0x0  }
0xc1: {  	[sflag:s23] =	ssyncadd.s32 $0xFFFFC000  }
0xc2: {  	[tilespmem:s16], [sflag:$0x1] =	stream.indirect.gather [hbm4b:s4+s19], $0x80, s13, s19, $0xb8;
	[tilespmem:$0x1D000] =	vst v63  }
0xc3: {  	_ =	swait.ge [sflag:s24], $0x4000  }
0xc4: {  	[sflag:s24] =	ssyncset.done $0x0  }
0xc5: {  	[sflag:s24] =	ssyncadd.s32 $0xFFFFC000  }
0xc6: {  	[tilespmem:s20], [sflag:$0x2] =	stream.indirect.gather [hbm4b:s4+s19], $0x80, s14, s19, $0xb8;
	[tilespmem:$0x1D000] =	vst v63  }
0xc7: {  	_ =	swait.ge [sflag:s21], $0x4000  }
0xc8: {  	[sflag:s21] =	ssyncset.done $0x0  }
0xc9: {  	[sflag:s21] =	ssyncadd.s32 $0xFFFFC000  }
0xca: {  	[spmem:s2] =	stream.indirect.scatter.add.f32 [tilespmem:s16], [sflag:$0x3], $0x80, s15, s19, $0xb8;
	[tilespmem:$0x1D000] =	vst v63  }
0xcb: {  	_ =	swait.ge [sflag:s22], $0x4000  }
0xcc: {  	[sflag:s22] =	ssyncset.done $0x0  }
0xcd: {  	[sflag:s22] =	ssyncadd.s32 $0xFFFFC000  }
0xce: {  	[spmem:s2] =	stream.indirect.scatter.add.f32 [tilespmem:s20], [sflag:$0x4], $0x80, s7, s19, $0xb8;
	[tilespmem:$0x1D000] =	vst v63  }
0xcf: {  	_ =	swait.ge [sflag:s23], $0x4000  }
0xd0: {  	[sflag:s23] =	ssyncset.done $0x0  }
0xd1: {  	[sflag:s23] =	ssyncadd.s32 $0xFFFFC000  }
0xd2: {  	s9 =	simm.s32 $0x100;
	_ =	swait.ge [sflag:s24], $0x4000  }
0xd3: {  	s10 =	simm.s32 $0x200;
	s5 =	rddreg [dreg:$0x4];
	[sflag:s24] =	ssyncset.done $0x0  }
.LBB2_4:
0xd4: {  	[sflag:s24] =	ssyncadd.s32 $0xFFFFC000;
	s5 =	sadd.s32 s9, s5  }
0xd5: {  	[tilespmem:s3], [sflag:$0x5] =	stream.linear.gather [hbm4b:s5+s3], $0x800, $0x38;
	[tilespmem:$0x1D000] =	vst v63  }
0xd6: {  	_ =	swait.ge [sflag:s17], $0x800  }
0xd7: {  	s5 =	rddreg [dreg:$0x3];
	[sflag:s17] =	ssyncset.done $0x0  }
0xd8: {  	[sflag:s17] =	ssyncadd.s32 $0xFFFFF800;
	s5 =	sadd.s32 s9, s5  }
0xd9: {  	[tilespmem:s18], [sflag:$0x5] =	stream.linear.gather [hbm4b:s5+s3], $0x800, $0x38;
	[tilespmem:$0x1D000] =	vst v63  }
0xda: {  	_ =	swait.ge [sflag:s17], $0x800  }
0xdb: {  	[sflag:s17] =	ssyncset.done $0x0  }
0xdc: {  	[sflag:s17] =	ssyncadd.s32 $0xFFFFF800  }
0xdd: {  	[tilespmem:s16], [sflag:$0x1] =	stream.indirect.gather [hbm4b:s4+s19], $0x80, s3, s19, $0xb8;
	[tilespmem:$0x1D000] =	vst v63  }
0xde: {  	_ = 	snop  }
0xdf: {  	[tilespmem:s20], [sflag:$0x2] =	stream.indirect.gather [hbm4b:s4+s19], $0x80, s19, s19, $0xb8;
	[tilespmem:$0x1D000] =	vst v63  }
0xe0: {  	_ =	swait.ge [sflag:s21], $0x4000  }
0xe1: {  	[sflag:s21] =	ssyncset.done $0x0  }
0xe2: {  	[sflag:s21] =	ssyncadd.s32 $0xFFFFC000  }
0xe3: {  	[spmem:s2] =	stream.indirect.scatter.add.f32 [tilespmem:s16], [sflag:$0x3], $0x80, s18, s19, $0xb8;
	[tilespmem:$0x1D000] =	vst v63  }
0xe4: {  	_ =	swait.ge [sflag:s22], $0x4000  }
0xe5: {  	s8 =	smov.u32 s10;
	[sflag:s22] =	ssyncset.done $0x0  }
0xe6: {  	s9 =	smov.u32 s8;
	s8 =	rddreg [dreg:$0x5];
	[sflag:s22] =	ssyncadd.s32 $0xFFFFC000  }
0xe7: {  	[spmem:s2] =	stream.indirect.scatter.add.f32 [tilespmem:s20], [sflag:$0x4], $0x80, s8, s19, $0xb8;
	[tilespmem:$0x1D000] =	vst v63  }
0xe8: {  	_ =	swait.ge [sflag:s23], $0x4000  }
0xe9: {  	[sflag:s23] =	ssyncset.done $0x0  }
0xea: {  	s8 =	rddreg [dreg:$0x6];
	[sflag:s23] =	ssyncadd.s32 $0xFFFFC000  }
0xeb: {  	[tilespmem:s16], [sflag:$0x1] =	stream.indirect.gather [hbm4b:s4+s19], $0x80, s8, s19, $0xb8;
	[tilespmem:$0x1D000] =	vst v63  }
0xec: {  	_ =	swait.ge [sflag:s24], $0x4000  }
0xed: {  	[sflag:s24] =	ssyncset.done $0x0  }
0xee: {  	s8 =	rddreg [dreg:$0x7];
	[sflag:s24] =	ssyncadd.s32 $0xFFFFC000  }
0xef: {  	[tilespmem:s20], [sflag:$0x2] =	stream.indirect.gather [hbm4b:s4+s19], $0x80, s8, s19, $0xb8;
	[tilespmem:$0x1D000] =	vst v63  }
0xf0: {  	_ =	swait.ge [sflag:s21], $0x4000  }
0xf1: {  	[sflag:s21] =	ssyncset.done $0x0  }
0xf2: {  	s8 =	rddreg [dreg:$0x8];
	[sflag:s21] =	ssyncadd.s32 $0xFFFFC000  }
0xf3: {  	[spmem:s2] =	stream.indirect.scatter.add.f32 [tilespmem:s16], [sflag:$0x3], $0x80, s8, s19, $0xb8;
	[tilespmem:$0x1D000] =	vst v63  }
0xf4: {  	_ =	swait.ge [sflag:s22], $0x4000  }
0xf5: {  	[sflag:s22] =	ssyncset.done $0x0  }
0xf6: {  	s8 =	rddreg [dreg:$0x9];
	[sflag:s22] =	ssyncadd.s32 $0xFFFFC000  }
0xf7: {  	[spmem:s2] =	stream.indirect.scatter.add.f32 [tilespmem:s20], [sflag:$0x4], $0x80, s8, s19, $0xb8;
	[tilespmem:$0x1D000] =	vst v63  }
0xf8: {  	_ =	swait.ge [sflag:s23], $0x4000  }
0xf9: {  	[sflag:s23] =	ssyncset.done $0x0  }
0xfa: {  	s8 =	rddreg [dreg:$0xa];
	[sflag:s23] =	ssyncadd.s32 $0xFFFFC000  }
0xfb: {  	[tilespmem:s16], [sflag:$0x1] =	stream.indirect.gather [hbm4b:s4+s19], $0x80, s8, s19, $0xb8;
	[tilespmem:$0x1D000] =	vst v63  }
0xfc: {  	_ =	swait.ge [sflag:s24], $0x4000  }
0xfd: {  	[sflag:s24] =	ssyncset.done $0x0  }
0xfe: {  	s8 =	rddreg [dreg:$0xb];
	[sflag:s24] =	ssyncadd.s32 $0xFFFFC000  }
0xff: {  	[tilespmem:s20], [sflag:$0x2] =	stream.indirect.gather [hbm4b:s4+s19], $0x80, s8, s19, $0xb8;
	[tilespmem:$0x1D000] =	vst v63  }
0x100: {  	_ =	swait.ge [sflag:s21], $0x4000  }
0x101: {  	[sflag:s21] =	ssyncset.done $0x0  }
0x102: {  	s8 =	rddreg [dreg:$0xc];
	[sflag:s21] =	ssyncadd.s32 $0xFFFFC000  }
0x103: {  	[spmem:s2] =	stream.indirect.scatter.add.f32 [tilespmem:s16], [sflag:$0x3], $0x80, s8, s19, $0xb8;
	[tilespmem:$0x1D000] =	vst v63  }
0x104: {  	_ =	swait.ge [sflag:s22], $0x4000  }
0x105: {  	[sflag:s22] =	ssyncset.done $0x0  }
0x106: {  	s8 =	rddreg [dreg:$0xd];
	[sflag:s22] =	ssyncadd.s32 $0xFFFFC000  }
0x107: {  	[spmem:s2] =	stream.indirect.scatter.add.f32 [tilespmem:s20], [sflag:$0x4], $0x80, s8, s19, $0xb8;
	[tilespmem:$0x1D000] =	vst v63  }
0x108: {  	_ =	swait.ge [sflag:s23], $0x4000  }
0x109: {  	[sflag:s23] =	ssyncset.done $0x0  }
0x10a: {  	s8 =	rddreg [dreg:$0xe];
	[sflag:s23] =	ssyncadd.s32 $0xFFFFC000  }
0x10b: {  	[tilespmem:s16], [sflag:$0x1] =	stream.indirect.gather [hbm4b:s4+s19], $0x80, s8, s19, $0xb8;
	[tilespmem:$0x1D000] =	vst v63  }
0x10c: {  	_ =	swait.ge [sflag:s24], $0x4000  }
0x10d: {  	[sflag:s24] =	ssyncset.done $0x0  }
0x10e: {  	s8 =	rddreg [dreg:$0xf];
	[sflag:s24] =	ssyncadd.s32 $0xFFFFC000  }
0x10f: {  	[tilespmem:s20], [sflag:$0x2] =	stream.indirect.gather [hbm4b:s4+s19], $0x80, s8, s19, $0xb8;
	[tilespmem:$0x1D000] =	vst v63  }
0x110: {  	_ =	swait.ge [sflag:s21], $0x4000  }
0x111: {  	[sflag:s21] =	ssyncset.done $0x0  }
0x112: {  	s8 =	rddreg [dreg:$0x10];
	[sflag:s21] =	ssyncadd.s32 $0xFFFFC000  }
0x113: {  	[spmem:s2] =	stream.indirect.scatter.add.f32 [tilespmem:s16], [sflag:$0x3], $0x80, s8, s19, $0xb8;
	[tilespmem:$0x1D000] =	vst v63  }
0x114: {  	_ =	swait.ge [sflag:s22], $0x4000  }
0x115: {  	[sflag:s22] =	ssyncset.done $0x0  }
0x116: {  	s8 =	rddreg [dreg:$0x11];
	[sflag:s22] =	ssyncadd.s32 $0xFFFFC000  }
0x117: {  	[spmem:s2] =	stream.indirect.scatter.add.f32 [tilespmem:s20], [sflag:$0x4], $0x80, s8, s19, $0xb8;
	[tilespmem:$0x1D000] =	vst v63  }
0x118: {  	_ =	swait.ge [sflag:s23], $0x4000  }
0x119: {  	[sflag:s23] =	ssyncset.done $0x0  }
0x11a: {  	s8 =	rddreg [dreg:$0x12];
	[sflag:s23] =	ssyncadd.s32 $0xFFFFC000  }
0x11b: {  	[tilespmem:s16], [sflag:$0x1] =	stream.indirect.gather [hbm4b:s4+s19], $0x80, s8, s19, $0xb8;
	[tilespmem:$0x1D000] =	vst v63  }
0x11c: {  	_ =	swait.ge [sflag:s24], $0x4000  }
0x11d: {  	[sflag:s24] =	ssyncset.done $0x0  }
0x11e: {  	[sflag:s24] =	ssyncadd.s32 $0xFFFFC000  }
0x11f: {  	[tilespmem:s20], [sflag:$0x2] =	stream.indirect.gather [hbm4b:s4+s19], $0x80, s25, s19, $0xb8;
	[tilespmem:$0x1D000] =	vst v63  }
0x120: {  	_ =	swait.ge [sflag:s21], $0x4000  }
0x121: {  	[sflag:s21] =	ssyncset.done $0x0  }
0x122: {  	[sflag:s21] =	ssyncadd.s32 $0xFFFFC000  }
0x123: {  	[spmem:s2] =	stream.indirect.scatter.add.f32 [tilespmem:s16], [sflag:$0x3], $0x80, s26, s19, $0xb8;
	[tilespmem:$0x1D000] =	vst v63  }
0x124: {  	_ =	swait.ge [sflag:s22], $0x4000  }
0x125: {  	[sflag:s22] =	ssyncset.done $0x0  }
0x126: {  	[sflag:s22] =	ssyncadd.s32 $0xFFFFC000  }
0x127: {  	[spmem:s2] =	stream.indirect.scatter.add.f32 [tilespmem:s20], [sflag:$0x4], $0x80, s28, s19, $0xb8;
	[tilespmem:$0x1D000] =	vst v63  }
0x128: {  	_ =	swait.ge [sflag:s23], $0x4000  }
0x129: {  	[sflag:s23] =	ssyncset.done $0x0  }
0x12a: {  	[sflag:s23] =	ssyncadd.s32 $0xFFFFC000  }
0x12b: {  	[tilespmem:s16], [sflag:$0x1] =	stream.indirect.gather [hbm4b:s4+s19], $0x80, s29, s19, $0xb8;
	[tilespmem:$0x1D000] =	vst v63  }
0x12c: {  	_ =	swait.ge [sflag:s24], $0x4000  }
0x12d: {  	[sflag:s24] =	ssyncset.done $0x0  }
0x12e: {  	[sflag:s24] =	ssyncadd.s32 $0xFFFFC000  }
0x12f: {  	[tilespmem:s20], [sflag:$0x2] =	stream.indirect.gather [hbm4b:s4+s19], $0x80, s30, s19, $0xb8;
	[tilespmem:$0x1D000] =	vst v63  }
0x130: {  	_ =	swait.ge [sflag:s21], $0x4000  }
0x131: {  	[sflag:s21] =	ssyncset.done $0x0  }
0x132: {  	[sflag:s21] =	ssyncadd.s32 $0xFFFFC000  }
0x133: {  	[spmem:s2] =	stream.indirect.scatter.add.f32 [tilespmem:s16], [sflag:$0x3], $0x80, s31, s19, $0xb8;
	[tilespmem:$0x1D000] =	vst v63  }
0x134: {  	_ =	swait.ge [sflag:s22], $0x4000  }
0x135: {  	[sflag:s22] =	ssyncset.done $0x0  }
0x136: {  	[sflag:s22] =	ssyncadd.s32 $0xFFFFC000  }
0x137: {  	[spmem:s2] =	stream.indirect.scatter.add.f32 [tilespmem:s20], [sflag:$0x4], $0x80, s1, s19, $0xb8;
	[tilespmem:$0x1D000] =	vst v63  }
0x138: {  	_ =	swait.ge [sflag:s23], $0x4000  }
0x139: {  	[sflag:s23] =	ssyncset.done $0x0  }
0x13a: {  	[sflag:s23] =	ssyncadd.s32 $0xFFFFC000  }
0x13b: {  	[tilespmem:s16], [sflag:$0x1] =	stream.indirect.gather [hbm4b:s4+s19], $0x80, s0, s19, $0xb8;
	[tilespmem:$0x1D000] =	vst v63  }
0x13c: {  	_ =	swait.ge [sflag:s24], $0x4000  }
0x13d: {  	[sflag:s24] =	ssyncset.done $0x0  }
0x13e: {  	[sflag:s24] =	ssyncadd.s32 $0xFFFFC000  }
0x13f: {  	[tilespmem:s20], [sflag:$0x2] =	stream.indirect.gather [hbm4b:s4+s19], $0x80, s6, s19, $0xb8;
	[tilespmem:$0x1D000] =	vst v63  }
0x140: {  	_ =	swait.ge [sflag:s21], $0x4000  }
0x141: {  	[sflag:s21] =	ssyncset.done $0x0  }
0x142: {  	[sflag:s21] =	ssyncadd.s32 $0xFFFFC000  }
0x143: {  	[spmem:s2] =	stream.indirect.scatter.add.f32 [tilespmem:s16], [sflag:$0x3], $0x80, s11, s19, $0xb8;
	[tilespmem:$0x1D000] =	vst v63  }
0x144: {  	_ =	swait.ge [sflag:s22], $0x4000  }
0x145: {  	[sflag:s22] =	ssyncset.done $0x0  }
0x146: {  	[sflag:s22] =	ssyncadd.s32 $0xFFFFC000  }
0x147: {  	[spmem:s2] =	stream.indirect.scatter.add.f32 [tilespmem:s20], [sflag:$0x4], $0x80, s12, s19, $0xb8;
	[tilespmem:$0x1D000] =	vst v63  }
0x148: {  	_ =	swait.ge [sflag:s23], $0x4000  }
0x149: {  	[sflag:s23] =	ssyncset.done $0x0  }
0x14a: {  	[sflag:s23] =	ssyncadd.s32 $0xFFFFC000  }
0x14b: {  	[tilespmem:s16], [sflag:$0x1] =	stream.indirect.gather [hbm4b:s4+s19], $0x80, s13, s19, $0xb8;
	[tilespmem:$0x1D000] =	vst v63  }
0x14c: {  	_ =	swait.ge [sflag:s24], $0x4000  }
0x14d: {  	[sflag:s24] =	ssyncset.done $0x0  }
0x14e: {  	[sflag:s24] =	ssyncadd.s32 $0xFFFFC000  }
0x14f: {  	[tilespmem:s20], [sflag:$0x2] =	stream.indirect.gather [hbm4b:s4+s19], $0x80, s14, s19, $0xb8;
	[tilespmem:$0x1D000] =	vst v63  }
0x150: {  	_ =	swait.ge [sflag:s21], $0x4000  }
0x151: {  	[sflag:s21] =	ssyncset.done $0x0  }
0x152: {  	[sflag:s21] =	ssyncadd.s32 $0xFFFFC000  }
0x153: {  	[spmem:s2] =	stream.indirect.scatter.add.f32 [tilespmem:s16], [sflag:$0x3], $0x80, s15, s19, $0xb8;
	[tilespmem:$0x1D000] =	vst v63  }
0x154: {  	_ =	swait.ge [sflag:s22], $0x4000  }
0x155: {  	[sflag:s22] =	ssyncset.done $0x0  }
0x156: {  	p0 =	sne.s32 s10, $0x400;
	[sflag:s22] =	ssyncadd.s32 $0xFFFFC000  }
0x157: {  	[spmem:s2] =	stream.indirect.scatter.add.f32 [tilespmem:s20], [sflag:$0x4], $0x80, s7, s19, $0xb8;
	[tilespmem:$0x1D000] =	vst v63  }
.Ltmp1:
0x158: {  	_ =	swait.ge [sflag:s23], $0x4000;
	(pc) =	sbr.rel @p0 .LBB2_4-.Ltmp1, $4  }
0x159: {  	[sflag:s23] =	ssyncset.done $0x0  }
0x15a: {  	[sflag:s23] =	ssyncadd.s32 $0xFFFFC000  }
0x15b: {  	_ =	swait.ge [sflag:s24], $0x4000  }
0x15c: {  	s10 =	sadd.s32 $0x100, s10;
	s5 =	rddreg [dreg:$0x4];
	[sflag:s24] =	ssyncset.done $0x0  }
0x15d: {  	[sflag:s24] =	ssyncadd.s32 $0xFFFFC000;
	s5 =	sadd.s32 s9, s5  }
0x15e: {  	[tilespmem:s3], [sflag:$0x5] =	stream.linear.gather [hbm4b:s5+s3], $0x800, $0x38;
	[tilespmem:$0x1D000] =	vst v63  }
0x15f: {  	_ =	swait.ge [sflag:s17], $0x800  }
0x160: {  	s8 =	rddreg [dreg:$0x3];
	[sflag:s17] =	ssyncset.done $0x0  }
0x161: {  	s5 =	sadd.s32 s9, s8;
	[sflag:s17] =	ssyncadd.s32 $0xFFFFF800  }
0x162: {  	[tilespmem:s18], [sflag:$0x5] =	stream.linear.gather [hbm4b:s5+s3], $0x800, $0x38;
	[tilespmem:$0x1D000] =	vst v63  }
0x163: {  	_ =	swait.ge [sflag:s17], $0x800  }
0x164: {  	[sflag:s17] =	ssyncset.done $0x0  }
0x165: {  	[sflag:s17] =	ssyncadd.s32 $0xFFFFF800  }
0x166: {  	[tilespmem:s16], [sflag:$0x1] =	stream.indirect.gather [hbm4b:s4+s19], $0x80, s3, s19, $0xb8;
	[tilespmem:$0x1D000] =	vst v63  }
0x167: {  	_ = 	snop  }
0x168: {  	[tilespmem:s20], [sflag:$0x2] =	stream.indirect.gather [hbm4b:s4+s19], $0x80, s19, s19, $0xb8;
	[tilespmem:$0x1D000] =	vst v63  }
0x169: {  	_ =	swait.ge [sflag:s21], $0x4000  }
0x16a: {  	[sflag:s21] =	ssyncset.done $0x0  }
0x16b: {  	[sflag:s21] =	ssyncadd.s32 $0xFFFFC000  }
0x16c: {  	[spmem:s2] =	stream.indirect.scatter.add.f32 [tilespmem:s16], [sflag:$0x3], $0x80, s18, s19, $0xb8;
	[tilespmem:$0x1D000] =	vst v63  }
0x16d: {  	_ =	swait.ge [sflag:s22], $0x4000  }
0x16e: {  	[sflag:s22] =	ssyncset.done $0x0  }
0x16f: {  	s10 =	rddreg [dreg:$0x5];
	[sflag:s22] =	ssyncadd.s32 $0xFFFFC000  }
0x170: {  	[spmem:s2] =	stream.indirect.scatter.add.f32 [tilespmem:s20], [sflag:$0x4], $0x80, s10, s19, $0xb8;
	[tilespmem:$0x1D000] =	vst v63  }
0x171: {  	_ =	swait.ge [sflag:s23], $0x4000  }
0x172: {  	[sflag:s23] =	ssyncset.done $0x0  }
0x173: {  	s8 =	rddreg [dreg:$0x6];
	[sflag:s23] =	ssyncadd.s32 $0xFFFFC000  }
0x174: {  	[tilespmem:s16], [sflag:$0x1] =	stream.indirect.gather [hbm4b:s4+s19], $0x80, s8, s19, $0xb8;
	[tilespmem:$0x1D000] =	vst v63  }
0x175: {  	_ =	swait.ge [sflag:s24], $0x4000  }
0x176: {  	[sflag:s24] =	ssyncset.done $0x0  }
0x177: {  	s9 =	rddreg [dreg:$0x7];
	[sflag:s24] =	ssyncadd.s32 $0xFFFFC000  }
0x178: {  	[tilespmem:s20], [sflag:$0x2] =	stream.indirect.gather [hbm4b:s4+s19], $0x80, s9, s19, $0xb8;
	[tilespmem:$0x1D000] =	vst v63  }
0x179: {  	_ =	swait.ge [sflag:s21], $0x4000  }
0x17a: {  	[sflag:s21] =	ssyncset.done $0x0  }
0x17b: {  	s10 =	rddreg [dreg:$0x8];
	[sflag:s21] =	ssyncadd.s32 $0xFFFFC000  }
0x17c: {  	[spmem:s2] =	stream.indirect.scatter.add.f32 [tilespmem:s16], [sflag:$0x3], $0x80, s10, s19, $0xb8;
	[tilespmem:$0x1D000] =	vst v63  }
0x17d: {  	_ =	swait.ge [sflag:s22], $0x4000  }
0x17e: {  	[sflag:s22] =	ssyncset.done $0x0  }
0x17f: {  	s8 =	rddreg [dreg:$0x9];
	[sflag:s22] =	ssyncadd.s32 $0xFFFFC000  }
0x180: {  	[spmem:s2] =	stream.indirect.scatter.add.f32 [tilespmem:s20], [sflag:$0x4], $0x80, s8, s19, $0xb8;
	[tilespmem:$0x1D000] =	vst v63  }
0x181: {  	_ =	swait.ge [sflag:s23], $0x4000  }
0x182: {  	[sflag:s23] =	ssyncset.done $0x0  }
0x183: {  	s9 =	rddreg [dreg:$0xa];
	[sflag:s23] =	ssyncadd.s32 $0xFFFFC000  }
0x184: {  	[tilespmem:s16], [sflag:$0x1] =	stream.indirect.gather [hbm4b:s4+s19], $0x80, s9, s19, $0xb8;
	[tilespmem:$0x1D000] =	vst v63  }
0x185: {  	_ =	swait.ge [sflag:s24], $0x4000  }
0x186: {  	[sflag:s24] =	ssyncset.done $0x0  }
0x187: {  	s10 =	rddreg [dreg:$0xb];
	[sflag:s24] =	ssyncadd.s32 $0xFFFFC000  }
0x188: {  	[tilespmem:s20], [sflag:$0x2] =	stream.indirect.gather [hbm4b:s4+s19], $0x80, s10, s19, $0xb8;
	[tilespmem:$0x1D000] =	vst v63  }
0x189: {  	_ =	swait.ge [sflag:s21], $0x4000  }
0x18a: {  	[sflag:s21] =	ssyncset.done $0x0  }
0x18b: {  	s8 =	rddreg [dreg:$0xc];
	[sflag:s21] =	ssyncadd.s32 $0xFFFFC000  }
0x18c: {  	[spmem:s2] =	stream.indirect.scatter.add.f32 [tilespmem:s16], [sflag:$0x3], $0x80, s8, s19, $0xb8;
	[tilespmem:$0x1D000] =	vst v63  }
0x18d: {  	_ =	swait.ge [sflag:s22], $0x4000  }
0x18e: {  	[sflag:s22] =	ssyncset.done $0x0  }
0x18f: {  	s9 =	rddreg [dreg:$0xd];
	[sflag:s22] =	ssyncadd.s32 $0xFFFFC000  }
0x190: {  	[spmem:s2] =	stream.indirect.scatter.add.f32 [tilespmem:s20], [sflag:$0x4], $0x80, s9, s19, $0xb8;
	[tilespmem:$0x1D000] =	vst v63  }
0x191: {  	_ =	swait.ge [sflag:s23], $0x4000  }
0x192: {  	[sflag:s23] =	ssyncset.done $0x0  }
0x193: {  	s10 =	rddreg [dreg:$0xe];
	[sflag:s23] =	ssyncadd.s32 $0xFFFFC000  }
0x194: {  	[tilespmem:s16], [sflag:$0x1] =	stream.indirect.gather [hbm4b:s4+s19], $0x80, s10, s19, $0xb8;
	[tilespmem:$0x1D000] =	vst v63  }
0x195: {  	_ =	swait.ge [sflag:s24], $0x4000  }
0x196: {  	[sflag:s24] =	ssyncset.done $0x0  }
0x197: {  	s8 =	rddreg [dreg:$0xf];
	[sflag:s24] =	ssyncadd.s32 $0xFFFFC000  }
0x198: {  	[tilespmem:s20], [sflag:$0x2] =	stream.indirect.gather [hbm4b:s4+s19], $0x80, s8, s19, $0xb8;
	[tilespmem:$0x1D000] =	vst v63  }
0x199: {  	_ =	swait.ge [sflag:s21], $0x4000  }
0x19a: {  	[sflag:s21] =	ssyncset.done $0x0  }
0x19b: {  	s9 =	rddreg [dreg:$0x10];
	[sflag:s21] =	ssyncadd.s32 $0xFFFFC000  }
0x19c: {  	[spmem:s2] =	stream.indirect.scatter.add.f32 [tilespmem:s16], [sflag:$0x3], $0x80, s9, s19, $0xb8;
	[tilespmem:$0x1D000] =	vst v63  }
0x19d: {  	_ =	swait.ge [sflag:s22], $0x4000  }
0x19e: {  	[sflag:s22] =	ssyncset.done $0x0  }
0x19f: {  	s10 =	rddreg [dreg:$0x11];
	[sflag:s22] =	ssyncadd.s32 $0xFFFFC000  }
0x1a0: {  	[spmem:s2] =	stream.indirect.scatter.add.f32 [tilespmem:s20], [sflag:$0x4], $0x80, s10, s19, $0xb8;
	[tilespmem:$0x1D000] =	vst v63  }
0x1a1: {  	_ =	swait.ge [sflag:s23], $0x4000  }
0x1a2: {  	[sflag:s23] =	ssyncset.done $0x0  }
0x1a3: {  	s8 =	rddreg [dreg:$0x12];
	[sflag:s23] =	ssyncadd.s32 $0xFFFFC000  }
0x1a4: {  	[tilespmem:s16], [sflag:$0x1] =	stream.indirect.gather [hbm4b:s4+s19], $0x80, s8, s19, $0xb8;
	[tilespmem:$0x1D000] =	vst v63  }
0x1a5: {  	_ =	swait.ge [sflag:s24], $0x4000  }
0x1a6: {  	[sflag:s24] =	ssyncset.done $0x0  }
0x1a7: {  	[sflag:s24] =	ssyncadd.s32 $0xFFFFC000  }
0x1a8: {  	[tilespmem:s20], [sflag:$0x2] =	stream.indirect.gather [hbm4b:s4+s19], $0x80, s25, s19, $0xb8;
	[tilespmem:$0x1D000] =	vst v63  }
0x1a9: {  	_ =	swait.ge [sflag:s21], $0x4000  }
0x1aa: {  	[sflag:s21] =	ssyncset.done $0x0  }
0x1ab: {  	[sflag:s21] =	ssyncadd.s32 $0xFFFFC000  }
0x1ac: {  	[spmem:s2] =	stream.indirect.scatter.add.f32 [tilespmem:s16], [sflag:$0x3], $0x80, s26, s19, $0xb8;
	[tilespmem:$0x1D000] =	vst v63  }
0x1ad: {  	_ =	swait.ge [sflag:s22], $0x4000  }
0x1ae: {  	[sflag:s22] =	ssyncset.done $0x0  }
0x1af: {  	[sflag:s22] =	ssyncadd.s32 $0xFFFFC000  }
0x1b0: {  	[spmem:s2] =	stream.indirect.scatter.add.f32 [tilespmem:s20], [sflag:$0x4], $0x80, s28, s19, $0xb8;
	[tilespmem:$0x1D000] =	vst v63  }
0x1b1: {  	_ =	swait.ge [sflag:s23], $0x4000  }
0x1b2: {  	[sflag:s23] =	ssyncset.done $0x0  }
0x1b3: {  	[sflag:s23] =	ssyncadd.s32 $0xFFFFC000  }
0x1b4: {  	[tilespmem:s16], [sflag:$0x1] =	stream.indirect.gather [hbm4b:s4+s19], $0x80, s29, s19, $0xb8;
	[tilespmem:$0x1D000] =	vst v63  }
0x1b5: {  	_ =	swait.ge [sflag:s24], $0x4000  }
0x1b6: {  	[sflag:s24] =	ssyncset.done $0x0  }
0x1b7: {  	[sflag:s24] =	ssyncadd.s32 $0xFFFFC000  }
0x1b8: {  	[tilespmem:s20], [sflag:$0x2] =	stream.indirect.gather [hbm4b:s4+s19], $0x80, s30, s19, $0xb8;
	[tilespmem:$0x1D000] =	vst v63  }
0x1b9: {  	_ =	swait.ge [sflag:s21], $0x4000  }
0x1ba: {  	[sflag:s21] =	ssyncset.done $0x0  }
0x1bb: {  	[sflag:s21] =	ssyncadd.s32 $0xFFFFC000  }
0x1bc: {  	[spmem:s2] =	stream.indirect.scatter.add.f32 [tilespmem:s16], [sflag:$0x3], $0x80, s31, s19, $0xb8;
	[tilespmem:$0x1D000] =	vst v63  }
0x1bd: {  	_ =	swait.ge [sflag:s22], $0x4000  }
0x1be: {  	[sflag:s22] =	ssyncset.done $0x0  }
0x1bf: {  	[sflag:s22] =	ssyncadd.s32 $0xFFFFC000  }
0x1c0: {  	[spmem:s2] =	stream.indirect.scatter.add.f32 [tilespmem:s20], [sflag:$0x4], $0x80, s1, s19, $0xb8;
	[tilespmem:$0x1D000] =	vst v63  }
0x1c1: {  	_ =	swait.ge [sflag:s23], $0x4000  }
0x1c2: {  	[sflag:s23] =	ssyncset.done $0x0  }
0x1c3: {  	[sflag:s23] =	ssyncadd.s32 $0xFFFFC000  }
0x1c4: {  	[tilespmem:s16], [sflag:$0x1] =	stream.indirect.gather [hbm4b:s4+s19], $0x80, s0, s19, $0xb8;
	[tilespmem:$0x1D000] =	vst v63  }
0x1c5: {  	_ =	swait.ge [sflag:s24], $0x4000  }
0x1c6: {  	[sflag:s24] =	ssyncset.done $0x0  }
0x1c7: {  	[sflag:s24] =	ssyncadd.s32 $0xFFFFC000  }
0x1c8: {  	[tilespmem:s20], [sflag:$0x2] =	stream.indirect.gather [hbm4b:s4+s19], $0x80, s6, s19, $0xb8;
	[tilespmem:$0x1D000] =	vst v63  }
0x1c9: {  	_ =	swait.ge [sflag:s21], $0x4000  }
0x1ca: {  	[sflag:s21] =	ssyncset.done $0x0  }
0x1cb: {  	[sflag:s21] =	ssyncadd.s32 $0xFFFFC000  }
0x1cc: {  	[spmem:s2] =	stream.indirect.scatter.add.f32 [tilespmem:s16], [sflag:$0x3], $0x80, s11, s19, $0xb8;
	[tilespmem:$0x1D000] =	vst v63  }
0x1cd: {  	_ =	swait.ge [sflag:s22], $0x4000  }
0x1ce: {  	[sflag:s22] =	ssyncset.done $0x0  }
0x1cf: {  	[sflag:s22] =	ssyncadd.s32 $0xFFFFC000  }
0x1d0: {  	[spmem:s2] =	stream.indirect.scatter.add.f32 [tilespmem:s20], [sflag:$0x4], $0x80, s12, s19, $0xb8;
	[tilespmem:$0x1D000] =	vst v63  }
0x1d1: {  	_ =	swait.ge [sflag:s23], $0x4000  }
0x1d2: {  	[sflag:s23] =	ssyncset.done $0x0  }
0x1d3: {  	[sflag:s23] =	ssyncadd.s32 $0xFFFFC000  }
0x1d4: {  	[tilespmem:s16], [sflag:$0x1] =	stream.indirect.gather [hbm4b:s4+s19], $0x80, s13, s19, $0xb8;
	[tilespmem:$0x1D000] =	vst v63  }
0x1d5: {  	_ =	swait.ge [sflag:s24], $0x4000  }
0x1d6: {  	[sflag:s24] =	ssyncset.done $0x0  }
0x1d7: {  	[sflag:s24] =	ssyncadd.s32 $0xFFFFC000  }
0x1d8: {  	[tilespmem:s20], [sflag:$0x2] =	stream.indirect.gather [hbm4b:s4+s19], $0x80, s14, s19, $0xb8;
	[tilespmem:$0x1D000] =	vst v63  }
0x1d9: {  	_ =	swait.ge [sflag:s21], $0x4000  }
0x1da: {  	[sflag:s21] =	ssyncset.done $0x0  }
0x1db: {  	[sflag:s21] =	ssyncadd.s32 $0xFFFFC000  }
0x1dc: {  	[spmem:s2] =	stream.indirect.scatter.add.f32 [tilespmem:s16], [sflag:$0x3], $0x80, s15, s19, $0xb8;
	[tilespmem:$0x1D000] =	vst v63  }
0x1dd: {  	_ =	swait.ge [sflag:s22], $0x4000  }
0x1de: {  	[sflag:s22] =	ssyncset.done $0x0  }
0x1df: {  	[sflag:s22] =	ssyncadd.s32 $0xFFFFC000  }
0x1e0: {  	[spmem:s2] =	stream.indirect.scatter.add.f32 [tilespmem:s20], [sflag:$0x4], $0x80, s7, s19, $0xb8;
	[tilespmem:$0x1D000] =	vst v63  }
0x1e1: {  	_ =	swait.ge [sflag:s23], $0x4000  }
0x1e2: {  	[sflag:s23] =	ssyncset.done $0x0  }
0x1e3: {  	[sflag:s23] =	ssyncadd.s32 $0xFFFFC000  }
0x1e4: {  	_ =	swait.ge [sflag:s24], $0x4000  }
0x1e5: {  	[sflag:s24] =	ssyncset.done $0x0  }
0x1e6: {  	[sflag:s24] =	ssyncadd.s32 $0xFFFFC000  }
0x1e7: {  	[bflag:$0x0] =	sbarrier.arrive $0xFFFF  }
0x1e8: {  	s5 =	rddreg [dreg:$0x13]  }
0x1e9: {  	[tilespmem:s16], [sflag:$0x5] =	stream.linear.gather [spmem:s5], $0x4000, $0x38;
	[tilespmem:$0x1D000] =	vst v63  }
0x1ea: {  	_ =	swait.ge [sflag:s17], $0x4000  }
0x1eb: {  	[sflag:s17] =	ssyncset.done $0x0  }
0x1ec: {  	s8 =	rddreg [dreg:$0x19];
	[sflag:s17] =	ssyncadd.s32 $0xFFFFC000  }
0x1ed: {  	[hbm4b:s8+s3] =	stream.linear.scatter [tilespmem:s16], [sflag:$0x5], $0x4000, $0x38;
	[tilespmem:$0x1D000] =	vst v63  }
0x1ee: {  	_ =	swait.ge [sflag:s17], $0x4000  }
0x1ef: {  	[sflag:s17] =	ssyncset.done $0x0  }
0x1f0: {  	s9 =	rddreg [dreg:$0x15];
	[sflag:s17] =	ssyncadd.s32 $0xFFFFC000  }
0x1f1: {  	[tilespmem:s16], [sflag:$0x5] =	stream.linear.gather [spmem:s9], $0x4000, $0x38;
	[tilespmem:$0x1D000] =	vst v63  }
0x1f2: {  	_ =	swait.ge [sflag:s17], $0x4000  }
0x1f3: {  	[sflag:s17] =	ssyncset.done $0x0  }
0x1f4: {  	s10 =	rddreg [dreg:$0x1a];
	[sflag:s17] =	ssyncadd.s32 $0xFFFFC000  }
0x1f5: {  	[hbm4b:s10+s3] =	stream.linear.scatter [tilespmem:s16], [sflag:$0x5], $0x4000, $0x38;
	[tilespmem:$0x1D000] =	vst v63  }
0x1f6: {  	_ =	swait.ge [sflag:s17], $0x4000  }
0x1f7: {  	[sflag:s17] =	ssyncset.done $0x0  }
0x1f8: {  	s9 =	rddreg [dreg:$0x16];
	[sflag:s17] =	ssyncadd.s32 $0xFFFFC000  }
0x1f9: {  	[tilespmem:s16], [sflag:$0x5] =	stream.linear.gather [spmem:s9], $0x4000, $0x38;
	[tilespmem:$0x1D000] =	vst v63  }
0x1fa: {  	_ =	swait.ge [sflag:s17], $0x4000  }
0x1fb: {  	[sflag:s17] =	ssyncset.done $0x0  }
0x1fc: {  	s10 =	rddreg [dreg:$0x1b];
	[sflag:s17] =	ssyncadd.s32 $0xFFFFC000  }
0x1fd: {  	[hbm4b:s10+s3] =	stream.linear.scatter [tilespmem:s16], [sflag:$0x5], $0x4000, $0x38;
	[tilespmem:$0x1D000] =	vst v63  }
0x1fe: {  	_ =	swait.ge [sflag:s17], $0x4000  }
0x1ff: {  	[sflag:s17] =	ssyncset.done $0x0  }
0x200: {  	s9 =	rddreg [dreg:$0x17];
	[sflag:s17] =	ssyncadd.s32 $0xFFFFC000  }
0x201: {  	[tilespmem:s16], [sflag:$0x5] =	stream.linear.gather [spmem:s9], $0x4000, $0x38;
	[tilespmem:$0x1D000] =	vst v63  }
0x202: {  	_ =	swait.ge [sflag:s17], $0x4000  }
0x203: {  	[sflag:s17] =	ssyncset.done $0x0  }
0x204: {  	s10 =	rddreg [dreg:$0x1c];
	[sflag:s17] =	ssyncadd.s32 $0xFFFFC000  }
0x205: {  	[hbm4b:s10+s3] =	stream.linear.scatter [tilespmem:s16], [sflag:$0x5], $0x4000, $0x38;
	[tilespmem:$0x1D000] =	vst v63  }
0x206: {  	_ =	swait.ge [sflag:s17], $0x4000  }
0x207: {  	[sflag:s17] =	ssyncset.done $0x0  }
0x208: {  	s9 =	rddreg [dreg:$0x18];
	[sflag:s17] =	ssyncadd.s32 $0xFFFFC000  }
0x209: {  	[tilespmem:s16], [sflag:$0x5] =	stream.linear.gather [spmem:s9], $0x4000, $0x38;
	[tilespmem:$0x1D000] =	vst v63  }
0x20a: {  	_ =	swait.ge [sflag:s17], $0x4000  }
0x20b: {  	[sflag:s17] =	ssyncset.done $0x0  }
0x20c: {  	s10 =	rddreg [dreg:$0x1d];
	[sflag:s17] =	ssyncadd.s32 $0xFFFFC000  }
0x20d: {  	[hbm4b:s10+s3] =	stream.linear.scatter [tilespmem:s16], [sflag:$0x5], $0x4000, $0x38;
	[tilespmem:$0x1D000] =	vst v63  }
0x20e: {  	_ =	swait.ge [sflag:s17], $0x4000  }
0x20f: {  	s8 =	rddreg [dreg:$0x1e]  }
0x210: {  	s10 =	rddreg [dreg:$0x14];
	s9 =	sadd.s32 $0x1, s8  }
0x211: {  	p0 =	sne.s32 s9, s10  }
.Ltmp2:
0x212: {  	_ = 	snop;
	(pc) =	sbr.rel @p0 .LBB2_1-.Ltmp2, $3  }
0x213: {  	_ =	sdelay $0x1  }
0x214: {  	[sflag:s17] =	ssyncset.done $0x0  }
0x215: {  	[sflag:s17] =	ssyncadd.s32 $0xFFFFC000  }
0x216: {  	_ =	sfence.sel $0x180000  }
0x217: {  	[bflag:$0x0] =	sbarrier.arrive $0xFFFF  }
0x218: {  	_ =	strace $0x9000004D  }
0x219: {  	s0 =	stileid.u32;
	[bflag:$0x2] =	sbarrier.arrive $0xFFFF  }
0x21a: {  	p0 =	sne.s32 s0, $0x0;
	s0 =	rddreg [dreg:$0x2]  }
0x21b: {  	s0 =	sadd.s32 @!p0 $0x100000, s0  }
0x21c: {  	[sflag:s0] =	ssyncadd.tile.s32 @!p0 $0x1;
	_ =	shalt  }
.Lfunc_end2:
_tile_overlayer_lowered:
.L_overlay_start_2:
0x21d: {  	(tag) =	ssettag $0x2  }
0x21e: {  	s0 =	rddreg [dreg:$0x0];
	s2 =	stileid.u32  }
0x21f: {  	s1 =	rddreg [dreg:$0x1];
	p0 =	sne.s32 s2, $0x0  }
0x220: {  	s3 =	rddreg [dreg:$0x2];
	[bflag:$0x3] =	sbarrier.arrive $0xFFFF;
	s2 =	simm.s32 @!p0 $0x1C05  }
0x221: {  	[timem:s3], [sflag:s2] =	dma.local @!p0 [hbm:s0], s1  }
0x222: {  	s0 =	simm.s32 @!p0 $0x5  }
0x223: {  	_ =	swait.ge @!p0 [sflag:s0], s1  }
0x224: {  	s1 =	ssub.s32 @!p0 $0x0, s1;
	[sflag:s0] =	ssyncset.done @!p0 $0x0  }
0x225: {  	[sflag:s0] =	ssyncadd.s32 @!p0 s1  }
0x226: {  	[bflag:$0x3] =	sbarrier.arrive $0xFFFF  }
0x227: {  	_ =	shalt  }

// kernel: kernel.9.cloned.1.call-start
scs
__scs_entry_jumppad:
0x0: {  	(pc) =	sbr.rel $0x88, $3  }
0x1: {  	(tag) =	ssettag $0x0;
	lr =	simm.s32 $0x1  }
0x2: {  	[smem:$0x3F8E] =	sst lr;
	_ =	strace $0xD0000000  }
0x3: {  	_ = 	snop  }
0x4: {  	_ = 	snop  }
0x5: {  	_ = 	snop  }
0x6: {  	_ = 	snop  }
0x7: {  	_ = 	snop  }
__scs_overlays_trampoline_lowered:
0x8: {  	[smem:$0x3F9D] =	sst s0  }
0x9: {  	[smem:$0x3F9E] =	sst s1  }
0xa: {  	[smem:$0x3F9F] =	sst s2  }
0xb: {  	[smem:$0x3FA0] =	sst s3  }
0xc: {  	[smem:$0x3FA1] =	sst s4  }
0xd: {  	[smem:$0x3FA2] =	sst s5  }
0xe: {  	[smem:$0x3FA3] =	sst s6  }
0xf: {  	[smem:$0x3FA4] =	sst s7  }
0x10: {  	[smem:$0x3FA5] =	sst s8  }
0x11: {  	[smem:$0x3FA6] =	sst s9;
	s0 =	simm.s32 @!p0 $0x0  }
0x12: {  	s1 =	sld [smem:$0x3F8C];
	s0 =	simm.s32 @p0 $0x1  }
0x13: {  	[smem:$0x3FA7] =	sst s0;
	s0 =	simm.s32 @!p1 $0x0  }
0x14: {  	s2 =	sld [smem:$0x3F8B];
	s0 =	simm.s32 @p1 $0x1  }
0x15: {  	[smem:$0x3FA8] =	sst s0;
	s0 =	simm.s32 @!p2 $0x0  }
0x16: {  	s3 =	sld [smem:$0x3FDB];
	s0 =	simm.s32 @p2 $0x1  }
0x17: {  	s4 =	simm.s32 $0x1BF5;
	[smem:$0x3FAA] =	sst s0  }
0x18: {  	s0 =	sld [smem:$0x3F8D];
	_ =	swait.ge [sflag:s4], $0x0  }
0x19: {  	s7 =	sld [smem:$0x3F8E]  }
0x1a: {  	s8 =	sadd.s32 $0xFFFFE003, lr  }
0x1b: {  	s9 =	sadd.s32 $0xFFFFFEF7, lr;
	s5 =	simm.s32 $0xFFFFFFFF;
	p2 =	slt.u32 s8, $0xFFFFF086  }
0x1c: {  	p1 =	slt.u32 s9, $0xF7A;
	s5 =	simm.s32 @!p2 $0x0  }
0x1d: {  	s5 =	simm.s32 @p1 $0x1;
	p0 =	seq.s32 s7, s2  }
0x1e: {  	s7 =	smul.u32 @!p0 $0xF7A, s2;
	p2 =	seq.s32 @!p0 s5, $0x0  }
0x1f: {  	s9 =	smul.u32 $0xF7A, s1;
	s8 =	simm.s32 @!p0 $0x1BF5;
	p2 =	por !p2, p0  }
0x20: {  	[sflag:s8] =	ssyncset.s32 @!p0 $0xFFFFF086;
	s6 =	sadd.s32 @!p0 s3, s7;
	s7 =	simm.s32 @!p0 $0x108  }
0x21: {  	s3 =	sadd.s32 s3, s9;
	s6 =	sadd.s32 @!p0 $0x88, s6;
	s7 =	simm.s32 @p2 $0x1082  }
0x22: {  	[simem:s7], [sflag:s8] =	dma.local @!p0 [hbm:s6], $0xF7A  }
0x23: {  	s9 =	sor.u32 $0xD0000000, s2;
	s6 =	simm.s32 $0x108;
	_ =	swait.ge @!p0 [sflag:s8], $0x0  }
0x24: {  	s3 =	sadd.s32 $0x88, s3;
	s6 =	simm.s32 @!p1 $0x1082;
	[sflag:s4] =	ssyncset.s32 $0xFFFFF086  }
0x25: {  	[simem:s6], [sflag:s4] =	dma.local [hbm:s3], $0xF7A  }
0x26: {  	[smem:$0x3F8E] =	sst s1;
	(tag) =	ssettag s2;
	_ =	strace s9  }
0x27: {  	s1 =	sld [smem:$0x3F9E]  }
0x28: {  	s2 =	sld [smem:$0x3F9F]  }
0x29: {  	s4 =	sld [smem:$0x3FA1]  }
0x2a: {  	p0 =	seq.s32 s5, $0x0;
	s5 =	sld [smem:$0x3FA2]  }
0x2b: {  	s6 =	sld [smem:$0x3FA3]  }
0x2c: {  	s7 =	sld [smem:$0x3FA4]  }
0x2d: {  	s3 =	simm.s32 $0x108;
	s8 =	sld [smem:$0x3FA5]  }
0x2e: {  	s3 =	simm.s32 @!p0 $0x1082;
	s9 =	sld [smem:$0x3FA6]  }
0x2f: {  	lr =	sadd.s32 s0, s3;
	s0 =	sld [smem:$0x3F9D]  }
0x30: {  	s3 =	sld [smem:$0x3FA0]  }
0x31: {  	[smem:$0x3FA9] =	sst s10  }
0x32: {  	s10 =	sld [smem:$0x3FA7];
	_ =	sdelay $0x3  }
0x33: {  	p0 =	seq.s32 s10, $0x1;
	s10 =	sld [smem:$0x3FA9];
	_ =	sdelay $0x3  }
0x34: {  	[smem:$0x3FA9] =	sst s10  }
0x35: {  	s10 =	sld [smem:$0x3FA8];
	_ =	sdelay $0x3  }
0x36: {  	p1 =	seq.s32 s10, $0x1;
	s10 =	sld [smem:$0x3FA9];
	_ =	sdelay $0x3  }
0x37: {  	[smem:$0x3FA9] =	sst s10  }
0x38: {  	s10 =	sld [smem:$0x3FAA]  }
0x39: {  	_ = 	snop;
	(pc) =	sbr.ind lr, $3  }
0x3a: {  	_ = 	snop  }
0x3b: {  	_ = 	snop  }
0x3c: {  	p2 =	seq.s32 s10, $0x1;
	s10 =	sld [smem:$0x3FA9]  }
0x3d: {  	_ =	shalt  }
0x3e: {  	_ =	shalt  }
0x3f: {  	_ =	shalt  }
0x40: {  	_ =	shalt  }
0x41: {  	_ =	shalt  }
0x42: {  	_ =	shalt  }
0x43: {  	_ =	shalt  }
0x44: {  	_ =	shalt  }
0x45: {  	_ =	shalt  }
0x46: {  	_ =	shalt  }
0x47: {  	_ =	shalt  }
0x48: {  	_ =	shalt  }
0x49: {  	_ =	shalt  }
0x4a: {  	_ =	shalt  }
0x4b: {  	_ =	shalt  }
0x4c: {  	_ =	shalt  }
0x4d: {  	_ =	shalt  }
0x4e: {  	_ =	shalt  }
0x4f: {  	_ =	shalt  }
0x50: {  	_ =	shalt  }
0x51: {  	_ =	shalt  }
0x52: {  	_ =	shalt  }
0x53: {  	_ =	shalt  }
0x54: {  	_ =	shalt  }
0x55: {  	_ =	shalt  }
0x56: {  	_ =	shalt  }
0x57: {  	_ =	shalt  }
0x58: {  	_ =	shalt  }
0x59: {  	_ =	shalt  }
0x5a: {  	_ =	shalt  }
0x5b: {  	_ =	shalt  }
0x5c: {  	_ =	shalt  }
0x5d: {  	_ =	shalt  }
0x5e: {  	_ =	shalt  }
0x5f: {  	_ =	shalt  }
0x60: {  	_ =	shalt  }
0x61: {  	_ =	shalt  }
0x62: {  	_ =	shalt  }
0x63: {  	_ =	shalt  }
0x64: {  	_ =	shalt  }
0x65: {  	_ =	shalt  }
0x66: {  	_ =	shalt  }
0x67: {  	_ =	shalt  }
0x68: {  	_ =	shalt  }
0x69: {  	_ =	shalt  }
0x6a: {  	_ =	shalt  }
0x6b: {  	_ =	shalt  }
0x6c: {  	_ =	shalt  }
0x6d: {  	_ =	shalt  }
0x6e: {  	_ =	shalt  }
0x6f: {  	_ =	shalt  }
0x70: {  	_ =	shalt  }
0x71: {  	_ =	shalt  }
0x72: {  	_ =	shalt  }
0x73: {  	_ =	shalt  }
0x74: {  	_ =	shalt  }
0x75: {  	_ =	shalt  }
0x76: {  	_ =	shalt  }
0x77: {  	_ =	shalt  }
0x78: {  	_ =	shalt  }
0x79: {  	_ =	shalt  }
0x7a: {  	_ =	shalt  }
0x7b: {  	_ =	shalt  }
0x7c: {  	_ =	shalt  }
0x7d: {  	_ =	shalt  }
0x7e: {  	_ =	shalt  }
0x7f: {  	_ =	shalt  }
0x80: {  	_ =	shalt  }
0x81: {  	_ =	shalt  }
0x82: {  	_ =	shalt  }
0x83: {  	_ =	shalt  }
0x84: {  	_ =	shalt  }
0x85: {  	_ =	shalt  }
0x86: {  	_ =	shalt  }
0x87: {  	_ =	shalt  }
.Lfunc_end0:
.L_simem_size_0:
called_computation_lowered:
.L_overlay_start_0:
0x88: {  	s2 =	sld [smem:$0x3FD9]  }
0x89: {  	s3 =	sld [smem:$0x3FFE];
	_ =	sdelay $0x1  }
0x8a: {  	s1 =	srdreg.scid  }
0x8b: {  	s0 =	sand.u32 $0x1, s1  }
0x8c: {  	s16 =	sshll.u32 s0, $0xA;
	s2 =	sadd.s32 s3, s2  }
0x8d: {  	s2 =	sadd.s32 s2, s16  }
0x8e: {  	[smem:$0x3FB5] =	sst s2  }
0x8f: {  	_ = 	snop  }
0x90: {  	(tm) =	ssettm $0x1  }
0x91: {  	s17 =	sld [smem:$0x3FFB];
	_ =	sdelay $0x3  }
0x92: {  	_ =	strace s17  }
0x93: {  	s2 =	sld [smem:$0x3FFC];
	_ =	sdelay $0x3  }
0x94: {  	_ =	strace s2  }
0x95: {  	s2 =	sld [smem:$0x3FFD];
	_ =	sdelay $0x3  }
0x96: {  	_ =	strace s2  }
0x97: {  	_ =	strace $0x8FFFFFFF  }
0x98: {  	s18 =	sld [smem:$0x3FDB];
	_ =	sdelay $0x1  }
0x99: {  	s19 =	simm.s32 $_scs_section_size  }
0x9a: {  	s4 =	simm.s32 $_size__tile_overlayer_lowered;
	s5 =	simm.s32 $_tile_overlayer_lowered  }
0x9b: {  	s22 =	simm.s32 $0x1BFF;
	s21 =	sshll.u32 s5, $0x1;
	s2 =	sadd.s32 s19, s18  }
0x9c: {  	s6 =	simm.s32 $0x0;
	s20 =	sshll.u32 s4, $0x1;
	s4 =	sadd.s32 s21, s2  }
0x9d: {  	[timem:s6], [sflag:s22] =	dma.local [hbm:s4], s20  }
0x9e: {  	_ =	swait.ge [sflag:s22], s20  }
0x9f: {  	s3 =	ssub.s32 $0x0, s20;
	[sflag:s22] =	ssyncset.done $0x0  }
0xa0: {  	[sflag:s22] =	ssyncadd.s32 s3;
	_ =	sdelay $0x1  }
0xa1: {  	s23 =	simm.s32 $0x1B8B  }
0xa2: {  	_ =	swait.ge [sflag:s23], $0x1  }
0xa3: {  	[sflag:s23] =	ssyncset.done $0x0  }
0xa4: {  	s25 =	simm.s32 $0x1B8E;
	s24 =	sld [smem:$0x3FFE];
	[sflag:s23] =	ssyncadd.s32 $0xFFFFFFFF  }
0xa5: {  	s26 =	simm.s32 $execute0_lowered;
	[smem:$0x3FD2] =	sst s25  }
0xa6: {  	s4 =	sshll.u32 s26, $0x1;
	_ =	strace $0x80000046;
	[dreg:$0x1] =	wrdreg $0xFFFFFFFF  }
0xa7: {  	s28 =	simm.s32 $_size_execute0_lowered;
	s2 =	sadd.s32 s2, s4;
	[dreg:$0x0] =	wrdreg $0x0  }
0xa8: {  	s4 =	sshll.u32 s28, $0x1;
	[dreg:$0x2] =	wrdreg s2  }
0xa9: {  	[dreg:$0x3] =	wrdreg s4  }
0xaa: {  	[dreg:$0x4] =	wrdreg $0xC0  }
0xab: {  	_ =	task [dreg:s6], $0x5FFFF  }
0xac: {  	[dreg:$0x1] =	wrdreg $0xFFFFFFFF  }
0xad: {  	[dreg:$0x0] =	wrdreg $0x60  }
0xae: {  	[dreg:$0x2] =	wrdreg s24  }
0xaf: {  	[dreg:$0x3] =	wrdreg $0x2B000  }
0xb0: {  	[dreg:$0x4] =	wrdreg $0x9  }
0xb1: {  	_ =	task.clear_ibuf [dreg:s6], $0x5FFFF;
	_ =	strace $0x90000046  }
0xb2: {  	s29 =	simm.s32 $0x9;
	_ =	strace $0x80000048  }
0xb3: {  	_ =	swait.ge [sflag:s29], $0x1  }
0xb4: {  	[sflag:s29] =	ssyncadd.s32 $0xFFFFFFFF  }
0xb5: {  	_ =	strace $0x90000048  }
0xb6: {  	_ =	sfence  }
0xb7: {  	s30 =	sld [smem:$0x0];
	_ =	sdelay $0x2  }
0xb8: {  	s31 =	sshll.u32 s1, $0xD;
	s1 =	sshrl.u32 s1, $0x2  }
0xb9: {  	s3 =	sand.u32 $0x4000, s31;
	s1 =	sadd.s32 s1, s30  }
0xba: {  	s0 =	sor.u32 s3, s0;
	s1 =	sshll.u32 s1, $0x11  }
0xbb: {  	s0 =	sor.u32 s1, s0  }
0xbc: {  	s0 =	sadd.s32 $0x8F2B, s0  }
0xbd: {  	[sflag:s0] =	ssyncadd.remote.s32 $0x1  }
0xbe: {  	_ =	sfence.sel $0xFFFF  }
0xbf: {  	[dreg:$0x0] =	wrdreg $0xFFFFFFFF;
	(pc) =	sbr.abs _section_cstart, $3  }
0xc0: {  	[dreg:$0x1] =	wrdreg $0xFFFFFFFF  }
0xc1: {  	_ =	task.clear_ibuf [dreg:s6], $0x2FFFF;
	_ =	strace $0x9FFFFFFF  }
0xc2: {  	(tm) =	ssettm $0x7FFFFFFF  }
0xc3: {  	_ =	shalt  }
tec
execute0_lowered:
.L_overlay_start_1:
0x0: {  	(tag) =	ssettag $0x1  }
0x1: {  	s4 =	rddreg [dreg:$0x0]  }
0x2: {  	s2 =	rddreg [dreg:$0x1];
	s3 =	srdreg.scid  }
0x3: {  	s1 =	stileid.u32;
	s0 =	rddreg [dreg:$0x2];
	s10 =	simm.s32 $0x80  }
0x4: {  	s11 =	simm.s32 $0x1;
	s12 =	simm.s32 $0x2;
	s13 =	simm.s32 $0x3  }
0x5: {  	s14 =	simm.s32 $0x4;
	s5 =	sand.u32 $0x1, s3;
	s6 =	smul.u32 $0x280, s1  }
0x6: {  	s3 =	simm.s32 $0x0;
	s7 =	sshll.u32 s5, $0x4;
	s8 =	smul.u32 $0x2800, s5  }
0x7: {  	s15 =	simm.s32 $0x0;
	[smem:$0x7FF] =	sst s3;
	s7 =	sor.u32 s1, s7  }
0x8: {  	s5 =	ssub.s32 $0x2, s5;
	s7 =	smul.u32 $0x500, s7;
	s8 =	sadd.s32 s6, s8  }
0x9: {  	_ =	strace $0x80000047;
	s9 =	sshrl.u32 s5, $0x1;
	s8 =	sshrl.u32 s8, $0x3  }
0xa: {  	s9 =	ssub.s32 s5, s9;
	s7 =	sadd.s32 s7, s4;
	s8 =	sadd.s32 s8, s4  }
0xb: {  	s4 =	sadd.s32 s6, s2;
	s5 =	sadd.s32 $0x4800, s7;
	s6 =	sadd.s32 $0x18800, s8  }
0xc: {  	v0 =	vimm.f32 $1.000000000e+00;
	v1 =	vimm.f32 $0.0e+00;
	s7 =	smax.u32 s9, $0x1;
	s8 =	simm.s32 $0x2880;
	s9 =	simm.s32 $0x5  }
.LBB2_1:
0xd: {  	[tilespmem:$0x0] =	vst v0  }
0xe: {  	[tilespmem:$0x10] =	vst v0  }
0xf: {  	[tilespmem:$0x20] =	vst v0  }
0x10: {  	[tilespmem:$0x30] =	vst v0  }
0x11: {  	[tilespmem:$0x40] =	vst v0  }
0x12: {  	[tilespmem:$0x50] =	vst v0  }
0x13: {  	[tilespmem:$0x60] =	vst v0  }
0x14: {  	[tilespmem:$0x70] =	vst v0  }
0x15: {  	[tilespmem:$0x2880] =	vst v1  }
0x16: {  	[tilespmem:$0x2890] =	vst v1  }
0x17: {  	[tilespmem:$0x28A0] =	vst v1  }
0x18: {  	[tilespmem:$0x28B0] =	vst v1  }
0x19: {  	[tilespmem:$0x28C0] =	vst v1  }
0x1a: {  	[tilespmem:$0x28D0] =	vst v1  }
0x1b: {  	[tilespmem:$0x28E0] =	vst v1  }
0x1c: {  	[tilespmem:$0x28F0] =	vst v1  }
0x1d: {  	[tilespmem:$0x2900] =	vst v1  }
0x1e: {  	[tilespmem:$0x2910] =	vst v1  }
0x1f: {  	[tilespmem:$0x2920] =	vst v1  }
0x20: {  	[tilespmem:$0x2930] =	vst v1  }
0x21: {  	[tilespmem:$0x2940] =	vst v1  }
0x22: {  	[tilespmem:$0x2950] =	vst v1  }
0x23: {  	[tilespmem:$0x2960] =	vst v1  }
0x24: {  	[tilespmem:$0x2970] =	vst v1  }
0x25: {  	[tilespmem:$0x2980] =	vst v1  }
0x26: {  	[tilespmem:$0x2990] =	vst v1  }
0x27: {  	[tilespmem:$0x29A0] =	vst v1  }
0x28: {  	[tilespmem:$0x29B0] =	vst v1  }
0x29: {  	[tilespmem:$0x29C0] =	vst v1  }
0x2a: {  	[tilespmem:$0x29D0] =	vst v1  }
0x2b: {  	[tilespmem:$0x29E0] =	vst v1  }
0x2c: {  	[tilespmem:$0x29F0] =	vst v1  }
0x2d: {  	[tilespmem:$0x2A00] =	vst v1  }
0x2e: {  	[tilespmem:$0x2A10] =	vst v1  }
0x2f: {  	[tilespmem:$0x2A20] =	vst v1  }
0x30: {  	[tilespmem:$0x2A30] =	vst v1  }
0x31: {  	[tilespmem:$0x2A40] =	vst v1  }
0x32: {  	[tilespmem:$0x2A50] =	vst v1  }
0x33: {  	[tilespmem:$0x2A60] =	vst v1  }
0x34: {  	[tilespmem:$0x2A70] =	vst v1  }
0x35: {  	[tilespmem:$0x2A80] =	vst v1  }
0x36: {  	[tilespmem:$0x2A90] =	vst v1  }
0x37: {  	[tilespmem:$0x2AA0] =	vst v1  }
0x38: {  	[tilespmem:$0x2AB0] =	vst v1  }
0x39: {  	[tilespmem:$0x2AC0] =	vst v1  }
0x3a: {  	[tilespmem:$0x2AD0] =	vst v1  }
0x3b: {  	[tilespmem:$0x2AE0] =	vst v1  }
0x3c: {  	[tilespmem:$0x2AF0] =	vst v1  }
0x3d: {  	[spmem:s4] =	stream.linear.scatter [tilespmem:s8], [sflag:$0x5], $0x280, $0x38;
	[tilespmem:$0x2D80] =	vst v63  }
0x3e: {  	_ =	swait.ge [sflag:s9], $0x280  }
0x3f: {  	[sflag:s9] =	ssyncset.done $0x0  }
0x40: {  	[sflag:s9] =	ssyncadd.s32 $0xFFFFFD80  }
0x41: {  	[tilespmem:s10], [sflag:$0x5] =	stream.linear.gather [hbm4b:s5+s3], $0x2800, $0x38;
	[tilespmem:$0x2D80] =	vst v63  }
0x42: {  	_ =	swait.ge [sflag:s9], $0x2800  }
0x43: {  	[sflag:s9] =	ssyncset.done $0x0  }
0x44: {  	[sflag:s9] =	ssyncadd.s32 $0xFFFFD800  }
0x45: {  	s16 =	simm.s32 $0x80;
	[bflag:$0x0] =	sbarrier.arrive $0xFFFF  }
0x46: {  	[spmem:s2] =	stream.indirect.scatter.add.f32 [tilespmem:s3], [sflag:$0x1], $0x1, s16, s10, $0xb8;
	[tilespmem:$0x2D80] =	vst v63  }
0x47: {  	s29 =	simm.s32 $0x100  }
0x48: {  	[spmem:s2] =	stream.indirect.scatter.add.f32 [tilespmem:s3], [sflag:$0x2], $0x1, s29, s10, $0xb8;
	[tilespmem:$0x2D80] =	vst v63  }
0x49: {  	s30 =	simm.s32 $0x180  }
0x4a: {  	[spmem:s2] =	stream.indirect.scatter.add.f32 [tilespmem:s3], [sflag:$0x3], $0x1, s30, s10, $0xb8;
	[tilespmem:$0x2D80] =	vst v63  }
0x4b: {  	s31 =	simm.s32 $0x200  }
0x4c: {  	[spmem:s2] =	stream.indirect.scatter.add.f32 [tilespmem:s3], [sflag:$0x4], $0x1, s31, s10, $0xb8;
	[tilespmem:$0x2D80] =	vst v63  }
0x4d: {  	_ =	swait.ge [sflag:s11], $0x80  }
0x4e: {  	[sflag:s11] =	ssyncset.done $0x0  }
0x4f: {  	[sflag:s11] =	ssyncadd.s32 $0xFFFFFF80  }
0x50: {  	_ =	swait.ge [sflag:s12], $0x80  }
0x51: {  	[sflag:s12] =	ssyncset.done $0x0  }
0x52: {  	[sflag:s12] =	ssyncadd.s32 $0xFFFFFF80  }
0x53: {  	_ =	swait.ge [sflag:s13], $0x80  }
0x54: {  	[sflag:s13] =	ssyncset.done $0x0  }
0x55: {  	[sflag:s13] =	ssyncadd.s32 $0xFFFFFF80  }
0x56: {  	_ =	swait.ge [sflag:s14], $0x80  }
0x57: {  	s17 =	simm.s32 $0x1000;
	s16 =	simm.s32 $0x200;
	[sflag:s14] =	ssyncset.done $0x0  }
.LBB2_2:
0x58: {  	s18 =	sadd.s32 $0x80, s16  }
0x59: {  	[sflag:s14] =	ssyncadd.s32 $0xFFFFFF80;
	s19 =	smov.u32 s17;
	s20 =	sadd.s32 $0x800, s17  }
0x5a: {  	[spmem:s2] =	stream.indirect.scatter.add.f32 [tilespmem:s3], [sflag:$0x1], $0x1, s18, s10, $0xb8;
	[tilespmem:$0x2D80] =	vst v63  }
0x5b: {  	p0 =	sne.s32 s17, $0x9800;
	s17 =	sadd.s32 $0x100, s16  }
0x5c: {  	[spmem:s2] =	stream.indirect.scatter.add.f32 [tilespmem:s3], [sflag:$0x2], $0x1, s17, s10, $0xb8;
	[tilespmem:$0x2D80] =	vst v63  }
0x5d: {  	s17 =	sadd.s32 $0x180, s16  }
0x5e: {  	[spmem:s2] =	stream.indirect.scatter.add.f32 [tilespmem:s3], [sflag:$0x3], $0x1, s17, s10, $0xb8;
	[tilespmem:$0x2D80] =	vst v63  }
0x5f: {  	s16 =	sadd.s32 $0x200, s16  }
0x60: {  	[spmem:s2] =	stream.indirect.scatter.add.f32 [tilespmem:s3], [sflag:$0x4], $0x1, s16, s10, $0xb8;
	[tilespmem:$0x2D80] =	vst v63  }
0x61: {  	_ =	swait.ge [sflag:s11], $0x80  }
0x62: {  	[sflag:s11] =	ssyncset.done $0x0  }
0x63: {  	[sflag:s11] =	ssyncadd.s32 $0xFFFFFF80  }
0x64: {  	_ =	swait.ge [sflag:s12], $0x80  }
0x65: {  	[sflag:s12] =	ssyncset.done $0x0  }
0x66: {  	[sflag:s12] =	ssyncadd.s32 $0xFFFFFF80  }
.Ltmp0:
0x67: {  	_ =	swait.ge [sflag:s13], $0x80;
	(pc) =	sbr.rel @p0 .LBB2_2-.Ltmp0, $4  }
0x68: {  	[sflag:s13] =	ssyncset.done $0x0  }
0x69: {  	[sflag:s13] =	ssyncadd.s32 $0xFFFFFF80  }
0x6a: {  	_ =	swait.ge [sflag:s14], $0x80  }
0x6b: {  	s17 =	smov.u32 s20;
	s16 =	sshra.s32 s19, $0x2;
	[sflag:s14] =	ssyncset.done $0x0  }
0x6c: {  	s17 =	sadd.s32 $0x80, s16;
	[sflag:s14] =	ssyncadd.s32 $0xFFFFFF80  }
0x6d: {  	[spmem:s2] =	stream.indirect.scatter.add.f32 [tilespmem:s3], [sflag:$0x1], $0x1, s17, s10, $0xb8;
	[tilespmem:$0x2D80] =	vst v63  }
0x6e: {  	s29 =	sadd.s32 $0x100, s16  }
0x6f: {  	[spmem:s2] =	stream.indirect.scatter.add.f32 [tilespmem:s3], [sflag:$0x2], $0x1, s29, s10, $0xb8;
	[tilespmem:$0x2D80] =	vst v63  }
0x70: {  	s30 =	sadd.s32 $0x180, s16  }
0x71: {  	[spmem:s2] =	stream.indirect.scatter.add.f32 [tilespmem:s3], [sflag:$0x3], $0x1, s30, s10, $0xb8;
	[tilespmem:$0x2D80] =	vst v63  }
0x72: {  	s31 =	sadd.s32 $0x200, s16  }
0x73: {  	[spmem:s2] =	stream.indirect.scatter.add.f32 [tilespmem:s3], [sflag:$0x4], $0x1, s31, s10, $0xb8;
	[tilespmem:$0x2D80] =	vst v63  }
0x74: {  	_ =	swait.ge [sflag:s11], $0x80  }
0x75: {  	[sflag:s11] =	ssyncset.done $0x0  }
0x76: {  	[sflag:s11] =	ssyncadd.s32 $0xFFFFFF80  }
0x77: {  	_ =	swait.ge [sflag:s12], $0x80  }
0x78: {  	[sflag:s12] =	ssyncset.done $0x0  }
0x79: {  	[sflag:s12] =	ssyncadd.s32 $0xFFFFFF80  }
0x7a: {  	_ =	swait.ge [sflag:s13], $0x80  }
0x7b: {  	[sflag:s13] =	ssyncset.done $0x0  }
0x7c: {  	[sflag:s13] =	ssyncadd.s32 $0xFFFFFF80  }
0x7d: {  	_ =	swait.ge [sflag:s14], $0x80  }
0x7e: {  	[sflag:s14] =	ssyncset.done $0x0  }
0x7f: {  	[sflag:s14] =	ssyncadd.s32 $0xFFFFFF80  }
0x80: {  	[bflag:$0x0] =	sbarrier.arrive $0xFFFF  }
0x81: {  	[tilespmem:s8], [sflag:$0x5] =	stream.linear.gather [spmem:s4], $0x280, $0x38;
	[tilespmem:$0x2D80] =	vst v63  }
0x82: {  	s15 =	sadd.s32 $0x1, s15;
	_ =	swait.ge [sflag:s9], $0x280  }
0x83: {  	p0 =	sne.s32 s15, s7;
	[sflag:s9] =	ssyncset.done $0x0  }
.Ltmp1:
0x84: {  	[sflag:s9] =	ssyncadd.s32 $0xFFFFFD80;
	(pc) =	sbr.rel @p0 .LBB2_1-.Ltmp1, $4  }
0x85: {  	[hbm4b:s6+s3] =	stream.linear.scatter [tilespmem:s8], [sflag:$0x5], $0x280, $0x38;
	[tilespmem:$0x2D80] =	vst v63  }
0x86: {  	_ =	swait.ge [sflag:s9], $0x280  }
0x87: {  	[sflag:s9] =	ssyncset.done $0x0  }
0x88: {  	[sflag:s9] =	ssyncadd.s32 $0xFFFFFD80  }
0x89: {  	_ =	sfence.sel $0x180000  }
0x8a: {  	[bflag:$0x0] =	sbarrier.arrive $0xFFFF  }
0x8b: {  	p0 =	sne.s32 s1, $0x0;
	_ =	strace $0x90000047  }
0x8c: {  	s0 =	sadd.s32 @!p0 $0x100000, s0;
	[bflag:$0x2] =	sbarrier.arrive $0xFFFF  }
0x8d: {  	[sflag:s0] =	ssyncadd.tile.s32 @!p0 $0x1;
	_ =	shalt  }
.Lfunc_end2:
_tile_overlayer_lowered:
.L_overlay_start_2:
0x8e: {  	(tag) =	ssettag $0x2  }
0x8f: {  	s0 =	rddreg [dreg:$0x0];
	s2 =	stileid.u32  }
0x90: {  	s1 =	rddreg [dreg:$0x1];
	p0 =	sne.s32 s2, $0x0  }
0x91: {  	s3 =	rddreg [dreg:$0x2];
	[bflag:$0x3] =	sbarrier.arrive $0xFFFF;
	s2 =	simm.s32 @!p0 $0x1C05  }
0x92: {  	[timem:s3], [sflag:s2] =	dma.local @!p0 [hbm:s0], s1  }
0x93: {  	s0 =	simm.s32 @!p0 $0x5  }
0x94: {  	_ =	swait.ge @!p0 [sflag:s0], s1  }
0x95: {  	s1 =	ssub.s32 @!p0 $0x0, s1;
	[sflag:s0] =	ssyncset.done @!p0 $0x0  }
0x96: {  	[sflag:s0] =	ssyncadd.s32 @!p0 s1  }
0x97: {  	[bflag:$0x3] =	sbarrier.arrive $0xFFFF  }
0x98: {  	_ =	shalt  }

</sc_bundles>
